<compile_context>
chip_gen: v7x
topology: tpu7x:2x2x1
jax: 0.10.2.dev20260603
libtpu: 0.0.44.dev20260713+nightly
codegen_flags: <defaults>
</compile_context>

<pallas_src>
import functools

import jax
import jax.numpy as jnp
from jax import lax
from jax.experimental import pallas as pl
from jax.experimental.pallas import tpu as pltpu
from jax.experimental.pallas import tpu_sc as plsc

N_CORES = 2
N_SUBCORES = 16
LANES = 16
N_WORKERS = N_CORES * N_SUBCORES

BATCH = 16384
FACTORS = 64
B_PER_W = BATCH // N_WORKERS
CHUNK = 64
PASSES = B_PER_W // CHUNK
GROUPS_PER_PASS = CHUNK // LANES

_MESH = plsc.VectorSubcoreMesh(
    core_axis_name="c", subcore_axis_name="s",
    num_cores=N_CORES, num_subcores=N_SUBCORES,
)


def _worker_base():
    wid = lax.axis_index("s") * N_CORES + lax.axis_index("c")
    return pl.multiple_of(wid * B_PER_W, B_PER_W)


@functools.partial(
    pl.kernel,
    out_type=(
        jax.ShapeDtypeStruct((BATCH,), jnp.float32),
        jax.ShapeDtypeStruct((BATCH,), jnp.float32),
    ),
    mesh=_MESH,
    compiler_params=pltpu.CompilerParams(
        needs_layout_passes=False, use_tc_tiling_on_sc=False),
    scratch_types=[
        pltpu.VMEM((B_PER_W,), jnp.int32),
        pltpu.VMEM((B_PER_W,), jnp.int32),
        pltpu.VMEM((B_PER_W,), jnp.float32),
        pltpu.VMEM((B_PER_W,), jnp.float32),
        pltpu.SemaphoreType.DMA,
    ],
)
def _bias_kernel(users_hbm, items_hbm, ubias_hbm, ibias_hbm, ub_out, ib_out,
                 uidx_v, iidx_v, ub_v, ib_v, sem):
    base = _worker_base()
    pltpu.sync_copy(users_hbm.at[pl.ds(base, B_PER_W)], uidx_v)
    pltpu.sync_copy(items_hbm.at[pl.ds(base, B_PER_W)], iidx_v)
    c1 = pltpu.async_copy(ubias_hbm.at[uidx_v], ub_v, sem)
    c2 = pltpu.async_copy(ibias_hbm.at[iidx_v], ib_v, sem)
    c1.wait()
    c2.wait()
    pltpu.sync_copy(ub_v, ub_out.at[pl.ds(base, B_PER_W)])
    pltpu.sync_copy(ib_v, ib_out.at[pl.ds(base, B_PER_W)])


@functools.partial(
    pl.kernel,
    out_type=jax.ShapeDtypeStruct((BATCH,), jnp.float32),
    mesh=_MESH,
    compiler_params=pltpu.CompilerParams(
        needs_layout_passes=False, use_tc_tiling_on_sc=True),
    scratch_types=[
        pltpu.VMEM((B_PER_W,), jnp.int32),
        pltpu.VMEM((B_PER_W,), jnp.int32),
        pltpu.VMEM((CHUNK, 128), jnp.float32),
        pltpu.VMEM((CHUNK, 128), jnp.float32),
        pltpu.VMEM((B_PER_W,), jnp.float32),
        pltpu.VMEM((B_PER_W,), jnp.float32),
        pltpu.VMEM((B_PER_W,), jnp.float32),
        pltpu.SemaphoreType.DMA,
    ],
)
def _dot_kernel(users_hbm, items_hbm, fused_hbm, ubg_hbm, ibg_hbm,
                out_hbm, u_v, i_v, ubuf_v, ibuf_v, ub_v, ib_v, out_v, sem):
    base = _worker_base()
    pltpu.sync_copy(users_hbm.at[pl.ds(base, B_PER_W)], u_v)
    pltpu.sync_copy(items_hbm.at[pl.ds(base, B_PER_W)], i_v)
    pltpu.sync_copy(ubg_hbm.at[pl.ds(base, B_PER_W)], ub_v)
    pltpu.sync_copy(ibg_hbm.at[pl.ds(base, B_PER_W)], ib_v)

    for h in range(PASSES):
        c1 = pltpu.async_copy(
            fused_hbm.at[u_v.at[pl.ds(h * CHUNK, CHUNK)]], ubuf_v, sem)
        c2 = pltpu.async_copy(
            fused_hbm.at[i_v.at[pl.ds(h * CHUNK, CHUNK)]], ibuf_v, sem)
        c1.wait()
        c2.wait()

        def group_body(g, _, h=h):
            abs_idx = h * CHUNK + g * LANES + lax.iota(jnp.int32, LANES)
            jloc = g * LANES + lax.iota(jnp.int32, LANES)
            acc = (plsc.load_gather(ub_v, [abs_idx]) +
                   plsc.load_gather(ib_v, [abs_idx]))

            def f_body(f8, acc):
                for k in range(8):
                    fcol = jnp.broadcast_to(f8 * 8 + k, (LANES,))
                    acc = acc + (
                        plsc.load_gather(ubuf_v, [jloc, fcol]) *
                        plsc.load_gather(ibuf_v, [jloc, fcol + FACTORS]))
                return acc

            acc = lax.fori_loop(0, FACTORS // 8, f_body, acc)
            plsc.store_scatter(out_v, [abs_idx], acc)
            return _

        lax.fori_loop(0, GROUPS_PER_PASS, group_body, 0)

    pltpu.sync_copy(out_v, out_hbm.at[pl.ds(base, B_PER_W)])


def kernel(users, items, user_embeddings, item_embeddings, user_biases,
           item_biases):
    users = users.astype(jnp.int32)
    items = items.astype(jnp.int32)
    ubg, ibg = _bias_kernel(
        users, items, user_biases.reshape(-1), item_biases.reshape(-1))
    fused = jnp.concatenate([user_embeddings, item_embeddings], axis=1)
    return _dot_kernel(users, items, fused, ubg, ibg)

# --- scband reference (transcript-rebuilt; emitter-appended) ---
"""Pipeline reference for scband-mfmodule-28475633172953 (READ-ONLY COPY).

The authoritative reference and input builder live on the scoring server;
editing this copy changes nothing except your own understanding.
"""

import jax, jax.numpy as jnp
import numpy as np

N_USERS = 1000000
N_ITEMS = 1000000
N_FACTORS = 64
BATCH = 16384


def setup_inputs(seed: int = 0) -> dict:
    key = jax.random.key(seed)
    k1, k2, k3, k4, k5, k6 = jax.random.split(key, 6)
    users = jax.random.randint(k1, (BATCH,), 0, N_USERS, dtype=jnp.int64) if jax.config.jax_enable_x64 else jax.random.randint(k1, (BATCH,), 0, N_USERS, dtype=jnp.int32)
    items = jax.random.randint(k2, (BATCH,), 0, N_ITEMS, dtype=jnp.int32)
    user_embeddings = jax.random.normal(k3, (N_USERS, N_FACTORS), dtype=jnp.float32)
    item_embeddings = jax.random.normal(k4, (N_ITEMS, N_FACTORS), dtype=jnp.float32)
    user_biases = jax.random.normal(k5, (N_USERS, 1), dtype=jnp.float32)
    item_biases = jax.random.normal(k6, (N_ITEMS, 1), dtype=jnp.float32)
    return {
        "users": users,
        "items": items,
        "user_embeddings": user_embeddings,
        "item_embeddings": item_embeddings,
        "user_biases": user_biases,
        "item_biases": item_biases,
    }


def reference(users, items, user_embeddings, item_embeddings, user_biases, item_biases):
    # Gather embeddings (SparseCore-friendly gathers)
    ues = jnp.take(user_embeddings, users, axis=0)  # [B, F]
    uis = jnp.take(item_embeddings, items, axis=0)  # [B, F]
    preds = jnp.take(user_biases, users, axis=0)    # [B, 1]
    preds = preds + jnp.take(item_biases, items, axis=0)
    # dropout_p = 0 -> dropout is identity (eval-equivalent)
    preds = preds + jnp.sum(ues * uis, axis=1, keepdims=True)
    return jnp.squeeze(preds)

if __name__ == "__main__":
    import jax
    _d = setup_inputs()
    print(jax.jit(kernel)(*tuple(_d.values())))

</pallas_src>

<mosaic_0001>
#map = affine_map<(d0, d1) -> (0)>
module attributes {stable_mosaic.version = 14 : i64} {
  func.func @_bias_kernel(%arg0: i32, %arg1: i32, %arg2: memref<16384xi32, #tpu.memory_space<hbm>>, %arg3: memref<16384xi32, #tpu.memory_space<hbm>>, %arg4: memref<1000000xf32, #tpu.memory_space<hbm>>, %arg5: memref<1000000xf32, #tpu.memory_space<hbm>>, %arg6: memref<16384xf32, #tpu.memory_space<hbm>>, %arg7: memref<16384xf32, #tpu.memory_space<hbm>>, %arg8: memref<512xi32, #tpu.memory_space<vmem>>, %arg9: memref<512xi32, #tpu.memory_space<vmem>>, %arg10: memref<512xf32, #tpu.memory_space<vmem>>, %arg11: memref<512xf32, #tpu.memory_space<vmem>>, %arg12: memref<!tpu.dma_semaphore, #tpu.memory_space<semaphore_mem>>) attributes {dimension_semantics = [#tpu.dimension_semantics<core_parallel>, #tpu.dimension_semantics<subcore_parallel>], iteration_bounds = array<i64: 2, 16>, scalar_prefetch = 0 : i64, scratch_operands = 5 : i64, tpu.core_type = #tpu.core_type<sc_vector_subcore>, window_params = [{transform_indices = #map}, {transform_indices = #map}, {transform_indices = #map}, {transform_indices = #map}, {transform_indices = #map}, {transform_indices = #map}]} {
    %mul3A = arith.constant 2 : i32
    %mul3A_0 = arith.muli %arg1, %mul3A : i32
    %add3A = arith.addi %mul3A_0, %arg0 : i32
    %mul3A_1 = arith.constant 512 : i32
    %mul3A_2 = arith.muli %add3A, %mul3A_1 : i32
    %multiple_of3A = tpu.assume_multiple %mul3A_2, 512 : i32
    "tpu.region"() ({
      %run_scoped3A = tpu.sem_alloc : memref<!tpu.dma_semaphore, #tpu.memory_space<semaphore_mem>>
      %dma_start3A_9 = tpu.memref_slice %arg2[%multiple_of3A] : memref<16384xi32, #tpu.memory_space<hbm>> -> memref<512xi32, #tpu.memory_space<hbm>>
      %dma_start3A_10 = tpu.memref_slice %arg2[%multiple_of3A] : memref<16384xi32, #tpu.memory_space<hbm>> -> memref<512xi32, #tpu.memory_space<hbm>>
      tpu.enqueue_dma source(%dma_start3A_10 : memref<512xi32, #tpu.memory_space<hbm>>) target(%arg8 : memref<512xi32, #tpu.memory_space<vmem>>) target_semaphore(%run_scoped3A : memref<!tpu.dma_semaphore, #tpu.memory_space<semaphore_mem>>)
      %dma_wait3A_11 = tpu.memref_slice %arg2[%multiple_of3A] : memref<16384xi32, #tpu.memory_space<hbm>> -> memref<512xi32, #tpu.memory_space<hbm>>
      %dma_wait3A_12 = tpu.memref_slice %arg2[%multiple_of3A] : memref<16384xi32, #tpu.memory_space<hbm>> -> memref<512xi32, #tpu.memory_space<hbm>>
      tpu.wait_dma2 semaphore(%run_scoped3A : memref<!tpu.dma_semaphore, #tpu.memory_space<semaphore_mem>>) src(%dma_wait3A_12 : memref<512xi32, #tpu.memory_space<hbm>>) dst(%arg8 : memref<512xi32, #tpu.memory_space<vmem>>)
      tpu.yield
    }) : () -> ()
    "tpu.region"() ({
      %run_scoped3A = tpu.sem_alloc : memref<!tpu.dma_semaphore, #tpu.memory_space<semaphore_mem>>
      %dma_start3A_9 = tpu.memref_slice %arg3[%multiple_of3A] : memref<16384xi32, #tpu.memory_space<hbm>> -> memref<512xi32, #tpu.memory_space<hbm>>
      %dma_start3A_10 = tpu.memref_slice %arg3[%multiple_of3A] : memref<16384xi32, #tpu.memory_space<hbm>> -> memref<512xi32, #tpu.memory_space<hbm>>
      tpu.enqueue_dma source(%dma_start3A_10 : memref<512xi32, #tpu.memory_space<hbm>>) target(%arg9 : memref<512xi32, #tpu.memory_space<vmem>>) target_semaphore(%run_scoped3A : memref<!tpu.dma_semaphore, #tpu.memory_space<semaphore_mem>>)
      %dma_wait3A_11 = tpu.memref_slice %arg3[%multiple_of3A] : memref<16384xi32, #tpu.memory_space<hbm>> -> memref<512xi32, #tpu.memory_space<hbm>>
      %dma_wait3A_12 = tpu.memref_slice %arg3[%multiple_of3A] : memref<16384xi32, #tpu.memory_space<hbm>> -> memref<512xi32, #tpu.memory_space<hbm>>
      tpu.wait_dma2 semaphore(%run_scoped3A : memref<!tpu.dma_semaphore, #tpu.memory_space<semaphore_mem>>) src(%dma_wait3A_12 : memref<512xi32, #tpu.memory_space<hbm>>) dst(%arg9 : memref<512xi32, #tpu.memory_space<vmem>>)
      tpu.yield
    }) : () -> ()
    %dma_start3A = arith.constant 0 : i32
    %dma_start3A_3 = tpu.memref_slice %arg4[%dma_start3A] : memref<1000000xf32, #tpu.memory_space<hbm>> -> memref<1000000xf32, #tpu.memory_space<hbm>>
    tpu.enqueue_indirect_dma source(%dma_start3A_3 : memref<1000000xf32, #tpu.memory_space<hbm>>) target(%arg10 : memref<512xf32, #tpu.memory_space<vmem>>) offsets(%arg8 : memref<512xi32, #tpu.memory_space<vmem>>) semaphore(%arg12 : memref<!tpu.dma_semaphore, #tpu.memory_space<semaphore_mem>>)
    %dma_start3A_4 = arith.constant 0 : i32
    %dma_start3A_5 = tpu.memref_slice %arg5[%dma_start3A_4] : memref<1000000xf32, #tpu.memory_space<hbm>> -> memref<1000000xf32, #tpu.memory_space<hbm>>
    tpu.enqueue_indirect_dma source(%dma_start3A_5 : memref<1000000xf32, #tpu.memory_space<hbm>>) target(%arg11 : memref<512xf32, #tpu.memory_space<vmem>>) offsets(%arg9 : memref<512xi32, #tpu.memory_space<vmem>>) semaphore(%arg12 : memref<!tpu.dma_semaphore, #tpu.memory_space<semaphore_mem>>)
    %dma_wait3A = arith.constant 0 : i32
    %dma_wait3A_6 = tpu.memref_slice %arg4[%dma_wait3A] : memref<1000000xf32, #tpu.memory_space<hbm>> -> memref<1000000xf32, #tpu.memory_space<hbm>>
    tpu.wait_indirect_dma semaphore(%arg12 : memref<!tpu.dma_semaphore, #tpu.memory_space<semaphore_mem>>) src(%dma_wait3A_6 : memref<1000000xf32, #tpu.memory_space<hbm>>) dst(%arg10 : memref<512xf32, #tpu.memory_space<vmem>>)
    %dma_wait3A_7 = arith.constant 0 : i32
    %dma_wait3A_8 = tpu.memref_slice %arg5[%dma_wait3A_7] : memref<1000000xf32, #tpu.memory_space<hbm>> -> memref<1000000xf32, #tpu.memory_space<hbm>>
    tpu.wait_indirect_dma semaphore(%arg12 : memref<!tpu.dma_semaphore, #tpu.memory_space<semaphore_mem>>) src(%dma_wait3A_8 : memref<1000000xf32, #tpu.memory_space<hbm>>) dst(%arg11 : memref<512xf32, #tpu.memory_space<vmem>>)
    "tpu.region"() ({
      %run_scoped3A = tpu.sem_alloc : memref<!tpu.dma_semaphore, #tpu.memory_space<semaphore_mem>>
      %dma_start3A_9 = tpu.memref_slice %arg6[%multiple_of3A] : memref<16384xf32, #tpu.memory_space<hbm>> -> memref<512xf32, #tpu.memory_space<hbm>>
      %dma_start3A_10 = tpu.memref_slice %arg6[%multiple_of3A] : memref<16384xf32, #tpu.memory_space<hbm>> -> memref<512xf32, #tpu.memory_space<hbm>>
      tpu.enqueue_dma source(%arg10 : memref<512xf32, #tpu.memory_space<vmem>>) target(%dma_start3A_10 : memref<512xf32, #tpu.memory_space<hbm>>) target_semaphore(%run_scoped3A : memref<!tpu.dma_semaphore, #tpu.memory_space<semaphore_mem>>)
      %dma_wait3A_11 = tpu.memref_slice %arg6[%multiple_of3A] : memref<16384xf32, #tpu.memory_space<hbm>> -> memref<512xf32, #tpu.memory_space<hbm>>
      %dma_wait3A_12 = tpu.memref_slice %arg6[%multiple_of3A] : memref<16384xf32, #tpu.memory_space<hbm>> -> memref<512xf32, #tpu.memory_space<hbm>>
      tpu.wait_dma2 semaphore(%run_scoped3A : memref<!tpu.dma_semaphore, #tpu.memory_space<semaphore_mem>>) src(%arg10 : memref<512xf32, #tpu.memory_space<vmem>>) dst(%dma_wait3A_12 : memref<512xf32, #tpu.memory_space<hbm>>)
      tpu.yield
    }) : () -> ()
    "tpu.region"() ({
      %run_scoped3A = tpu.sem_alloc : memref<!tpu.dma_semaphore, #tpu.memory_space<semaphore_mem>>
      %dma_start3A_9 = tpu.memref_slice %arg7[%multiple_of3A] : memref<16384xf32, #tpu.memory_space<hbm>> -> memref<512xf32, #tpu.memory_space<hbm>>
      %dma_start3A_10 = tpu.memref_slice %arg7[%multiple_of3A] : memref<16384xf32, #tpu.memory_space<hbm>> -> memref<512xf32, #tpu.memory_space<hbm>>
      tpu.enqueue_dma source(%arg11 : memref<512xf32, #tpu.memory_space<vmem>>) target(%dma_start3A_10 : memref<512xf32, #tpu.memory_space<hbm>>) target_semaphore(%run_scoped3A : memref<!tpu.dma_semaphore, #tpu.memory_space<semaphore_mem>>)
      %dma_wait3A_11 = tpu.memref_slice %arg7[%multiple_of3A] : memref<16384xf32, #tpu.memory_space<hbm>> -> memref<512xf32, #tpu.memory_space<hbm>>
      %dma_wait3A_12 = tpu.memref_slice %arg7[%multiple_of3A] : memref<16384xf32, #tpu.memory_space<hbm>> -> memref<512xf32, #tpu.memory_space<hbm>>
      tpu.wait_dma2 semaphore(%run_scoped3A : memref<!tpu.dma_semaphore, #tpu.memory_space<semaphore_mem>>) src(%arg11 : memref<512xf32, #tpu.memory_space<vmem>>) dst(%dma_wait3A_12 : memref<512xf32, #tpu.memory_space<hbm>>)
      tpu.yield
    }) : () -> ()
    return
  }
}

#map = affine_map<(d0, d1) -> (0)>
#map1 = affine_map<(d0, d1) -> (0, 0)>
module attributes {stable_mosaic.version = 14 : i64} {
  func.func @_dot_kernel(%arg0: i32, %arg1: i32, %arg2: memref<16384xi32, #tpu.memory_space<hbm>>, %arg3: memref<16384xi32, #tpu.memory_space<hbm>>, %arg4: memref<1000000x128xf32, #tpu.memory_space<hbm>>, %arg5: memref<16384xf32, #tpu.memory_space<hbm>>, %arg6: memref<16384xf32, #tpu.memory_space<hbm>>, %arg7: memref<16384xf32, #tpu.memory_space<hbm>>, %arg8: memref<512xi32, #tpu.memory_space<vmem>>, %arg9: memref<512xi32, #tpu.memory_space<vmem>>, %arg10: memref<64x128xf32, #tpu.memory_space<vmem>>, %arg11: memref<64x128xf32, #tpu.memory_space<vmem>>, %arg12: memref<512xf32, #tpu.memory_space<vmem>>, %arg13: memref<512xf32, #tpu.memory_space<vmem>>, %arg14: memref<512xf32, #tpu.memory_space<vmem>>, %arg15: memref<!tpu.dma_semaphore, #tpu.memory_space<semaphore_mem>>) attributes {dimension_semantics = [#tpu.dimension_semantics<core_parallel>, #tpu.dimension_semantics<subcore_parallel>], iteration_bounds = array<i64: 2, 16>, scalar_prefetch = 0 : i64, scratch_operands = 8 : i64, tpu.core_type = #tpu.core_type<sc_vector_subcore>, window_params = [{transform_indices = #map}, {transform_indices = #map}, {transform_indices = #map1}, {transform_indices = #map}, {transform_indices = #map}, {transform_indices = #map}]} {
    %mul3A = arith.constant 2 : i32
    %mul3A_0 = arith.muli %arg1, %mul3A : i32
    %add3A = arith.addi %mul3A_0, %arg0 : i32
    %mul3A_1 = arith.constant 512 : i32
    %mul3A_2 = arith.muli %add3A, %mul3A_1 : i32
    %multiple_of3A = tpu.assume_multiple %mul3A_2, 512 : i32
    "tpu.region"() ({
      %run_scoped3A = tpu.sem_alloc : memref<!tpu.dma_semaphore, #tpu.memory_space<semaphore_mem>>
      %dma_start3A_208 = tpu.memref_slice %arg2[%multiple_of3A] : memref<16384xi32, #tpu.memory_space<hbm>> -> memref<512xi32, #tpu.memory_space<hbm>>
      %dma_start3A_209 = tpu.memref_slice %arg2[%multiple_of3A] : memref<16384xi32, #tpu.memory_space<hbm>> -> memref<512xi32, #tpu.memory_space<hbm>>
      tpu.enqueue_dma source(%dma_start3A_209 : memref<512xi32, #tpu.memory_space<hbm>>) target(%arg8 : memref<512xi32, #tpu.memory_space<vmem>>) target_semaphore(%run_scoped3A : memref<!tpu.dma_semaphore, #tpu.memory_space<semaphore_mem>>)
      %dma_wait3A_210 = tpu.memref_slice %arg2[%multiple_of3A] : memref<16384xi32, #tpu.memory_space<hbm>> -> memref<512xi32, #tpu.memory_space<hbm>>
      %dma_wait3A_211 = tpu.memref_slice %arg2[%multiple_of3A] : memref<16384xi32, #tpu.memory_space<hbm>> -> memref<512xi32, #tpu.memory_space<hbm>>
      tpu.wait_dma2 semaphore(%run_scoped3A : memref<!tpu.dma_semaphore, #tpu.memory_space<semaphore_mem>>) src(%dma_wait3A_211 : memref<512xi32, #tpu.memory_space<hbm>>) dst(%arg8 : memref<512xi32, #tpu.memory_space<vmem>>)
      tpu.yield
    }) : () -> ()
    "tpu.region"() ({
      %run_scoped3A = tpu.sem_alloc : memref<!tpu.dma_semaphore, #tpu.memory_space<semaphore_mem>>
      %dma_start3A_208 = tpu.memref_slice %arg3[%multiple_of3A] : memref<16384xi32, #tpu.memory_space<hbm>> -> memref<512xi32, #tpu.memory_space<hbm>>
      %dma_start3A_209 = tpu.memref_slice %arg3[%multiple_of3A] : memref<16384xi32, #tpu.memory_space<hbm>> -> memref<512xi32, #tpu.memory_space<hbm>>
      tpu.enqueue_dma source(%dma_start3A_209 : memref<512xi32, #tpu.memory_space<hbm>>) target(%arg9 : memref<512xi32, #tpu.memory_space<vmem>>) target_semaphore(%run_scoped3A : memref<!tpu.dma_semaphore, #tpu.memory_space<semaphore_mem>>)
      %dma_wait3A_210 = tpu.memref_slice %arg3[%multiple_of3A] : memref<16384xi32, #tpu.memory_space<hbm>> -> memref<512xi32, #tpu.memory_space<hbm>>
      %dma_wait3A_211 = tpu.memref_slice %arg3[%multiple_of3A] : memref<16384xi32, #tpu.memory_space<hbm>> -> memref<512xi32, #tpu.memory_space<hbm>>
      tpu.wait_dma2 semaphore(%run_scoped3A : memref<!tpu.dma_semaphore, #tpu.memory_space<semaphore_mem>>) src(%dma_wait3A_211 : memref<512xi32, #tpu.memory_space<hbm>>) dst(%arg9 : memref<512xi32, #tpu.memory_space<vmem>>)
      tpu.yield
    }) : () -> ()
    "tpu.region"() ({
      %run_scoped3A = tpu.sem_alloc : memref<!tpu.dma_semaphore, #tpu.memory_space<semaphore_mem>>
      %dma_start3A_208 = tpu.memref_slice %arg5[%multiple_of3A] : memref<16384xf32, #tpu.memory_space<hbm>> -> memref<512xf32, #tpu.memory_space<hbm>>
      %dma_start3A_209 = tpu.memref_slice %arg5[%multiple_of3A] : memref<16384xf32, #tpu.memory_space<hbm>> -> memref<512xf32, #tpu.memory_space<hbm>>
      tpu.enqueue_dma source(%dma_start3A_209 : memref<512xf32, #tpu.memory_space<hbm>>) target(%arg12 : memref<512xf32, #tpu.memory_space<vmem>>) target_semaphore(%run_scoped3A : memref<!tpu.dma_semaphore, #tpu.memory_space<semaphore_mem>>)
      %dma_wait3A_210 = tpu.memref_slice %arg5[%multiple_of3A] : memref<16384xf32, #tpu.memory_space<hbm>> -> memref<512xf32, #tpu.memory_space<hbm>>
      %dma_wait3A_211 = tpu.memref_slice %arg5[%multiple_of3A] : memref<16384xf32, #tpu.memory_space<hbm>> -> memref<512xf32, #tpu.memory_space<hbm>>
      tpu.wait_dma2 semaphore(%run_scoped3A : memref<!tpu.dma_semaphore, #tpu.memory_space<semaphore_mem>>) src(%dma_wait3A_211 : memref<512xf32, #tpu.memory_space<hbm>>) dst(%arg12 : memref<512xf32, #tpu.memory_space<vmem>>)
      tpu.yield
    }) : () -> ()
    "tpu.region"() ({
      %run_scoped3A = tpu.sem_alloc : memref<!tpu.dma_semaphore, #tpu.memory_space<semaphore_mem>>
      %dma_start3A_208 = tpu.memref_slice %arg6[%multiple_of3A] : memref<16384xf32, #tpu.memory_space<hbm>> -> memref<512xf32, #tpu.memory_space<hbm>>
      %dma_start3A_209 = tpu.memref_slice %arg6[%multiple_of3A] : memref<16384xf32, #tpu.memory_space<hbm>> -> memref<512xf32, #tpu.memory_space<hbm>>
      tpu.enqueue_dma source(%dma_start3A_209 : memref<512xf32, #tpu.memory_space<hbm>>) target(%arg13 : memref<512xf32, #tpu.memory_space<vmem>>) target_semaphore(%run_scoped3A : memref<!tpu.dma_semaphore, #tpu.memory_space<semaphore_mem>>)
      %dma_wait3A_210 = tpu.memref_slice %arg6[%multiple_of3A] : memref<16384xf32, #tpu.memory_space<hbm>> -> memref<512xf32, #tpu.memory_space<hbm>>
      %dma_wait3A_211 = tpu.memref_slice %arg6[%multiple_of3A] : memref<16384xf32, #tpu.memory_space<hbm>> -> memref<512xf32, #tpu.memory_space<hbm>>
      tpu.wait_dma2 semaphore(%run_scoped3A : memref<!tpu.dma_semaphore, #tpu.memory_space<semaphore_mem>>) src(%dma_wait3A_211 : memref<512xf32, #tpu.memory_space<hbm>>) dst(%arg13 : memref<512xf32, #tpu.memory_space<vmem>>)
      tpu.yield
    }) : () -> ()
    %dma_start3A = arith.constant 0 : i32
    %dma_start3A_3 = tpu.memref_slice %arg8[%dma_start3A] : memref<512xi32, #tpu.memory_space<vmem>> -> memref<64xi32, #tpu.memory_space<vmem>>
    %dma_start3A_4 = arith.constant 0 : i32
    %dma_start3A_5 = arith.constant 0 : i32
    %dma_start3A_6 = tpu.memref_slice %arg4[%dma_start3A_4, %dma_start3A_5] : memref<1000000x128xf32, #tpu.memory_space<hbm>> -> memref<1000000x128xf32, #tpu.memory_space<hbm>>
    tpu.enqueue_indirect_dma source(%dma_start3A_6 : memref<1000000x128xf32, #tpu.memory_space<hbm>>) target(%arg10 : memref<64x128xf32, #tpu.memory_space<vmem>>) offsets(%dma_start3A_3 : memref<64xi32, #tpu.memory_space<vmem>>) semaphore(%arg15 : memref<!tpu.dma_semaphore, #tpu.memory_space<semaphore_mem>>)
    %dma_start3A_7 = arith.constant 0 : i32
    %dma_start3A_8 = tpu.memref_slice %arg9[%dma_start3A_7] : memref<512xi32, #tpu.memory_space<vmem>> -> memref<64xi32, #tpu.memory_space<vmem>>
    %dma_start3A_9 = arith.constant 0 : i32
    %dma_start3A_10 = arith.constant 0 : i32
    %dma_start3A_11 = tpu.memref_slice %arg4[%dma_start3A_9, %dma_start3A_10] : memref<1000000x128xf32, #tpu.memory_space<hbm>> -> memref<1000000x128xf32, #tpu.memory_space<hbm>>
    tpu.enqueue_indirect_dma source(%dma_start3A_11 : memref<1000000x128xf32, #tpu.memory_space<hbm>>) target(%arg11 : memref<64x128xf32, #tpu.memory_space<vmem>>) offsets(%dma_start3A_8 : memref<64xi32, #tpu.memory_space<vmem>>) semaphore(%arg15 : memref<!tpu.dma_semaphore, #tpu.memory_space<semaphore_mem>>)
    %dma_wait3A = arith.constant 0 : i32
    %dma_wait3A_12 = tpu.memref_slice %arg8[%dma_wait3A] : memref<512xi32, #tpu.memory_space<vmem>> -> memref<64xi32, #tpu.memory_space<vmem>>
    %dma_wait3A_13 = arith.constant 0 : i32
    %dma_wait3A_14 = arith.constant 0 : i32
    %dma_wait3A_15 = tpu.memref_slice %arg4[%dma_wait3A_13, %dma_wait3A_14] : memref<1000000x128xf32, #tpu.memory_space<hbm>> -> memref<1000000x128xf32, #tpu.memory_space<hbm>>
    tpu.wait_indirect_dma semaphore(%arg15 : memref<!tpu.dma_semaphore, #tpu.memory_space<semaphore_mem>>) src(%dma_wait3A_15 : memref<1000000x128xf32, #tpu.memory_space<hbm>>) dst(%arg10 : memref<64x128xf32, #tpu.memory_space<vmem>>)
    %dma_wait3A_16 = arith.constant 0 : i32
    %dma_wait3A_17 = tpu.memref_slice %arg9[%dma_wait3A_16] : memref<512xi32, #tpu.memory_space<vmem>> -> memref<64xi32, #tpu.memory_space<vmem>>
    %dma_wait3A_18 = arith.constant 0 : i32
    %dma_wait3A_19 = arith.constant 0 : i32
    %dma_wait3A_20 = tpu.memref_slice %arg4[%dma_wait3A_18, %dma_wait3A_19] : memref<1000000x128xf32, #tpu.memory_space<hbm>> -> memref<1000000x128xf32, #tpu.memory_space<hbm>>
    tpu.wait_indirect_dma semaphore(%arg15 : memref<!tpu.dma_semaphore, #tpu.memory_space<semaphore_mem>>) src(%dma_wait3A_20 : memref<1000000x128xf32, #tpu.memory_space<hbm>>) dst(%arg11 : memref<64x128xf32, #tpu.memory_space<vmem>>)
    %scan3A = arith.constant 0 : i32
    %scan3A_21 = arith.constant 0 : i32
    %scan3A_22 = arith.constant 4 : i32
    %scan3A_23 = arith.addi %scan3A_21, %scan3A_22 : i32
    %scan3A_24 = arith.constant 1 : i32
    scf.for %scan3A_208 = %scan3A_21 to %scan3A_23 step %scan3A_24  : i32 {
      %mul3A_209 = arith.constant 16 : i32
      %mul3A_210 = arith.muli %scan3A_208, %mul3A_209 : i32
      %add3A_211 = arith.constant 0 : i32
      %add3A_212 = arith.addi %add3A_211, %mul3A_210 : i32
      %iota3A = tpu.iota {dimensions = array<i32: 0>} : vector<16xi32>
      %add3A_213 = vector.broadcast %add3A_212 : i32 to vector<16xi32>
      %add3A_214 = arith.addi %add3A_213, %iota3A : vector<16xi32>
      %mul3A_215 = arith.constant 16 : i32
      %mul3A_216 = arith.muli %scan3A_208, %mul3A_215 : i32
      %iota3A_217 = tpu.iota {dimensions = array<i32: 0>} : vector<16xi32>
      %add3A_218 = vector.broadcast %mul3A_216 : i32 to vector<16xi32>
      %add3A_219 = arith.addi %add3A_218, %iota3A_217 : vector<16xi32>
      %gather3A = tpu.vector_load_idx %arg12[%add3A_214] : memref<512xf32, #tpu.memory_space<vmem>>[vector<16xi32>], vector<16xf32>,
      %gather3A_220 = tpu.vector_load_idx %arg13[%add3A_214] : memref<512xf32, #tpu.memory_space<vmem>>[vector<16xi32>], vector<16xf32>,
      %add3A_221 = arith.addf %gather3A, %gather3A_220 : vector<16xf32>
      %scan3A_222 = arith.constant 0 : i32
      %scan3A_223 = arith.constant 8 : i32
      %scan3A_224 = arith.addi %scan3A_222, %scan3A_223 : i32
      %scan3A_225 = arith.constant 1 : i32
      %scan3A_226 = scf.for %scan3A_228 = %scan3A_222 to %scan3A_224 step %scan3A_225 iter_args(%scan3A_229 = %add3A_221) -> (vector<16xf32>)  : i32 {
        %mul3A_230 = arith.constant 8 : i32
        %mul3A_231 = arith.muli %scan3A_228, %mul3A_230 : i32
        %add3A_232 = arith.constant 0 : i32
        %add3A_233 = arith.addi %mul3A_231, %add3A_232 : i32
        %broadcast_in_dim3A = vector.broadcast %add3A_233 : i32 to vector<16xi32>
        %gather3A_234 = tpu.vector_load_idx %arg10[%add3A_219, %broadcast_in_dim3A] : memref<64x128xf32, #tpu.memory_space<vmem>>[vector<16xi32>, vector<16xi32>], vector<16xf32>,
        %add3A_235 = arith.constant 64 : i32
        %add3A_236 = vector.broadcast %add3A_235 : i32 to vector<16xi32>
        %add3A_237 = arith.addi %broadcast_in_dim3A, %add3A_236 : vector<16xi32>
        %gather3A_238 = tpu.vector_load_idx %arg11[%add3A_219, %add3A_237] : memref<64x128xf32, #tpu.memory_space<vmem>>[vector<16xi32>, vector<16xi32>], vector<16xf32>,
        %mul3A_239 = arith.mulf %gather3A_234, %gather3A_238 : vector<16xf32>
        %add3A_240 = arith.addf %scan3A_229, %mul3A_239 : vector<16xf32>
        %mul3A_241 = arith.constant 8 : i32
        %mul3A_242 = arith.muli %scan3A_228, %mul3A_241 : i32
        %add3A_243 = arith.constant 1 : i32
        %add3A_244 = arith.addi %mul3A_242, %add3A_243 : i32
        %broadcast_in_dim3A_245 = vector.broadcast %add3A_244 : i32 to vector<16xi32>
        %gather3A_246 = tpu.vector_load_idx %arg10[%add3A_219, %broadcast_in_dim3A_245] : memref<64x128xf32, #tpu.memory_space<vmem>>[vector<16xi32>, vector<16xi32>], vector<16xf32>,
        %add3A_247 = arith.constant 64 : i32
        %add3A_248 = vector.broadcast %add3A_247 : i32 to vector<16xi32>
        %add3A_249 = arith.addi %broadcast_in_dim3A_245, %add3A_248 : vector<16xi32>
        %gather3A_250 = tpu.vector_load_idx %arg11[%add3A_219, %add3A_249] : memref<64x128xf32, #tpu.memory_space<vmem>>[vector<16xi32>, vector<16xi32>], vector<16xf32>,
        %mul3A_251 = arith.mulf %gather3A_246, %gather3A_250 : vector<16xf32>
        %add3A_252 = arith.addf %add3A_240, %mul3A_251 : vector<16xf32>
        %mul3A_253 = arith.constant 8 : i32
        %mul3A_254 = arith.muli %scan3A_228, %mul3A_253 : i32
        %add3A_255 = arith.constant 2 : i32
        %add3A_256 = arith.addi %mul3A_254, %add3A_255 : i32
        %broadcast_in_dim3A_257 = vector.broadcast %add3A_256 : i32 to vector<16xi32>
        %gather3A_258 = tpu.vector_load_idx %arg10[%add3A_219, %broadcast_in_dim3A_257] : memref<64x128xf32, #tpu.memory_space<vmem>>[vector<16xi32>, vector<16xi32>], vector<16xf32>,
        %add3A_259 = arith.constant 64 : i32
        %add3A_260 = vector.broadcast %add3A_259 : i32 to vector<16xi32>
        %add3A_261 = arith.addi %broadcast_in_dim3A_257, %add3A_260 : vector<16xi32>
        %gather3A_262 = tpu.vector_load_idx %arg11[%add3A_219, %add3A_261] : memref<64x128xf32, #tpu.memory_space<vmem>>[vector<16xi32>, vector<16xi32>], vector<16xf32>,
        %mul3A_263 = arith.mulf %gather3A_258, %gather3A_262 : vector<16xf32>
        %add3A_264 = arith.addf %add3A_252, %mul3A_263 : vector<16xf32>
        %mul3A_265 = arith.constant 8 : i32
        %mul3A_266 = arith.muli %scan3A_228, %mul3A_265 : i32
        %add3A_267 = arith.constant 3 : i32
        %add3A_268 = arith.addi %mul3A_266, %add3A_267 : i32
        %broadcast_in_dim3A_269 = vector.broadcast %add3A_268 : i32 to vector<16xi32>
        %gather3A_270 = tpu.vector_load_idx %arg10[%add3A_219, %broadcast_in_dim3A_269] : memref<64x128xf32, #tpu.memory_space<vmem>>[vector<16xi32>, vector<16xi32>], vector<16xf32>,
        %add3A_271 = arith.constant 64 : i32
        %add3A_272 = vector.broadcast %add3A_271 : i32 to vector<16xi32>
        %add3A_273 = arith.addi %broadcast_in_dim3A_269, %add3A_272 : vector<16xi32>
        %gather3A_274 = tpu.vector_load_idx %arg11[%add3A_219, %add3A_273] : memref<64x128xf32, #tpu.memory_space<vmem>>[vector<16xi32>, vector<16xi32>], vector<16xf32>,
        %mul3A_275 = arith.mulf %gather3A_270, %gather3A_274 : vector<16xf32>
        %add3A_276 = arith.addf %add3A_264, %mul3A_275 : vector<16xf32>
        %mul3A_277 = arith.constant 8 : i32
        %mul3A_278 = arith.muli %scan3A_228, %mul3A_277 : i32
        %add3A_279 = arith.constant 4 : i32
        %add3A_280 = arith.addi %mul3A_278, %add3A_279 : i32
        %broadcast_in_dim3A_281 = vector.broadcast %add3A_280 : i32 to vector<16xi32>
        %gather3A_282 = tpu.vector_load_idx %arg10[%add3A_219, %broadcast_in_dim3A_281] : memref<64x128xf32, #tpu.memory_space<vmem>>[vector<16xi32>, vector<16xi32>], vector<16xf32>,
        %add3A_283 = arith.constant 64 : i32
        %add3A_284 = vector.broadcast %add3A_283 : i32 to vector<16xi32>
        %add3A_285 = arith.addi %broadcast_in_dim3A_281, %add3A_284 : vector<16xi32>
        %gather3A_286 = tpu.vector_load_idx %arg11[%add3A_219, %add3A_285] : memref<64x128xf32, #tpu.memory_space<vmem>>[vector<16xi32>, vector<16xi32>], vector<16xf32>,
        %mul3A_287 = arith.mulf %gather3A_282, %gather3A_286 : vector<16xf32>
        %add3A_288 = arith.addf %add3A_276, %mul3A_287 : vector<16xf32>
        %mul3A_289 = arith.constant 8 : i32
        %mul3A_290 = arith.muli %scan3A_228, %mul3A_289 : i32
        %add3A_291 = arith.constant 5 : i32
        %add3A_292 = arith.addi %mul3A_290, %add3A_291 : i32
        %broadcast_in_dim3A_293 = vector.broadcast %add3A_292 : i32 to vector<16xi32>
        %gather3A_294 = tpu.vector_load_idx %arg10[%add3A_219, %broadcast_in_dim3A_293] : memref<64x128xf32, #tpu.memory_space<vmem>>[vector<16xi32>, vector<16xi32>], vector<16xf32>,
        %add3A_295 = arith.constant 64 : i32
        %add3A_296 = vector.broadcast %add3A_295 : i32 to vector<16xi32>
        %add3A_297 = arith.addi %broadcast_in_dim3A_293, %add3A_296 : vector<16xi32>
        %gather3A_298 = tpu.vector_load_idx %arg11[%add3A_219, %add3A_297] : memref<64x128xf32, #tpu.memory_space<vmem>>[vector<16xi32>, vector<16xi32>], vector<16xf32>,
        %mul3A_299 = arith.mulf %gather3A_294, %gather3A_298 : vector<16xf32>
        %add3A_300 = arith.addf %add3A_288, %mul3A_299 : vector<16xf32>
        %mul3A_301 = arith.constant 8 : i32
        %mul3A_302 = arith.muli %scan3A_228, %mul3A_301 : i32
        %add3A_303 = arith.constant 6 : i32
        %add3A_304 = arith.addi %mul3A_302, %add3A_303 : i32
        %broadcast_in_dim3A_305 = vector.broadcast %add3A_304 : i32 to vector<16xi32>
        %gather3A_306 = tpu.vector_load_idx %arg10[%add3A_219, %broadcast_in_dim3A_305] : memref<64x128xf32, #tpu.memory_space<vmem>>[vector<16xi32>, vector<16xi32>], vector<16xf32>,
        %add3A_307 = arith.constant 64 : i32
        %add3A_308 = vector.broadcast %add3A_307 : i32 to vector<16xi32>
        %add3A_309 = arith.addi %broadcast_in_dim3A_305, %add3A_308 : vector<16xi32>
        %gather3A_310 = tpu.vector_load_idx %arg11[%add3A_219, %add3A_309] : memref<64x128xf32, #tpu.memory_space<vmem>>[vector<16xi32>, vector<16xi32>], vector<16xf32>,
        %mul3A_311 = arith.mulf %gather3A_306, %gather3A_310 : vector<16xf32>
        %add3A_312 = arith.addf %add3A_300, %mul3A_311 : vector<16xf32>
        %mul3A_313 = arith.constant 8 : i32
        %mul3A_314 = arith.muli %scan3A_228, %mul3A_313 : i32
        %add3A_315 = arith.constant 7 : i32
        %add3A_316 = arith.addi %mul3A_314, %add3A_315 : i32
        %broadcast_in_dim3A_317 = vector.broadcast %add3A_316 : i32 to vector<16xi32>
        %gather3A_318 = tpu.vector_load_idx %arg10[%add3A_219, %broadcast_in_dim3A_317] : memref<64x128xf32, #tpu.memory_space<vmem>>[vector<16xi32>, vector<16xi32>], vector<16xf32>,
        %add3A_319 = arith.constant 64 : i32
        %add3A_320 = vector.broadcast %add3A_319 : i32 to vector<16xi32>
        %add3A_321 = arith.addi %broadcast_in_dim3A_317, %add3A_320 : vector<16xi32>
        %gather3A_322 = tpu.vector_load_idx %arg11[%add3A_219, %add3A_321] : memref<64x128xf32, #tpu.memory_space<vmem>>[vector<16xi32>, vector<16xi32>], vector<16xf32>,
        %mul3A_323 = arith.mulf %gather3A_318, %gather3A_322 : vector<16xf32>
        %add3A_324 = arith.addf %add3A_312, %mul3A_323 : vector<16xf32>
        scf.yield %add3A_324 : vector<16xf32>
      }
      %scan3A_227 = arith.constant 8 : i32
      tpu.vector_store_idx %arg14[%add3A_214], %scan3A_226 : memref<512xf32, #tpu.memory_space<vmem>>[vector<16xi32>], vector<16xf32>,
    }
    %scan3A_25 = arith.constant 4 : i32
    %dma_start3A_26 = arith.constant 64 : i32
    %dma_start3A_27 = tpu.memref_slice %arg8[%dma_start3A_26] : memref<512xi32, #tpu.memory_space<vmem>> -> memref<64xi32, #tpu.memory_space<vmem>>
    %dma_start3A_28 = arith.constant 0 : i32
    %dma_start3A_29 = arith.constant 0 : i32
    %dma_start3A_30 = tpu.memref_slice %arg4[%dma_start3A_28, %dma_start3A_29] : memref<1000000x128xf32, #tpu.memory_space<hbm>> -> memref<1000000x128xf32, #tpu.memory_space<hbm>>
    tpu.enqueue_indirect_dma source(%dma_start3A_30 : memref<1000000x128xf32, #tpu.memory_space<hbm>>) target(%arg10 : memref<64x128xf32, #tpu.memory_space<vmem>>) offsets(%dma_start3A_27 : memref<64xi32, #tpu.memory_space<vmem>>) semaphore(%arg15 : memref<!tpu.dma_semaphore, #tpu.memory_space<semaphore_mem>>)
    %dma_start3A_31 = arith.constant 64 : i32
    %dma_start3A_32 = tpu.memref_slice %arg9[%dma_start3A_31] : memref<512xi32, #tpu.memory_space<vmem>> -> memref<64xi32, #tpu.memory_space<vmem>>
    %dma_start3A_33 = arith.constant 0 : i32
    %dma_start3A_34 = arith.constant 0 : i32
    %dma_start3A_35 = tpu.memref_slice %arg4[%dma_start3A_33, %dma_start3A_34] : memref<1000000x128xf32, #tpu.memory_space<hbm>> -> memref<1000000x128xf32, #tpu.memory_space<hbm>>
    tpu.enqueue_indirect_dma source(%dma_start3A_35 : memref<1000000x128xf32, #tpu.memory_space<hbm>>) target(%arg11 : memref<64x128xf32, #tpu.memory_space<vmem>>) offsets(%dma_start3A_32 : memref<64xi32, #tpu.memory_space<vmem>>) semaphore(%arg15 : memref<!tpu.dma_semaphore, #tpu.memory_space<semaphore_mem>>)
    %dma_wait3A_36 = arith.constant 64 : i32
    %dma_wait3A_37 = tpu.memref_slice %arg8[%dma_wait3A_36] : memref<512xi32, #tpu.memory_space<vmem>> -> memref<64xi32, #tpu.memory_space<vmem>>
    %dma_wait3A_38 = arith.constant 0 : i32
    %dma_wait3A_39 = arith.constant 0 : i32
    %dma_wait3A_40 = tpu.memref_slice %arg4[%dma_wait3A_38, %dma_wait3A_39] : memref<1000000x128xf32, #tpu.memory_space<hbm>> -> memref<1000000x128xf32, #tpu.memory_space<hbm>>
    tpu.wait_indirect_dma semaphore(%arg15 : memref<!tpu.dma_semaphore, #tpu.memory_space<semaphore_mem>>) src(%dma_wait3A_40 : memref<1000000x128xf32, #tpu.memory_space<hbm>>) dst(%arg10 : memref<64x128xf32, #tpu.memory_space<vmem>>)
    %dma_wait3A_41 = arith.constant 64 : i32
    %dma_wait3A_42 = tpu.memref_slice %arg9[%dma_wait3A_41] : memref<512xi32, #tpu.memory_space<vmem>> -> memref<64xi32, #tpu.memory_space<vmem>>
    %dma_wait3A_43 = arith.constant 0 : i32
    %dma_wait3A_44 = arith.constant 0 : i32
    %dma_wait3A_45 = tpu.memref_slice %arg4[%dma_wait3A_43, %dma_wait3A_44] : memref<1000000x128xf32, #tpu.memory_space<hbm>> -> memref<1000000x128xf32, #tpu.memory_space<hbm>>
    tpu.wait_indirect_dma semaphore(%arg15 : memref<!tpu.dma_semaphore, #tpu.memory_space<semaphore_mem>>) src(%dma_wait3A_45 : memref<1000000x128xf32, #tpu.memory_space<hbm>>) dst(%arg11 : memref<64x128xf32, #tpu.memory_space<vmem>>)
    %scan3A_46 = arith.constant 0 : i32
    %scan3A_47 = arith.constant 0 : i32
    %scan3A_48 = arith.constant 4 : i32
    %scan3A_49 = arith.addi %scan3A_47, %scan3A_48 : i32
    %scan3A_50 = arith.constant 1 : i32
    scf.for %scan3A_208 = %scan3A_47 to %scan3A_49 step %scan3A_50  : i32 {
      %mul3A_209 = arith.constant 16 : i32
      %mul3A_210 = arith.muli %scan3A_208, %mul3A_209 : i32
      %add3A_211 = arith.constant 64 : i32
      %add3A_212 = arith.addi %add3A_211, %mul3A_210 : i32
      %iota3A = tpu.iota {dimensions = array<i32: 0>} : vector<16xi32>
      %add3A_213 = vector.broadcast %add3A_212 : i32 to vector<16xi32>
      %add3A_214 = arith.addi %add3A_213, %iota3A : vector<16xi32>
      %mul3A_215 = arith.constant 16 : i32
      %mul3A_216 = arith.muli %scan3A_208, %mul3A_215 : i32
      %iota3A_217 = tpu.iota {dimensions = array<i32: 0>} : vector<16xi32>
      %add3A_218 = vector.broadcast %mul3A_216 : i32 to vector<16xi32>
      %add3A_219 = arith.addi %add3A_218, %iota3A_217 : vector<16xi32>
      %gather3A = tpu.vector_load_idx %arg12[%add3A_214] : memref<512xf32, #tpu.memory_space<vmem>>[vector<16xi32>], vector<16xf32>,
      %gather3A_220 = tpu.vector_load_idx %arg13[%add3A_214] : memref<512xf32, #tpu.memory_space<vmem>>[vector<16xi32>], vector<16xf32>,
      %add3A_221 = arith.addf %gather3A, %gather3A_220 : vector<16xf32>
      %scan3A_222 = arith.constant 0 : i32
      %scan3A_223 = arith.constant 8 : i32
      %scan3A_224 = arith.addi %scan3A_222, %scan3A_223 : i32
      %scan3A_225 = arith.constant 1 : i32
      %scan3A_226 = scf.for %scan3A_228 = %scan3A_222 to %scan3A_224 step %scan3A_225 iter_args(%scan3A_229 = %add3A_221) -> (vector<16xf32>)  : i32 {
        %mul3A_230 = arith.constant 8 : i32
        %mul3A_231 = arith.muli %scan3A_228, %mul3A_230 : i32
        %add3A_232 = arith.constant 0 : i32
        %add3A_233 = arith.addi %mul3A_231, %add3A_232 : i32
        %broadcast_in_dim3A = vector.broadcast %add3A_233 : i32 to vector<16xi32>
        %gather3A_234 = tpu.vector_load_idx %arg10[%add3A_219, %broadcast_in_dim3A] : memref<64x128xf32, #tpu.memory_space<vmem>>[vector<16xi32>, vector<16xi32>], vector<16xf32>,
        %add3A_235 = arith.constant 64 : i32
        %add3A_236 = vector.broadcast %add3A_235 : i32 to vector<16xi32>
        %add3A_237 = arith.addi %broadcast_in_dim3A, %add3A_236 : vector<16xi32>
        %gather3A_238 = tpu.vector_load_idx %arg11[%add3A_219, %add3A_237] : memref<64x128xf32, #tpu.memory_space<vmem>>[vector<16xi32>, vector<16xi32>], vector<16xf32>,
        %mul3A_239 = arith.mulf %gather3A_234, %gather3A_238 : vector<16xf32>
        %add3A_240 = arith.addf %scan3A_229, %mul3A_239 : vector<16xf32>
        %mul3A_241 = arith.constant 8 : i32
        %mul3A_242 = arith.muli %scan3A_228, %mul3A_241 : i32
        %add3A_243 = arith.constant 1 : i32
        %add3A_244 = arith.addi %mul3A_242, %add3A_243 : i32
        %broadcast_in_dim3A_245 = vector.broadcast %add3A_244 : i32 to vector<16xi32>
        %gather3A_246 = tpu.vector_load_idx %arg10[%add3A_219, %broadcast_in_dim3A_245] : memref<64x128xf32, #tpu.memory_space<vmem>>[vector<16xi32>, vector<16xi32>], vector<16xf32>,
        %add3A_247 = arith.constant 64 : i32
        %add3A_248 = vector.broadcast %add3A_247 : i32 to vector<16xi32>
        %add3A_249 = arith.addi %broadcast_in_dim3A_245, %add3A_248 : vector<16xi32>
        %gather3A_250 = tpu.vector_load_idx %arg11[%add3A_219, %add3A_249] : memref<64x128xf32, #tpu.memory_space<vmem>>[vector<16xi32>, vector<16xi32>], vector<16xf32>,
        %mul3A_251 = arith.mulf %gather3A_246, %gather3A_250 : vector<16xf32>
        %add3A_252 = arith.addf %add3A_240, %mul3A_251 : vector<16xf32>
        %mul3A_253 = arith.constant 8 : i32
        %mul3A_254 = arith.muli %scan3A_228, %mul3A_253 : i32
        %add3A_255 = arith.constant 2 : i32
        %add3A_256 = arith.addi %mul3A_254, %add3A_255 : i32
        %broadcast_in_dim3A_257 = vector.broadcast %add3A_256 : i32 to vector<16xi32>
        %gather3A_258 = tpu.vector_load_idx %arg10[%add3A_219, %broadcast_in_dim3A_257] : memref<64x128xf32, #tpu.memory_space<vmem>>[vector<16xi32>, vector<16xi32>], vector<16xf32>,
        %add3A_259 = arith.constant 64 : i32
        %add3A_260 = vector.broadcast %add3A_259 : i32 to vector<16xi32>
        %add3A_261 = arith.addi %broadcast_in_dim3A_257, %add3A_260 : vector<16xi32>
        %gather3A_262 = tpu.vector_load_idx %arg11[%add3A_219, %add3A_261] : memref<64x128xf32, #tpu.memory_space<vmem>>[vector<16xi32>, vector<16xi32>], vector<16xf32>,
        %mul3A_263 = arith.mulf %gather3A_258, %gather3A_262 : vector<16xf32>
        %add3A_264 = arith.addf %add3A_252, %mul3A_263 : vector<16xf32>
        %mul3A_265 = arith.constant 8 : i32
        %mul3A_266 = arith.muli %scan3A_228, %mul3A_265 : i32
        %add3A_267 = arith.constant 3 : i32
        %add3A_268 = arith.addi %mul3A_266, %add3A_267 : i32
        %broadcast_in_dim3A_269 = vector.broadcast %add3A_268 : i32 to vector<16xi32>
        %gather3A_270 = tpu.vector_load_idx %arg10[%add3A_219, %broadcast_in_dim3A_269] : memref<64x128xf32, #tpu.memory_space<vmem>>[vector<16xi32>, vector<16xi32>], vector<16xf32>,
        %add3A_271 = arith.constant 64 : i32
        %add3A_272 = vector.broadcast %add3A_271 : i32 to vector<16xi32>
        %add3A_273 = arith.addi %broadcast_in_dim3A_269, %add3A_272 : vector<16xi32>
        %gather3A_274 = tpu.vector_load_idx %arg11[%add3A_219, %add3A_273] : memref<64x128xf32, #tpu.memory_space<vmem>>[vector<16xi32>, vector<16xi32>], vector<16xf32>,
        %mul3A_275 = arith.mulf %gather3A_270, %gather3A_274 : vector<16xf32>
        %add3A_276 = arith.addf %add3A_264, %mul3A_275 : vector<16xf32>
        %mul3A_277 = arith.constant 8 : i32
        %mul3A_278 = arith.muli %scan3A_228, %mul3A_277 : i32
        %add3A_279 = arith.constant 4 : i32
        %add3A_280 = arith.addi %mul3A_278, %add3A_279 : i32
        %broadcast_in_dim3A_281 = vector.broadcast %add3A_280 : i32 to vector<16xi32>
        %gather3A_282 = tpu.vector_load_idx %arg10[%add3A_219, %broadcast_in_dim3A_281] : memref<64x128xf32, #tpu.memory_space<vmem>>[vector<16xi32>, vector<16xi32>], vector<16xf32>,
        %add3A_283 = arith.constant 64 : i32
        %add3A_284 = vector.broadcast %add3A_283 : i32 to vector<16xi32>
        %add3A_285 = arith.addi %broadcast_in_dim3A_281, %add3A_284 : vector<16xi32>
        %gather3A_286 = tpu.vector_load_idx %arg11[%add3A_219, %add3A_285] : memref<64x128xf32, #tpu.memory_space<vmem>>[vector<16xi32>, vector<16xi32>], vector<16xf32>,
        %mul3A_287 = arith.mulf %gather3A_282, %gather3A_286 : vector<16xf32>
        %add3A_288 = arith.addf %add3A_276, %mul3A_287 : vector<16xf32>
        %mul3A_289 = arith.constant 8 : i32
        %mul3A_290 = arith.muli %scan3A_228, %mul3A_289 : i32
        %add3A_291 = arith.constant 5 : i32
        %add3A_292 = arith.addi %mul3A_290, %add3A_291 : i32
        %broadcast_in_dim3A_293 = vector.broadcast %add3A_292 : i32 to vector<16xi32>
        %gather3A_294 = tpu.vector_load_idx %arg10[%add3A_219, %broadcast_in_dim3A_293] : memref<64x128xf32, #tpu.memory_space<vmem>>[vector<16xi32>, vector<16xi32>], vector<16xf32>,
        %add3A_295 = arith.constant 64 : i32
        %add3A_296 = vector.broadcast %add3A_295 : i32 to vector<16xi32>
        %add3A_297 = arith.addi %broadcast_in_dim3A_293, %add3A_296 : vector<16xi32>
        %gather3A_298 = tpu.vector_load_idx %arg11[%add3A_219, %add3A_297] : memref<64x128xf32, #tpu.memory_space<vmem>>[vector<16xi32>, vector<16xi32>], vector<16xf32>,
        %mul3A_299 = arith.mulf %gather3A_294, %gather3A_298 : vector<16xf32>
        %add3A_300 = arith.addf %add3A_288, %mul3A_299 : vector<16xf32>
        %mul3A_301 = arith.constant 8 : i32
        %mul3A_302 = arith.muli %scan3A_228, %mul3A_301 : i32
        %add3A_303 = arith.constant 6 : i32
        %add3A_304 = arith.addi %mul3A_302, %add3A_303 : i32
        %broadcast_in_dim3A_305 = vector.broadcast %add3A_304 : i32 to vector<16xi32>
        %gather3A_306 = tpu.vector_load_idx %arg10[%add3A_219, %broadcast_in_dim3A_305] : memref<64x128xf32, #tpu.memory_space<vmem>>[vector<16xi32>, vector<16xi32>], vector<16xf32>,
        %add3A_307 = arith.constant 64 : i32
        %add3A_308 = vector.broadcast %add3A_307 : i32 to vector<16xi32>
        %add3A_309 = arith.addi %broadcast_in_dim3A_305, %add3A_308 : vector<16xi32>
        %gather3A_310 = tpu.vector_load_idx %arg11[%add3A_219, %add3A_309] : memref<64x128xf32, #tpu.memory_space<vmem>>[vector<16xi32>, vector<16xi32>], vector<16xf32>,
        %mul3A_311 = arith.mulf %gather3A_306, %gather3A_310 : vector<16xf32>
        %add3A_312 = arith.addf %add3A_300, %mul3A_311 : vector<16xf32>
        %mul3A_313 = arith.constant 8 : i32
        %mul3A_314 = arith.muli %scan3A_228, %mul3A_313 : i32
        %add3A_315 = arith.constant 7 : i32
        %add3A_316 = arith.addi %mul3A_314, %add3A_315 : i32
        %broadcast_in_dim3A_317 = vector.broadcast %add3A_316 : i32 to vector<16xi32>
        %gather3A_318 = tpu.vector_load_idx %arg10[%add3A_219, %broadcast_in_dim3A_317] : memref<64x128xf32, #tpu.memory_space<vmem>>[vector<16xi32>, vector<16xi32>], vector<16xf32>,
        %add3A_319 = arith.constant 64 : i32
        %add3A_320 = vector.broadcast %add3A_319 : i32 to vector<16xi32>
        %add3A_321 = arith.addi %broadcast_in_dim3A_317, %add3A_320 : vector<16xi32>
        %gather3A_322 = tpu.vector_load_idx %arg11[%add3A_219, %add3A_321] : memref<64x128xf32, #tpu.memory_space<vmem>>[vector<16xi32>, vector<16xi32>], vector<16xf32>,
        %mul3A_323 = arith.mulf %gather3A_318, %gather3A_322 : vector<16xf32>
        %add3A_324 = arith.addf %add3A_312, %mul3A_323 : vector<16xf32>
        scf.yield %add3A_324 : vector<16xf32>
      }
      %scan3A_227 = arith.constant 8 : i32
      tpu.vector_store_idx %arg14[%add3A_214], %scan3A_226 : memref<512xf32, #tpu.memory_space<vmem>>[vector<16xi32>], vector<16xf32>,
    }
    %scan3A_51 = arith.constant 4 : i32
    %dma_start3A_52 = arith.constant 128 : i32
    %dma_start3A_53 = tpu.memref_slice %arg8[%dma_start3A_52] : memref<512xi32, #tpu.memory_space<vmem>> -> memref<64xi32, #tpu.memory_space<vmem>>
    %dma_start3A_54 = arith.constant 0 : i32
    %dma_start3A_55 = arith.constant 0 : i32
    %dma_start3A_56 = tpu.memref_slice %arg4[%dma_start3A_54, %dma_start3A_55] : memref<1000000x128xf32, #tpu.memory_space<hbm>> -> memref<1000000x128xf32, #tpu.memory_space<hbm>>
    tpu.enqueue_indirect_dma source(%dma_start3A_56 : memref<1000000x128xf32, #tpu.memory_space<hbm>>) target(%arg10 : memref<64x128xf32, #tpu.memory_space<vmem>>) offsets(%dma_start3A_53 : memref<64xi32, #tpu.memory_space<vmem>>) semaphore(%arg15 : memref<!tpu.dma_semaphore, #tpu.memory_space<semaphore_mem>>)
    %dma_start3A_57 = arith.constant 128 : i32
    %dma_start3A_58 = tpu.memref_slice %arg9[%dma_start3A_57] : memref<512xi32, #tpu.memory_space<vmem>> -> memref<64xi32, #tpu.memory_space<vmem>>
    %dma_start3A_59 = arith.constant 0 : i32
    %dma_start3A_60 = arith.constant 0 : i32
    %dma_start3A_61 = tpu.memref_slice %arg4[%dma_start3A_59, %dma_start3A_60] : memref<1000000x128xf32, #tpu.memory_space<hbm>> -> memref<1000000x128xf32, #tpu.memory_space<hbm>>
    tpu.enqueue_indirect_dma source(%dma_start3A_61 : memref<1000000x128xf32, #tpu.memory_space<hbm>>) target(%arg11 : memref<64x128xf32, #tpu.memory_space<vmem>>) offsets(%dma_start3A_58 : memref<64xi32, #tpu.memory_space<vmem>>) semaphore(%arg15 : memref<!tpu.dma_semaphore, #tpu.memory_space<semaphore_mem>>)
    %dma_wait3A_62 = arith.constant 128 : i32
    %dma_wait3A_63 = tpu.memref_slice %arg8[%dma_wait3A_62] : memref<512xi32, #tpu.memory_space<vmem>> -> memref<64xi32, #tpu.memory_space<vmem>>
    %dma_wait3A_64 = arith.constant 0 : i32
    %dma_wait3A_65 = arith.constant 0 : i32
    %dma_wait3A_66 = tpu.memref_slice %arg4[%dma_wait3A_64, %dma_wait3A_65] : memref<1000000x128xf32, #tpu.memory_space<hbm>> -> memref<1000000x128xf32, #tpu.memory_space<hbm>>
    tpu.wait_indirect_dma semaphore(%arg15 : memref<!tpu.dma_semaphore, #tpu.memory_space<semaphore_mem>>) src(%dma_wait3A_66 : memref<1000000x128xf32, #tpu.memory_space<hbm>>) dst(%arg10 : memref<64x128xf32, #tpu.memory_space<vmem>>)
    %dma_wait3A_67 = arith.constant 128 : i32
    %dma_wait3A_68 = tpu.memref_slice %arg9[%dma_wait3A_67] : memref<512xi32, #tpu.memory_space<vmem>> -> memref<64xi32, #tpu.memory_space<vmem>>
    %dma_wait3A_69 = arith.constant 0 : i32
    %dma_wait3A_70 = arith.constant 0 : i32
    %dma_wait3A_71 = tpu.memref_slice %arg4[%dma_wait3A_69, %dma_wait3A_70] : memref<1000000x128xf32, #tpu.memory_space<hbm>> -> memref<1000000x128xf32, #tpu.memory_space<hbm>>
    tpu.wait_indirect_dma semaphore(%arg15 : memref<!tpu.dma_semaphore, #tpu.memory_space<semaphore_mem>>) src(%dma_wait3A_71 : memref<1000000x128xf32, #tpu.memory_space<hbm>>) dst(%arg11 : memref<64x128xf32, #tpu.memory_space<vmem>>)
    %scan3A_72 = arith.constant 0 : i32
    %scan3A_73 = arith.constant 0 : i32
    %scan3A_74 = arith.constant 4 : i32
    %scan3A_75 = arith.addi %scan3A_73, %scan3A_74 : i32
    %scan3A_76 = arith.constant 1 : i32
    scf.for %scan3A_208 = %scan3A_73 to %scan3A_75 step %scan3A_76  : i32 {
      %mul3A_209 = arith.constant 16 : i32
      %mul3A_210 = arith.muli %scan3A_208, %mul3A_209 : i32
      %add3A_211 = arith.constant 128 : i32
      %add3A_212 = arith.addi %add3A_211, %mul3A_210 : i32
      %iota3A = tpu.iota {dimensions = array<i32: 0>} : vector<16xi32>
      %add3A_213 = vector.broadcast %add3A_212 : i32 to vector<16xi32>
      %add3A_214 = arith.addi %add3A_213, %iota3A : vector<16xi32>
      %mul3A_215 = arith.constant 16 : i32
      %mul3A_216 = arith.muli %scan3A_208, %mul3A_215 : i32
      %iota3A_217 = tpu.iota {dimensions = array<i32: 0>} : vector<16xi32>
      %add3A_218 = vector.broadcast %mul3A_216 : i32 to vector<16xi32>
      %add3A_219 = arith.addi %add3A_218, %iota3A_217 : vector<16xi32>
      %gather3A = tpu.vector_load_idx %arg12[%add3A_214] : memref<512xf32, #tpu.memory_space<vmem>>[vector<16xi32>], vector<16xf32>,
      %gather3A_220 = tpu.vector_load_idx %arg13[%add3A_214] : memref<512xf32, #tpu.memory_space<vmem>>[vector<16xi32>], vector<16xf32>,
      %add3A_221 = arith.addf %gather3A, %gather3A_220 : vector<16xf32>
      %scan3A_222 = arith.constant 0 : i32
      %scan3A_223 = arith.constant 8 : i32
      %scan3A_224 = arith.addi %scan3A_222, %scan3A_223 : i32
      %scan3A_225 = arith.constant 1 : i32
      %scan3A_226 = scf.for %scan3A_228 = %scan3A_222 to %scan3A_224 step %scan3A_225 iter_args(%scan3A_229 = %add3A_221) -> (vector<16xf32>)  : i32 {
        %mul3A_230 = arith.constant 8 : i32
        %mul3A_231 = arith.muli %scan3A_228, %mul3A_230 : i32
        %add3A_232 = arith.constant 0 : i32
        %add3A_233 = arith.addi %mul3A_231, %add3A_232 : i32
        %broadcast_in_dim3A = vector.broadcast %add3A_233 : i32 to vector<16xi32>
        %gather3A_234 = tpu.vector_load_idx %arg10[%add3A_219, %broadcast_in_dim3A] : memref<64x128xf32, #tpu.memory_space<vmem>>[vector<16xi32>, vector<16xi32>], vector<16xf32>,
        %add3A_235 = arith.constant 64 : i32
        %add3A_236 = vector.broadcast %add3A_235 : i32 to vector<16xi32>
        %add3A_237 = arith.addi %broadcast_in_dim3A, %add3A_236 : vector<16xi32>
        %gather3A_238 = tpu.vector_load_idx %arg11[%add3A_219, %add3A_237] : memref<64x128xf32, #tpu.memory_space<vmem>>[vector<16xi32>, vector<16xi32>], vector<16xf32>,
        %mul3A_239 = arith.mulf %gather3A_234, %gather3A_238 : vector<16xf32>
        %add3A_240 = arith.addf %scan3A_229, %mul3A_239 : vector<16xf32>
        %mul3A_241 = arith.constant 8 : i32
        %mul3A_242 = arith.muli %scan3A_228, %mul3A_241 : i32
        %add3A_243 = arith.constant 1 : i32
        %add3A_244 = arith.addi %mul3A_242, %add3A_243 : i32
        %broadcast_in_dim3A_245 = vector.broadcast %add3A_244 : i32 to vector<16xi32>
        %gather3A_246 = tpu.vector_load_idx %arg10[%add3A_219, %broadcast_in_dim3A_245] : memref<64x128xf32, #tpu.memory_space<vmem>>[vector<16xi32>, vector<16xi32>], vector<16xf32>,
        %add3A_247 = arith.constant 64 : i32
        %add3A_248 = vector.broadcast %add3A_247 : i32 to vector<16xi32>
        %add3A_249 = arith.addi %broadcast_in_dim3A_245, %add3A_248 : vector<16xi32>
        %gather3A_250 = tpu.vector_load_idx %arg11[%add3A_219, %add3A_249] : memref<64x128xf32, #tpu.memory_space<vmem>>[vector<16xi32>, vector<16xi32>], vector<16xf32>,
        %mul3A_251 = arith.mulf %gather3A_246, %gather3A_250 : vector<16xf32>
        %add3A_252 = arith.addf %add3A_240, %mul3A_251 : vector<16xf32>
        %mul3A_253 = arith.constant 8 : i32
        %mul3A_254 = arith.muli %scan3A_228, %mul3A_253 : i32
        %add3A_255 = arith.constant 2 : i32
        %add3A_256 = arith.addi %mul3A_254, %add3A_255 : i32
        %broadcast_in_dim3A_257 = vector.broadcast %add3A_256 : i32 to vector<16xi32>
        %gather3A_258 = tpu.vector_load_idx %arg10[%add3A_219, %broadcast_in_dim3A_257] : memref<64x128xf32, #tpu.memory_space<vmem>>[vector<16xi32>, vector<16xi32>], vector<16xf32>,
        %add3A_259 = arith.constant 64 : i32
        %add3A_260 = vector.broadcast %add3A_259 : i32 to vector<16xi32>
        %add3A_261 = arith.addi %broadcast_in_dim3A_257, %add3A_260 : vector<16xi32>
        %gather3A_262 = tpu.vector_load_idx %arg11[%add3A_219, %add3A_261] : memref<64x128xf32, #tpu.memory_space<vmem>>[vector<16xi32>, vector<16xi32>], vector<16xf32>,
        %mul3A_263 = arith.mulf %gather3A_258, %gather3A_262 : vector<16xf32>
        %add3A_264 = arith.addf %add3A_252, %mul3A_263 : vector<16xf32>
        %mul3A_265 = arith.constant 8 : i32
        %mul3A_266 = arith.muli %scan3A_228, %mul3A_265 : i32
        %add3A_267 = arith.constant 3 : i32
        %add3A_268 = arith.addi %mul3A_266, %add3A_267 : i32
        %broadcast_in_dim3A_269 = vector.broadcast %add3A_268 : i32 to vector<16xi32>
        %gather3A_270 = tpu.vector_load_idx %arg10[%add3A_219, %broadcast_in_dim3A_269] : memref<64x128xf32, #tpu.memory_space<vmem>>[vector<16xi32>, vector<16xi32>], vector<16xf32>,
        %add3A_271 = arith.constant 64 : i32
        %add3A_272 = vector.broadcast %add3A_271 : i32 to vector<16xi32>
        %add3A_273 = arith.addi %broadcast_in_dim3A_269, %add3A_272 : vector<16xi32>
        %gather3A_274 = tpu.vector_load_idx %arg11[%add3A_219, %add3A_273] : memref<64x128xf32, #tpu.memory_space<vmem>>[vector<16xi32>, vector<16xi32>], vector<16xf32>,
        %mul3A_275 = arith.mulf %gather3A_270, %gather3A_274 : vector<16xf32>
        %add3A_276 = arith.addf %add3A_264, %mul3A_275 : vector<16xf32>
        %mul3A_277 = arith.constant 8 : i32
        %mul3A_278 = arith.muli %scan3A_228, %mul3A_277 : i32
        %add3A_279 = arith.constant 4 : i32
        %add3A_280 = arith.addi %mul3A_278, %add3A_279 : i32
        %broadcast_in_dim3A_281 = vector.broadcast %add3A_280 : i32 to vector<16xi32>
        %gather3A_282 = tpu.vector_load_idx %arg10[%add3A_219, %broadcast_in_dim3A_281] : memref<64x128xf32, #tpu.memory_space<vmem>>[vector<16xi32>, vector<16xi32>], vector<16xf32>,
        %add3A_283 = arith.constant 64 : i32
        %add3A_284 = vector.broadcast %add3A_283 : i32 to vector<16xi32>
        %add3A_285 = arith.addi %broadcast_in_dim3A_281, %add3A_284 : vector<16xi32>
        %gather3A_286 = tpu.vector_load_idx %arg11[%add3A_219, %add3A_285] : memref<64x128xf32, #tpu.memory_space<vmem>>[vector<16xi32>, vector<16xi32>], vector<16xf32>,
        %mul3A_287 = arith.mulf %gather3A_282, %gather3A_286 : vector<16xf32>
        %add3A_288 = arith.addf %add3A_276, %mul3A_287 : vector<16xf32>
        %mul3A_289 = arith.constant 8 : i32
        %mul3A_290 = arith.muli %scan3A_228, %mul3A_289 : i32
        %add3A_291 = arith.constant 5 : i32
        %add3A_292 = arith.addi %mul3A_290, %add3A_291 : i32
        %broadcast_in_dim3A_293 = vector.broadcast %add3A_292 : i32 to vector<16xi32>
        %gather3A_294 = tpu.vector_load_idx %arg10[%add3A_219, %broadcast_in_dim3A_293] : memref<64x128xf32, #tpu.memory_space<vmem>>[vector<16xi32>, vector<16xi32>], vector<16xf32>,
        %add3A_295 = arith.constant 64 : i32
        %add3A_296 = vector.broadcast %add3A_295 : i32 to vector<16xi32>
        %add3A_297 = arith.addi %broadcast_in_dim3A_293, %add3A_296 : vector<16xi32>
        %gather3A_298 = tpu.vector_load_idx %arg11[%add3A_219, %add3A_297] : memref<64x128xf32, #tpu.memory_space<vmem>>[vector<16xi32>, vector<16xi32>], vector<16xf32>,
        %mul3A_299 = arith.mulf %gather3A_294, %gather3A_298 : vector<16xf32>
        %add3A_300 = arith.addf %add3A_288, %mul3A_299 : vector<16xf32>
        %mul3A_301 = arith.constant 8 : i32
        %mul3A_302 = arith.muli %scan3A_228, %mul3A_301 : i32
        %add3A_303 = arith.constant 6 : i32
        %add3A_304 = arith.addi %mul3A_302, %add3A_303 : i32
        %broadcast_in_dim3A_305 = vector.broadcast %add3A_304 : i32 to vector<16xi32>
        %gather3A_306 = tpu.vector_load_idx %arg10[%add3A_219, %broadcast_in_dim3A_305] : memref<64x128xf32, #tpu.memory_space<vmem>>[vector<16xi32>, vector<16xi32>], vector<16xf32>,
        %add3A_307 = arith.constant 64 : i32
        %add3A_308 = vector.broadcast %add3A_307 : i32 to vector<16xi32>
        %add3A_309 = arith.addi %broadcast_in_dim3A_305, %add3A_308 : vector<16xi32>
        %gather3A_310 = tpu.vector_load_idx %arg11[%add3A_219, %add3A_309] : memref<64x128xf32, #tpu.memory_space<vmem>>[vector<16xi32>, vector<16xi32>], vector<16xf32>,
        %mul3A_311 = arith.mulf %gather3A_306, %gather3A_310 : vector<16xf32>
        %add3A_312 = arith.addf %add3A_300, %mul3A_311 : vector<16xf32>
        %mul3A_313 = arith.constant 8 : i32
        %mul3A_314 = arith.muli %scan3A_228, %mul3A_313 : i32
        %add3A_315 = arith.constant 7 : i32
        %add3A_316 = arith.addi %mul3A_314, %add3A_315 : i32
        %broadcast_in_dim3A_317 = vector.broadcast %add3A_316 : i32 to vector<16xi32>
        %gather3A_318 = tpu.vector_load_idx %arg10[%add3A_219, %broadcast_in_dim3A_317] : memref<64x128xf32, #tpu.memory_space<vmem>>[vector<16xi32>, vector<16xi32>], vector<16xf32>,
        %add3A_319 = arith.constant 64 : i32
        %add3A_320 = vector.broadcast %add3A_319 : i32 to vector<16xi32>
        %add3A_321 = arith.addi %broadcast_in_dim3A_317, %add3A_320 : vector<16xi32>
        %gather3A_322 = tpu.vector_load_idx %arg11[%add3A_219, %add3A_321] : memref<64x128xf32, #tpu.memory_space<vmem>>[vector<16xi32>, vector<16xi32>], vector<16xf32>,
        %mul3A_323 = arith.mulf %gather3A_318, %gather3A_322 : vector<16xf32>
        %add3A_324 = arith.addf %add3A_312, %mul3A_323 : vector<16xf32>
        scf.yield %add3A_324 : vector<16xf32>
      }
      %scan3A_227 = arith.constant 8 : i32
      tpu.vector_store_idx %arg14[%add3A_214], %scan3A_226 : memref<512xf32, #tpu.memory_space<vmem>>[vector<16xi32>], vector<16xf32>,
    }
    %scan3A_77 = arith.constant 4 : i32
    %dma_start3A_78 = arith.constant 192 : i32
    %dma_start3A_79 = tpu.memref_slice %arg8[%dma_start3A_78] : memref<512xi32, #tpu.memory_space<vmem>> -> memref<64xi32, #tpu.memory_space<vmem>>
    %dma_start3A_80 = arith.constant 0 : i32
    %dma_start3A_81 = arith.constant 0 : i32
    %dma_start3A_82 = tpu.memref_slice %arg4[%dma_start3A_80, %dma_start3A_81] : memref<1000000x128xf32, #tpu.memory_space<hbm>> -> memref<1000000x128xf32, #tpu.memory_space<hbm>>
    tpu.enqueue_indirect_dma source(%dma_start3A_82 : memref<1000000x128xf32, #tpu.memory_space<hbm>>) target(%arg10 : memref<64x128xf32, #tpu.memory_space<vmem>>) offsets(%dma_start3A_79 : memref<64xi32, #tpu.memory_space<vmem>>) semaphore(%arg15 : memref<!tpu.dma_semaphore, #tpu.memory_space<semaphore_mem>>)
    %dma_start3A_83 = arith.constant 192 : i32
    %dma_start3A_84 = tpu.memref_slice %arg9[%dma_start3A_83] : memref<512xi32, #tpu.memory_space<vmem>> -> memref<64xi32, #tpu.memory_space<vmem>>
    %dma_start3A_85 = arith.constant 0 : i32
    %dma_start3A_86 = arith.constant 0 : i32
    %dma_start3A_87 = tpu.memref_slice %arg4[%dma_start3A_85, %dma_start3A_86] : memref<1000000x128xf32, #tpu.memory_space<hbm>> -> memref<1000000x128xf32, #tpu.memory_space<hbm>>
    tpu.enqueue_indirect_dma source(%dma_start3A_87 : memref<1000000x128xf32, #tpu.memory_space<hbm>>) target(%arg11 : memref<64x128xf32, #tpu.memory_space<vmem>>) offsets(%dma_start3A_84 : memref<64xi32, #tpu.memory_space<vmem>>) semaphore(%arg15 : memref<!tpu.dma_semaphore, #tpu.memory_space<semaphore_mem>>)
    %dma_wait3A_88 = arith.constant 192 : i32
    %dma_wait3A_89 = tpu.memref_slice %arg8[%dma_wait3A_88] : memref<512xi32, #tpu.memory_space<vmem>> -> memref<64xi32, #tpu.memory_space<vmem>>
    %dma_wait3A_90 = arith.constant 0 : i32
    %dma_wait3A_91 = arith.constant 0 : i32
    %dma_wait3A_92 = tpu.memref_slice %arg4[%dma_wait3A_90, %dma_wait3A_91] : memref<1000000x128xf32, #tpu.memory_space<hbm>> -> memref<1000000x128xf32, #tpu.memory_space<hbm>>
    tpu.wait_indirect_dma semaphore(%arg15 : memref<!tpu.dma_semaphore, #tpu.memory_space<semaphore_mem>>) src(%dma_wait3A_92 : memref<1000000x128xf32, #tpu.memory_space<hbm>>) dst(%arg10 : memref<64x128xf32, #tpu.memory_space<vmem>>)
    %dma_wait3A_93 = arith.constant 192 : i32
    %dma_wait3A_94 = tpu.memref_slice %arg9[%dma_wait3A_93] : memref<512xi32, #tpu.memory_space<vmem>> -> memref<64xi32, #tpu.memory_space<vmem>>
    %dma_wait3A_95 = arith.constant 0 : i32
    %dma_wait3A_96 = arith.constant 0 : i32
    %dma_wait3A_97 = tpu.memref_slice %arg4[%dma_wait3A_95, %dma_wait3A_96] : memref<1000000x128xf32, #tpu.memory_space<hbm>> -> memref<1000000x128xf32, #tpu.memory_space<hbm>>
    tpu.wait_indirect_dma semaphore(%arg15 : memref<!tpu.dma_semaphore, #tpu.memory_space<semaphore_mem>>) src(%dma_wait3A_97 : memref<1000000x128xf32, #tpu.memory_space<hbm>>) dst(%arg11 : memref<64x128xf32, #tpu.memory_space<vmem>>)
    %scan3A_98 = arith.constant 0 : i32
    %scan3A_99 = arith.constant 0 : i32
    %scan3A_100 = arith.constant 4 : i32
    %scan3A_101 = arith.addi %scan3A_99, %scan3A_100 : i32
    %scan3A_102 = arith.constant 1 : i32
    scf.for %scan3A_208 = %scan3A_99 to %scan3A_101 step %scan3A_102  : i32 {
      %mul3A_209 = arith.constant 16 : i32
      %mul3A_210 = arith.muli %scan3A_208, %mul3A_209 : i32
      %add3A_211 = arith.constant 192 : i32
      %add3A_212 = arith.addi %add3A_211, %mul3A_210 : i32
      %iota3A = tpu.iota {dimensions = array<i32: 0>} : vector<16xi32>
      %add3A_213 = vector.broadcast %add3A_212 : i32 to vector<16xi32>
      %add3A_214 = arith.addi %add3A_213, %iota3A : vector<16xi32>
      %mul3A_215 = arith.constant 16 : i32
      %mul3A_216 = arith.muli %scan3A_208, %mul3A_215 : i32
      %iota3A_217 = tpu.iota {dimensions = array<i32: 0>} : vector<16xi32>
      %add3A_218 = vector.broadcast %mul3A_216 : i32 to vector<16xi32>
      %add3A_219 = arith.addi %add3A_218, %iota3A_217 : vector<16xi32>
      %gather3A = tpu.vector_load_idx %arg12[%add3A_214] : memref<512xf32, #tpu.memory_space<vmem>>[vector<16xi32>], vector<16xf32>,
      %gather3A_220 = tpu.vector_load_idx %arg13[%add3A_214] : memref<512xf32, #tpu.memory_space<vmem>>[vector<16xi32>], vector<16xf32>,
      %add3A_221 = arith.addf %gather3A, %gather3A_220 : vector<16xf32>
      %scan3A_222 = arith.constant 0 : i32
      %scan3A_223 = arith.constant 8 : i32
      %scan3A_224 = arith.addi %scan3A_222, %scan3A_223 : i32
      %scan3A_225 = arith.constant 1 : i32
      %scan3A_226 = scf.for %scan3A_228 = %scan3A_222 to %scan3A_224 step %scan3A_225 iter_args(%scan3A_229 = %add3A_221) -> (vector<16xf32>)  : i32 {
        %mul3A_230 = arith.constant 8 : i32
        %mul3A_231 = arith.muli %scan3A_228, %mul3A_230 : i32
        %add3A_232 = arith.constant 0 : i32
        %add3A_233 = arith.addi %mul3A_231, %add3A_232 : i32
        %broadcast_in_dim3A = vector.broadcast %add3A_233 : i32 to vector<16xi32>
        %gather3A_234 = tpu.vector_load_idx %arg10[%add3A_219, %broadcast_in_dim3A] : memref<64x128xf32, #tpu.memory_space<vmem>>[vector<16xi32>, vector<16xi32>], vector<16xf32>,
        %add3A_235 = arith.constant 64 : i32
        %add3A_236 = vector.broadcast %add3A_235 : i32 to vector<16xi32>
        %add3A_237 = arith.addi %broadcast_in_dim3A, %add3A_236 : vector<16xi32>
        %gather3A_238 = tpu.vector_load_idx %arg11[%add3A_219, %add3A_237] : memref<64x128xf32, #tpu.memory_space<vmem>>[vector<16xi32>, vector<16xi32>], vector<16xf32>,
        %mul3A_239 = arith.mulf %gather3A_234, %gather3A_238 : vector<16xf32>
        %add3A_240 = arith.addf %scan3A_229, %mul3A_239 : vector<16xf32>
        %mul3A_241 = arith.constant 8 : i32
        %mul3A_242 = arith.muli %scan3A_228, %mul3A_241 : i32
        %add3A_243 = arith.constant 1 : i32
        %add3A_244 = arith.addi %mul3A_242, %add3A_243 : i32
        %broadcast_in_dim3A_245 = vector.broadcast %add3A_244 : i32 to vector<16xi32>
        %gather3A_246 = tpu.vector_load_idx %arg10[%add3A_219, %broadcast_in_dim3A_245] : memref<64x128xf32, #tpu.memory_space<vmem>>[vector<16xi32>, vector<16xi32>], vector<16xf32>,
        %add3A_247 = arith.constant 64 : i32
        %add3A_248 = vector.broadcast %add3A_247 : i32 to vector<16xi32>
        %add3A_249 = arith.addi %broadcast_in_dim3A_245, %add3A_248 : vector<16xi32>
        %gather3A_250 = tpu.vector_load_idx %arg11[%add3A_219, %add3A_249] : memref<64x128xf32, #tpu.memory_space<vmem>>[vector<16xi32>, vector<16xi32>], vector<16xf32>,
        %mul3A_251 = arith.mulf %gather3A_246, %gather3A_250 : vector<16xf32>
        %add3A_252 = arith.addf %add3A_240, %mul3A_251 : vector<16xf32>
        %mul3A_253 = arith.constant 8 : i32
        %mul3A_254 = arith.muli %scan3A_228, %mul3A_253 : i32
        %add3A_255 = arith.constant 2 : i32
        %add3A_256 = arith.addi %mul3A_254, %add3A_255 : i32
        %broadcast_in_dim3A_257 = vector.broadcast %add3A_256 : i32 to vector<16xi32>
        %gather3A_258 = tpu.vector_load_idx %arg10[%add3A_219, %broadcast_in_dim3A_257] : memref<64x128xf32, #tpu.memory_space<vmem>>[vector<16xi32>, vector<16xi32>], vector<16xf32>,
        %add3A_259 = arith.constant 64 : i32
        %add3A_260 = vector.broadcast %add3A_259 : i32 to vector<16xi32>
        %add3A_261 = arith.addi %broadcast_in_dim3A_257, %add3A_260 : vector<16xi32>
        %gather3A_262 = tpu.vector_load_idx %arg11[%add3A_219, %add3A_261] : memref<64x128xf32, #tpu.memory_space<vmem>>[vector<16xi32>, vector<16xi32>], vector<16xf32>,
        %mul3A_263 = arith.mulf %gather3A_258, %gather3A_262 : vector<16xf32>
        %add3A_264 = arith.addf %add3A_252, %mul3A_263 : vector<16xf32>
        %mul3A_265 = arith.constant 8 : i32
        %mul3A_266 = arith.muli %scan3A_228, %mul3A_265 : i32
        %add3A_267 = arith.constant 3 : i32
        %add3A_268 = arith.addi %mul3A_266, %add3A_267 : i32
        %broadcast_in_dim3A_269 = vector.broadcast %add3A_268 : i32 to vector<16xi32>
        %gather3A_270 = tpu.vector_load_idx %arg10[%add3A_219, %broadcast_in_dim3A_269] : memref<64x128xf32, #tpu.memory_space<vmem>>[vector<16xi32>, vector<16xi32>], vector<16xf32>,
        %add3A_271 = arith.constant 64 : i32
        %add3A_272 = vector.broadcast %add3A_271 : i32 to vector<16xi32>
        %add3A_273 = arith.addi %broadcast_in_dim3A_269, %add3A_272 : vector<16xi32>
        %gather3A_274 = tpu.vector_load_idx %arg11[%add3A_219, %add3A_273] : memref<64x128xf32, #tpu.memory_space<vmem>>[vector<16xi32>, vector<16xi32>], vector<16xf32>,
        %mul3A_275 = arith.mulf %gather3A_270, %gather3A_274 : vector<16xf32>
        %add3A_276 = arith.addf %add3A_264, %mul3A_275 : vector<16xf32>
        %mul3A_277 = arith.constant 8 : i32
        %mul3A_278 = arith.muli %scan3A_228, %mul3A_277 : i32
        %add3A_279 = arith.constant 4 : i32
        %add3A_280 = arith.addi %mul3A_278, %add3A_279 : i32
        %broadcast_in_dim3A_281 = vector.broadcast %add3A_280 : i32 to vector<16xi32>
        %gather3A_282 = tpu.vector_load_idx %arg10[%add3A_219, %broadcast_in_dim3A_281] : memref<64x128xf32, #tpu.memory_space<vmem>>[vector<16xi32>, vector<16xi32>], vector<16xf32>,
        %add3A_283 = arith.constant 64 : i32
        %add3A_284 = vector.broadcast %add3A_283 : i32 to vector<16xi32>
        %add3A_285 = arith.addi %broadcast_in_dim3A_281, %add3A_284 : vector<16xi32>
        %gather3A_286 = tpu.vector_load_idx %arg11[%add3A_219, %add3A_285] : memref<64x128xf32, #tpu.memory_space<vmem>>[vector<16xi32>, vector<16xi32>], vector<16xf32>,
        %mul3A_287 = arith.mulf %gather3A_282, %gather3A_286 : vector<16xf32>
        %add3A_288 = arith.addf %add3A_276, %mul3A_287 : vector<16xf32>
        %mul3A_289 = arith.constant 8 : i32
        %mul3A_290 = arith.muli %scan3A_228, %mul3A_289 : i32
        %add3A_291 = arith.constant 5 : i32
        %add3A_292 = arith.addi %mul3A_290, %add3A_291 : i32
        %broadcast_in_dim3A_293 = vector.broadcast %add3A_292 : i32 to vector<16xi32>
        %gather3A_294 = tpu.vector_load_idx %arg10[%add3A_219, %broadcast_in_dim3A_293] : memref<64x128xf32, #tpu.memory_space<vmem>>[vector<16xi32>, vector<16xi32>], vector<16xf32>,
        %add3A_295 = arith.constant 64 : i32
        %add3A_296 = vector.broadcast %add3A_295 : i32 to vector<16xi32>
        %add3A_297 = arith.addi %broadcast_in_dim3A_293, %add3A_296 : vector<16xi32>
        %gather3A_298 = tpu.vector_load_idx %arg11[%add3A_219, %add3A_297] : memref<64x128xf32, #tpu.memory_space<vmem>>[vector<16xi32>, vector<16xi32>], vector<16xf32>,
        %mul3A_299 = arith.mulf %gather3A_294, %gather3A_298 : vector<16xf32>
        %add3A_300 = arith.addf %add3A_288, %mul3A_299 : vector<16xf32>
        %mul3A_301 = arith.constant 8 : i32
        %mul3A_302 = arith.muli %scan3A_228, %mul3A_301 : i32
        %add3A_303 = arith.constant 6 : i32
        %add3A_304 = arith.addi %mul3A_302, %add3A_303 : i32
        %broadcast_in_dim3A_305 = vector.broadcast %add3A_304 : i32 to vector<16xi32>
        %gather3A_306 = tpu.vector_load_idx %arg10[%add3A_219, %broadcast_in_dim3A_305] : memref<64x128xf32, #tpu.memory_space<vmem>>[vector<16xi32>, vector<16xi32>], vector<16xf32>,
        %add3A_307 = arith.constant 64 : i32
        %add3A_308 = vector.broadcast %add3A_307 : i32 to vector<16xi32>
        %add3A_309 = arith.addi %broadcast_in_dim3A_305, %add3A_308 : vector<16xi32>
        %gather3A_310 = tpu.vector_load_idx %arg11[%add3A_219, %add3A_309] : memref<64x128xf32, #tpu.memory_space<vmem>>[vector<16xi32>, vector<16xi32>], vector<16xf32>,
        %mul3A_311 = arith.mulf %gather3A_306, %gather3A_310 : vector<16xf32>
        %add3A_312 = arith.addf %add3A_300, %mul3A_311 : vector<16xf32>
        %mul3A_313 = arith.constant 8 : i32
        %mul3A_314 = arith.muli %scan3A_228, %mul3A_313 : i32
        %add3A_315 = arith.constant 7 : i32
        %add3A_316 = arith.addi %mul3A_314, %add3A_315 : i32
        %broadcast_in_dim3A_317 = vector.broadcast %add3A_316 : i32 to vector<16xi32>
        %gather3A_318 = tpu.vector_load_idx %arg10[%add3A_219, %broadcast_in_dim3A_317] : memref<64x128xf32, #tpu.memory_space<vmem>>[vector<16xi32>, vector<16xi32>], vector<16xf32>,
        %add3A_319 = arith.constant 64 : i32
        %add3A_320 = vector.broadcast %add3A_319 : i32 to vector<16xi32>
        %add3A_321 = arith.addi %broadcast_in_dim3A_317, %add3A_320 : vector<16xi32>
        %gather3A_322 = tpu.vector_load_idx %arg11[%add3A_219, %add3A_321] : memref<64x128xf32, #tpu.memory_space<vmem>>[vector<16xi32>, vector<16xi32>], vector<16xf32>,
        %mul3A_323 = arith.mulf %gather3A_318, %gather3A_322 : vector<16xf32>
        %add3A_324 = arith.addf %add3A_312, %mul3A_323 : vector<16xf32>
        scf.yield %add3A_324 : vector<16xf32>
      }
      %scan3A_227 = arith.constant 8 : i32
      tpu.vector_store_idx %arg14[%add3A_214], %scan3A_226 : memref<512xf32, #tpu.memory_space<vmem>>[vector<16xi32>], vector<16xf32>,
    }
    %scan3A_103 = arith.constant 4 : i32
    %dma_start3A_104 = arith.constant 256 : i32
    %dma_start3A_105 = tpu.memref_slice %arg8[%dma_start3A_104] : memref<512xi32, #tpu.memory_space<vmem>> -> memref<64xi32, #tpu.memory_space<vmem>>
    %dma_start3A_106 = arith.constant 0 : i32
    %dma_start3A_107 = arith.constant 0 : i32
    %dma_start3A_108 = tpu.memref_slice %arg4[%dma_start3A_106, %dma_start3A_107] : memref<1000000x128xf32, #tpu.memory_space<hbm>> -> memref<1000000x128xf32, #tpu.memory_space<hbm>>
    tpu.enqueue_indirect_dma source(%dma_start3A_108 : memref<1000000x128xf32, #tpu.memory_space<hbm>>) target(%arg10 : memref<64x128xf32, #tpu.memory_space<vmem>>) offsets(%dma_start3A_105 : memref<64xi32, #tpu.memory_space<vmem>>) semaphore(%arg15 : memref<!tpu.dma_semaphore, #tpu.memory_space<semaphore_mem>>)
    %dma_start3A_109 = arith.constant 256 : i32
    %dma_start3A_110 = tpu.memref_slice %arg9[%dma_start3A_109] : memref<512xi32, #tpu.memory_space<vmem>> -> memref<64xi32, #tpu.memory_space<vmem>>
    %dma_start3A_111 = arith.constant 0 : i32
    %dma_start3A_112 = arith.constant 0 : i32
    %dma_start3A_113 = tpu.memref_slice %arg4[%dma_start3A_111, %dma_start3A_112] : memref<1000000x128xf32, #tpu.memory_space<hbm>> -> memref<1000000x128xf32, #tpu.memory_space<hbm>>
    tpu.enqueue_indirect_dma source(%dma_start3A_113 : memref<1000000x128xf32, #tpu.memory_space<hbm>>) target(%arg11 : memref<64x128xf32, #tpu.memory_space<vmem>>) offsets(%dma_start3A_110 : memref<64xi32, #tpu.memory_space<vmem>>) semaphore(%arg15 : memref<!tpu.dma_semaphore, #tpu.memory_space<semaphore_mem>>)
    %dma_wait3A_114 = arith.constant 256 : i32
    %dma_wait3A_115 = tpu.memref_slice %arg8[%dma_wait3A_114] : memref<512xi32, #tpu.memory_space<vmem>> -> memref<64xi32, #tpu.memory_space<vmem>>
    %dma_wait3A_116 = arith.constant 0 : i32
    %dma_wait3A_117 = arith.constant 0 : i32
    %dma_wait3A_118 = tpu.memref_slice %arg4[%dma_wait3A_116, %dma_wait3A_117] : memref<1000000x128xf32, #tpu.memory_space<hbm>> -> memref<1000000x128xf32, #tpu.memory_space<hbm>>
    tpu.wait_indirect_dma semaphore(%arg15 : memref<!tpu.dma_semaphore, #tpu.memory_space<semaphore_mem>>) src(%dma_wait3A_118 : memref<1000000x128xf32, #tpu.memory_space<hbm>>) dst(%arg10 : memref<64x128xf32, #tpu.memory_space<vmem>>)
    %dma_wait3A_119 = arith.constant 256 : i32
    %dma_wait3A_120 = tpu.memref_slice %arg9[%dma_wait3A_119] : memref<512xi32, #tpu.memory_space<vmem>> -> memref<64xi32, #tpu.memory_space<vmem>>
    %dma_wait3A_121 = arith.constant 0 : i32
    %dma_wait3A_122 = arith.constant 0 : i32
    %dma_wait3A_123 = tpu.memref_slice %arg4[%dma_wait3A_121, %dma_wait3A_122] : memref<1000000x128xf32, #tpu.memory_space<hbm>> -> memref<1000000x128xf32, #tpu.memory_space<hbm>>
    tpu.wait_indirect_dma semaphore(%arg15 : memref<!tpu.dma_semaphore, #tpu.memory_space<semaphore_mem>>) src(%dma_wait3A_123 : memref<1000000x128xf32, #tpu.memory_space<hbm>>) dst(%arg11 : memref<64x128xf32, #tpu.memory_space<vmem>>)
    %scan3A_124 = arith.constant 0 : i32
    %scan3A_125 = arith.constant 0 : i32
    %scan3A_126 = arith.constant 4 : i32
    %scan3A_127 = arith.addi %scan3A_125, %scan3A_126 : i32
    %scan3A_128 = arith.constant 1 : i32
    scf.for %scan3A_208 = %scan3A_125 to %scan3A_127 step %scan3A_128  : i32 {
      %mul3A_209 = arith.constant 16 : i32
      %mul3A_210 = arith.muli %scan3A_208, %mul3A_209 : i32
      %add3A_211 = arith.constant 256 : i32
      %add3A_212 = arith.addi %add3A_211, %mul3A_210 : i32
      %iota3A = tpu.iota {dimensions = array<i32: 0>} : vector<16xi32>
      %add3A_213 = vector.broadcast %add3A_212 : i32 to vector<16xi32>
      %add3A_214 = arith.addi %add3A_213, %iota3A : vector<16xi32>
      %mul3A_215 = arith.constant 16 : i32
      %mul3A_216 = arith.muli %scan3A_208, %mul3A_215 : i32
      %iota3A_217 = tpu.iota {dimensions = array<i32: 0>} : vector<16xi32>
      %add3A_218 = vector.broadcast %mul3A_216 : i32 to vector<16xi32>
      %add3A_219 = arith.addi %add3A_218, %iota3A_217 : vector<16xi32>
      %gather3A = tpu.vector_load_idx %arg12[%add3A_214] : memref<512xf32, #tpu.memory_space<vmem>>[vector<16xi32>], vector<16xf32>,
      %gather3A_220 = tpu.vector_load_idx %arg13[%add3A_214] : memref<512xf32, #tpu.memory_space<vmem>>[vector<16xi32>], vector<16xf32>,
      %add3A_221 = arith.addf %gather3A, %gather3A_220 : vector<16xf32>
      %scan3A_222 = arith.constant 0 : i32
      %scan3A_223 = arith.constant 8 : i32
      %scan3A_224 = arith.addi %scan3A_222, %scan3A_223 : i32
      %scan3A_225 = arith.constant 1 : i32
      %scan3A_226 = scf.for %scan3A_228 = %scan3A_222 to %scan3A_224 step %scan3A_225 iter_args(%scan3A_229 = %add3A_221) -> (vector<16xf32>)  : i32 {
        %mul3A_230 = arith.constant 8 : i32
        %mul3A_231 = arith.muli %scan3A_228, %mul3A_230 : i32
        %add3A_232 = arith.constant 0 : i32
        %add3A_233 = arith.addi %mul3A_231, %add3A_232 : i32
        %broadcast_in_dim3A = vector.broadcast %add3A_233 : i32 to vector<16xi32>
        %gather3A_234 = tpu.vector_load_idx %arg10[%add3A_219, %broadcast_in_dim3A] : memref<64x128xf32, #tpu.memory_space<vmem>>[vector<16xi32>, vector<16xi32>], vector<16xf32>,
        %add3A_235 = arith.constant 64 : i32
        %add3A_236 = vector.broadcast %add3A_235 : i32 to vector<16xi32>
        %add3A_237 = arith.addi %broadcast_in_dim3A, %add3A_236 : vector<16xi32>
        %gather3A_238 = tpu.vector_load_idx %arg11[%add3A_219, %add3A_237] : memref<64x128xf32, #tpu.memory_space<vmem>>[vector<16xi32>, vector<16xi32>], vector<16xf32>,
        %mul3A_239 = arith.mulf %gather3A_234, %gather3A_238 : vector<16xf32>
        %add3A_240 = arith.addf %scan3A_229, %mul3A_239 : vector<16xf32>
        %mul3A_241 = arith.constant 8 : i32
        %mul3A_242 = arith.muli %scan3A_228, %mul3A_241 : i32
        %add3A_243 = arith.constant 1 : i32
        %add3A_244 = arith.addi %mul3A_242, %add3A_243 : i32
        %broadcast_in_dim3A_245 = vector.broadcast %add3A_244 : i32 to vector<16xi32>
        %gather3A_246 = tpu.vector_load_idx %arg10[%add3A_219, %broadcast_in_dim3A_245] : memref<64x128xf32, #tpu.memory_space<vmem>>[vector<16xi32>, vector<16xi32>], vector<16xf32>,
        %add3A_247 = arith.constant 64 : i32
        %add3A_248 = vector.broadcast %add3A_247 : i32 to vector<16xi32>
        %add3A_249 = arith.addi %broadcast_in_dim3A_245, %add3A_248 : vector<16xi32>
        %gather3A_250 = tpu.vector_load_idx %arg11[%add3A_219, %add3A_249] : memref<64x128xf32, #tpu.memory_space<vmem>>[vector<16xi32>, vector<16xi32>], vector<16xf32>,
        %mul3A_251 = arith.mulf %gather3A_246, %gather3A_250 : vector<16xf32>
        %add3A_252 = arith.addf %add3A_240, %mul3A_251 : vector<16xf32>
        %mul3A_253 = arith.constant 8 : i32
        %mul3A_254 = arith.muli %scan3A_228, %mul3A_253 : i32
        %add3A_255 = arith.constant 2 : i32
        %add3A_256 = arith.addi %mul3A_254, %add3A_255 : i32
        %broadcast_in_dim3A_257 = vector.broadcast %add3A_256 : i32 to vector<16xi32>
        %gather3A_258 = tpu.vector_load_idx %arg10[%add3A_219, %broadcast_in_dim3A_257] : memref<64x128xf32, #tpu.memory_space<vmem>>[vector<16xi32>, vector<16xi32>], vector<16xf32>,
        %add3A_259 = arith.constant 64 : i32
        %add3A_260 = vector.broadcast %add3A_259 : i32 to vector<16xi32>
        %add3A_261 = arith.addi %broadcast_in_dim3A_257, %add3A_260 : vector<16xi32>
        %gather3A_262 = tpu.vector_load_idx %arg11[%add3A_219, %add3A_261] : memref<64x128xf32, #tpu.memory_space<vmem>>[vector<16xi32>, vector<16xi32>], vector<16xf32>,
        %mul3A_263 = arith.mulf %gather3A_258, %gather3A_262 : vector<16xf32>
        %add3A_264 = arith.addf %add3A_252, %mul3A_263 : vector<16xf32>
        %mul3A_265 = arith.constant 8 : i32
        %mul3A_266 = arith.muli %scan3A_228, %mul3A_265 : i32
        %add3A_267 = arith.constant 3 : i32
        %add3A_268 = arith.addi %mul3A_266, %add3A_267 : i32
        %broadcast_in_dim3A_269 = vector.broadcast %add3A_268 : i32 to vector<16xi32>
        %gather3A_270 = tpu.vector_load_idx %arg10[%add3A_219, %broadcast_in_dim3A_269] : memref<64x128xf32, #tpu.memory_space<vmem>>[vector<16xi32>, vector<16xi32>], vector<16xf32>,
        %add3A_271 = arith.constant 64 : i32
        %add3A_272 = vector.broadcast %add3A_271 : i32 to vector<16xi32>
        %add3A_273 = arith.addi %broadcast_in_dim3A_269, %add3A_272 : vector<16xi32>
        %gather3A_274 = tpu.vector_load_idx %arg11[%add3A_219, %add3A_273] : memref<64x128xf32, #tpu.memory_space<vmem>>[vector<16xi32>, vector<16xi32>], vector<16xf32>,
        %mul3A_275 = arith.mulf %gather3A_270, %gather3A_274 : vector<16xf32>
        %add3A_276 = arith.addf %add3A_264, %mul3A_275 : vector<16xf32>
        %mul3A_277 = arith.constant 8 : i32
        %mul3A_278 = arith.muli %scan3A_228, %mul3A_277 : i32
        %add3A_279 = arith.constant 4 : i32
        %add3A_280 = arith.addi %mul3A_278, %add3A_279 : i32
        %broadcast_in_dim3A_281 = vector.broadcast %add3A_280 : i32 to vector<16xi32>
        %gather3A_282 = tpu.vector_load_idx %arg10[%add3A_219, %broadcast_in_dim3A_281] : memref<64x128xf32, #tpu.memory_space<vmem>>[vector<16xi32>, vector<16xi32>], vector<16xf32>,
        %add3A_283 = arith.constant 64 : i32
        %add3A_284 = vector.broadcast %add3A_283 : i32 to vector<16xi32>
        %add3A_285 = arith.addi %broadcast_in_dim3A_281, %add3A_284 : vector<16xi32>
        %gather3A_286 = tpu.vector_load_idx %arg11[%add3A_219, %add3A_285] : memref<64x128xf32, #tpu.memory_space<vmem>>[vector<16xi32>, vector<16xi32>], vector<16xf32>,
        %mul3A_287 = arith.mulf %gather3A_282, %gather3A_286 : vector<16xf32>
        %add3A_288 = arith.addf %add3A_276, %mul3A_287 : vector<16xf32>
        %mul3A_289 = arith.constant 8 : i32
        %mul3A_290 = arith.muli %scan3A_228, %mul3A_289 : i32
        %add3A_291 = arith.constant 5 : i32
        %add3A_292 = arith.addi %mul3A_290, %add3A_291 : i32
        %broadcast_in_dim3A_293 = vector.broadcast %add3A_292 : i32 to vector<16xi32>
        %gather3A_294 = tpu.vector_load_idx %arg10[%add3A_219, %broadcast_in_dim3A_293] : memref<64x128xf32, #tpu.memory_space<vmem>>[vector<16xi32>, vector<16xi32>], vector<16xf32>,
        %add3A_295 = arith.constant 64 : i32
        %add3A_296 = vector.broadcast %add3A_295 : i32 to vector<16xi32>
        %add3A_297 = arith.addi %broadcast_in_dim3A_293, %add3A_296 : vector<16xi32>
        %gather3A_298 = tpu.vector_load_idx %arg11[%add3A_219, %add3A_297] : memref<64x128xf32, #tpu.memory_space<vmem>>[vector<16xi32>, vector<16xi32>], vector<16xf32>,
        %mul3A_299 = arith.mulf %gather3A_294, %gather3A_298 : vector<16xf32>
        %add3A_300 = arith.addf %add3A_288, %mul3A_299 : vector<16xf32>
        %mul3A_301 = arith.constant 8 : i32
        %mul3A_302 = arith.muli %scan3A_228, %mul3A_301 : i32
        %add3A_303 = arith.constant 6 : i32
        %add3A_304 = arith.addi %mul3A_302, %add3A_303 : i32
        %broadcast_in_dim3A_305 = vector.broadcast %add3A_304 : i32 to vector<16xi32>
        %gather3A_306 = tpu.vector_load_idx %arg10[%add3A_219, %broadcast_in_dim3A_305] : memref<64x128xf32, #tpu.memory_space<vmem>>[vector<16xi32>, vector<16xi32>], vector<16xf32>,
        %add3A_307 = arith.constant 64 : i32
        %add3A_308 = vector.broadcast %add3A_307 : i32 to vector<16xi32>
        %add3A_309 = arith.addi %broadcast_in_dim3A_305, %add3A_308 : vector<16xi32>
        %gather3A_310 = tpu.vector_load_idx %arg11[%add3A_219, %add3A_309] : memref<64x128xf32, #tpu.memory_space<vmem>>[vector<16xi32>, vector<16xi32>], vector<16xf32>,
        %mul3A_311 = arith.mulf %gather3A_306, %gather3A_310 : vector<16xf32>
        %add3A_312 = arith.addf %add3A_300, %mul3A_311 : vector<16xf32>
        %mul3A_313 = arith.constant 8 : i32
        %mul3A_314 = arith.muli %scan3A_228, %mul3A_313 : i32
        %add3A_315 = arith.constant 7 : i32
        %add3A_316 = arith.addi %mul3A_314, %add3A_315 : i32
        %broadcast_in_dim3A_317 = vector.broadcast %add3A_316 : i32 to vector<16xi32>
        %gather3A_318 = tpu.vector_load_idx %arg10[%add3A_219, %broadcast_in_dim3A_317] : memref<64x128xf32, #tpu.memory_space<vmem>>[vector<16xi32>, vector<16xi32>], vector<16xf32>,
        %add3A_319 = arith.constant 64 : i32
        %add3A_320 = vector.broadcast %add3A_319 : i32 to vector<16xi32>
        %add3A_321 = arith.addi %broadcast_in_dim3A_317, %add3A_320 : vector<16xi32>
        %gather3A_322 = tpu.vector_load_idx %arg11[%add3A_219, %add3A_321] : memref<64x128xf32, #tpu.memory_space<vmem>>[vector<16xi32>, vector<16xi32>], vector<16xf32>,
        %mul3A_323 = arith.mulf %gather3A_318, %gather3A_322 : vector<16xf32>
        %add3A_324 = arith.addf %add3A_312, %mul3A_323 : vector<16xf32>
        scf.yield %add3A_324 : vector<16xf32>
      }
      %scan3A_227 = arith.constant 8 : i32
      tpu.vector_store_idx %arg14[%add3A_214], %scan3A_226 : memref<512xf32, #tpu.memory_space<vmem>>[vector<16xi32>], vector<16xf32>,
    }
    %scan3A_129 = arith.constant 4 : i32
    %dma_start3A_130 = arith.constant 320 : i32
    %dma_start3A_131 = tpu.memref_slice %arg8[%dma_start3A_130] : memref<512xi32, #tpu.memory_space<vmem>> -> memref<64xi32, #tpu.memory_space<vmem>>
    %dma_start3A_132 = arith.constant 0 : i32
    %dma_start3A_133 = arith.constant 0 : i32
    %dma_start3A_134 = tpu.memref_slice %arg4[%dma_start3A_132, %dma_start3A_133] : memref<1000000x128xf32, #tpu.memory_space<hbm>> -> memref<1000000x128xf32, #tpu.memory_space<hbm>>
    tpu.enqueue_indirect_dma source(%dma_start3A_134 : memref<1000000x128xf32, #tpu.memory_space<hbm>>) target(%arg10 : memref<64x128xf32, #tpu.memory_space<vmem>>) offsets(%dma_start3A_131 : memref<64xi32, #tpu.memory_space<vmem>>) semaphore(%arg15 : memref<!tpu.dma_semaphore, #tpu.memory_space<semaphore_mem>>)
    %dma_start3A_135 = arith.constant 320 : i32
    %dma_start3A_136 = tpu.memref_slice %arg9[%dma_start3A_135] : memref<512xi32, #tpu.memory_space<vmem>> -> memref<64xi32, #tpu.memory_space<vmem>>
    %dma_start3A_137 = arith.constant 0 : i32
    %dma_start3A_138 = arith.constant 0 : i32
    %dma_start3A_139 = tpu.memref_slice %arg4[%dma_start3A_137, %dma_start3A_138] : memref<1000000x128xf32, #tpu.memory_space<hbm>> -> memref<1000000x128xf32, #tpu.memory_space<hbm>>
    tpu.enqueue_indirect_dma source(%dma_start3A_139 : memref<1000000x128xf32, #tpu.memory_space<hbm>>) target(%arg11 : memref<64x128xf32, #tpu.memory_space<vmem>>) offsets(%dma_start3A_136 : memref<64xi32, #tpu.memory_space<vmem>>) semaphore(%arg15 : memref<!tpu.dma_semaphore, #tpu.memory_space<semaphore_mem>>)
    %dma_wait3A_140 = arith.constant 320 : i32
    %dma_wait3A_141 = tpu.memref_slice %arg8[%dma_wait3A_140] : memref<512xi32, #tpu.memory_space<vmem>> -> memref<64xi32, #tpu.memory_space<vmem>>
    %dma_wait3A_142 = arith.constant 0 : i32
    %dma_wait3A_143 = arith.constant 0 : i32
    %dma_wait3A_144 = tpu.memref_slice %arg4[%dma_wait3A_142, %dma_wait3A_143] : memref<1000000x128xf32, #tpu.memory_space<hbm>> -> memref<1000000x128xf32, #tpu.memory_space<hbm>>
    tpu.wait_indirect_dma semaphore(%arg15 : memref<!tpu.dma_semaphore, #tpu.memory_space<semaphore_mem>>) src(%dma_wait3A_144 : memref<1000000x128xf32, #tpu.memory_space<hbm>>) dst(%arg10 : memref<64x128xf32, #tpu.memory_space<vmem>>)
    %dma_wait3A_145 = arith.constant 320 : i32
    %dma_wait3A_146 = tpu.memref_slice %arg9[%dma_wait3A_145] : memref<512xi32, #tpu.memory_space<vmem>> -> memref<64xi32, #tpu.memory_space<vmem>>
    %dma_wait3A_147 = arith.constant 0 : i32
    %dma_wait3A_148 = arith.constant 0 : i32
    %dma_wait3A_149 = tpu.memref_slice %arg4[%dma_wait3A_147, %dma_wait3A_148] : memref<1000000x128xf32, #tpu.memory_space<hbm>> -> memref<1000000x128xf32, #tpu.memory_space<hbm>>
    tpu.wait_indirect_dma semaphore(%arg15 : memref<!tpu.dma_semaphore, #tpu.memory_space<semaphore_mem>>) src(%dma_wait3A_149 : memref<1000000x128xf32, #tpu.memory_space<hbm>>) dst(%arg11 : memref<64x128xf32, #tpu.memory_space<vmem>>)
    %scan3A_150 = arith.constant 0 : i32
    %scan3A_151 = arith.constant 0 : i32
    %scan3A_152 = arith.constant 4 : i32
    %scan3A_153 = arith.addi %scan3A_151, %scan3A_152 : i32
    %scan3A_154 = arith.constant 1 : i32
    scf.for %scan3A_208 = %scan3A_151 to %scan3A_153 step %scan3A_154  : i32 {
      %mul3A_209 = arith.constant 16 : i32
      %mul3A_210 = arith.muli %scan3A_208, %mul3A_209 : i32
      %add3A_211 = arith.constant 320 : i32
      %add3A_212 = arith.addi %add3A_211, %mul3A_210 : i32
      %iota3A = tpu.iota {dimensions = array<i32: 0>} : vector<16xi32>
      %add3A_213 = vector.broadcast %add3A_212 : i32 to vector<16xi32>
      %add3A_214 = arith.addi %add3A_213, %iota3A : vector<16xi32>
      %mul3A_215 = arith.constant 16 : i32
      %mul3A_216 = arith.muli %scan3A_208, %mul3A_215 : i32
      %iota3A_217 = tpu.iota {dimensions = array<i32: 0>} : vector<16xi32>
      %add3A_218 = vector.broadcast %mul3A_216 : i32 to vector<16xi32>
      %add3A_219 = arith.addi %add3A_218, %iota3A_217 : vector<16xi32>
      %gather3A = tpu.vector_load_idx %arg12[%add3A_214] : memref<512xf32, #tpu.memory_space<vmem>>[vector<16xi32>], vector<16xf32>,
      %gather3A_220 = tpu.vector_load_idx %arg13[%add3A_214] : memref<512xf32, #tpu.memory_space<vmem>>[vector<16xi32>], vector<16xf32>,
      %add3A_221 = arith.addf %gather3A, %gather3A_220 : vector<16xf32>
      %scan3A_222 = arith.constant 0 : i32
      %scan3A_223 = arith.constant 8 : i32
      %scan3A_224 = arith.addi %scan3A_222, %scan3A_223 : i32
      %scan3A_225 = arith.constant 1 : i32
      %scan3A_226 = scf.for %scan3A_228 = %scan3A_222 to %scan3A_224 step %scan3A_225 iter_args(%scan3A_229 = %add3A_221) -> (vector<16xf32>)  : i32 {
        %mul3A_230 = arith.constant 8 : i32
        %mul3A_231 = arith.muli %scan3A_228, %mul3A_230 : i32
        %add3A_232 = arith.constant 0 : i32
        %add3A_233 = arith.addi %mul3A_231, %add3A_232 : i32
        %broadcast_in_dim3A = vector.broadcast %add3A_233 : i32 to vector<16xi32>
        %gather3A_234 = tpu.vector_load_idx %arg10[%add3A_219, %broadcast_in_dim3A] : memref<64x128xf32, #tpu.memory_space<vmem>>[vector<16xi32>, vector<16xi32>], vector<16xf32>,
        %add3A_235 = arith.constant 64 : i32
        %add3A_236 = vector.broadcast %add3A_235 : i32 to vector<16xi32>
        %add3A_237 = arith.addi %broadcast_in_dim3A, %add3A_236 : vector<16xi32>
        %gather3A_238 = tpu.vector_load_idx %arg11[%add3A_219, %add3A_237] : memref<64x128xf32, #tpu.memory_space<vmem>>[vector<16xi32>, vector<16xi32>], vector<16xf32>,
        %mul3A_239 = arith.mulf %gather3A_234, %gather3A_238 : vector<16xf32>
        %add3A_240 = arith.addf %scan3A_229, %mul3A_239 : vector<16xf32>
        %mul3A_241 = arith.constant 8 : i32
        %mul3A_242 = arith.muli %scan3A_228, %mul3A_241 : i32
        %add3A_243 = arith.constant 1 : i32
        %add3A_244 = arith.addi %mul3A_242, %add3A_243 : i32
        %broadcast_in_dim3A_245 = vector.broadcast %add3A_244 : i32 to vector<16xi32>
        %gather3A_246 = tpu.vector_load_idx %arg10[%add3A_219, %broadcast_in_dim3A_245] : memref<64x128xf32, #tpu.memory_space<vmem>>[vector<16xi32>, vector<16xi32>], vector<16xf32>,
        %add3A_247 = arith.constant 64 : i32
        %add3A_248 = vector.broadcast %add3A_247 : i32 to vector<16xi32>
        %add3A_249 = arith.addi %broadcast_in_dim3A_245, %add3A_248 : vector<16xi32>
        %gather3A_250 = tpu.vector_load_idx %arg11[%add3A_219, %add3A_249] : memref<64x128xf32, #tpu.memory_space<vmem>>[vector<16xi32>, vector<16xi32>], vector<16xf32>,
        %mul3A_251 = arith.mulf %gather3A_246, %gather3A_250 : vector<16xf32>
        %add3A_252 = arith.addf %add3A_240, %mul3A_251 : vector<16xf32>
        %mul3A_253 = arith.constant 8 : i32
        %mul3A_254 = arith.muli %scan3A_228, %mul3A_253 : i32
        %add3A_255 = arith.constant 2 : i32
        %add3A_256 = arith.addi %mul3A_254, %add3A_255 : i32
        %broadcast_in_dim3A_257 = vector.broadcast %add3A_256 : i32 to vector<16xi32>
        %gather3A_258 = tpu.vector_load_idx %arg10[%add3A_219, %broadcast_in_dim3A_257] : memref<64x128xf32, #tpu.memory_space<vmem>>[vector<16xi32>, vector<16xi32>], vector<16xf32>,
        %add3A_259 = arith.constant 64 : i32
        %add3A_260 = vector.broadcast %add3A_259 : i32 to vector<16xi32>
        %add3A_261 = arith.addi %broadcast_in_dim3A_257, %add3A_260 : vector<16xi32>
        %gather3A_262 = tpu.vector_load_idx %arg11[%add3A_219, %add3A_261] : memref<64x128xf32, #tpu.memory_space<vmem>>[vector<16xi32>, vector<16xi32>], vector<16xf32>,
        %mul3A_263 = arith.mulf %gather3A_258, %gather3A_262 : vector<16xf32>
        %add3A_264 = arith.addf %add3A_252, %mul3A_263 : vector<16xf32>
        %mul3A_265 = arith.constant 8 : i32
        %mul3A_266 = arith.muli %scan3A_228, %mul3A_265 : i32
        %add3A_267 = arith.constant 3 : i32
        %add3A_268 = arith.addi %mul3A_266, %add3A_267 : i32
        %broadcast_in_dim3A_269 = vector.broadcast %add3A_268 : i32 to vector<16xi32>
        %gather3A_270 = tpu.vector_load_idx %arg10[%add3A_219, %broadcast_in_dim3A_269] : memref<64x128xf32, #tpu.memory_space<vmem>>[vector<16xi32>, vector<16xi32>], vector<16xf32>,
        %add3A_271 = arith.constant 64 : i32
        %add3A_272 = vector.broadcast %add3A_271 : i32 to vector<16xi32>
        %add3A_273 = arith.addi %broadcast_in_dim3A_269, %add3A_272 : vector<16xi32>
        %gather3A_274 = tpu.vector_load_idx %arg11[%add3A_219, %add3A_273] : memref<64x128xf32, #tpu.memory_space<vmem>>[vector<16xi32>, vector<16xi32>], vector<16xf32>,
        %mul3A_275 = arith.mulf %gather3A_270, %gather3A_274 : vector<16xf32>
        %add3A_276 = arith.addf %add3A_264, %mul3A_275 : vector<16xf32>
        %mul3A_277 = arith.constant 8 : i32
        %mul3A_278 = arith.muli %scan3A_228, %mul3A_277 : i32
        %add3A_279 = arith.constant 4 : i32
        %add3A_280 = arith.addi %mul3A_278, %add3A_279 : i32
        %broadcast_in_dim3A_281 = vector.broadcast %add3A_280 : i32 to vector<16xi32>
        %gather3A_282 = tpu.vector_load_idx %arg10[%add3A_219, %broadcast_in_dim3A_281] : memref<64x128xf32, #tpu.memory_space<vmem>>[vector<16xi32>, vector<16xi32>], vector<16xf32>,
        %add3A_283 = arith.constant 64 : i32
        %add3A_284 = vector.broadcast %add3A_283 : i32 to vector<16xi32>
        %add3A_285 = arith.addi %broadcast_in_dim3A_281, %add3A_284 : vector<16xi32>
        %gather3A_286 = tpu.vector_load_idx %arg11[%add3A_219, %add3A_285] : memref<64x128xf32, #tpu.memory_space<vmem>>[vector<16xi32>, vector<16xi32>], vector<16xf32>,
        %mul3A_287 = arith.mulf %gather3A_282, %gather3A_286 : vector<16xf32>
        %add3A_288 = arith.addf %add3A_276, %mul3A_287 : vector<16xf32>
        %mul3A_289 = arith.constant 8 : i32
        %mul3A_290 = arith.muli %scan3A_228, %mul3A_289 : i32
        %add3A_291 = arith.constant 5 : i32
        %add3A_292 = arith.addi %mul3A_290, %add3A_291 : i32
        %broadcast_in_dim3A_293 = vector.broadcast %add3A_292 : i32 to vector<16xi32>
        %gather3A_294 = tpu.vector_load_idx %arg10[%add3A_219, %broadcast_in_dim3A_293] : memref<64x128xf32, #tpu.memory_space<vmem>>[vector<16xi32>, vector<16xi32>], vector<16xf32>,
        %add3A_295 = arith.constant 64 : i32
        %add3A_296 = vector.broadcast %add3A_295 : i32 to vector<16xi32>
        %add3A_297 = arith.addi %broadcast_in_dim3A_293, %add3A_296 : vector<16xi32>
        %gather3A_298 = tpu.vector_load_idx %arg11[%add3A_219, %add3A_297] : memref<64x128xf32, #tpu.memory_space<vmem>>[vector<16xi32>, vector<16xi32>], vector<16xf32>,
        %mul3A_299 = arith.mulf %gather3A_294, %gather3A_298 : vector<16xf32>
        %add3A_300 = arith.addf %add3A_288, %mul3A_299 : vector<16xf32>
        %mul3A_301 = arith.constant 8 : i32
        %mul3A_302 = arith.muli %scan3A_228, %mul3A_301 : i32
        %add3A_303 = arith.constant 6 : i32
        %add3A_304 = arith.addi %mul3A_302, %add3A_303 : i32
        %broadcast_in_dim3A_305 = vector.broadcast %add3A_304 : i32 to vector<16xi32>
        %gather3A_306 = tpu.vector_load_idx %arg10[%add3A_219, %broadcast_in_dim3A_305] : memref<64x128xf32, #tpu.memory_space<vmem>>[vector<16xi32>, vector<16xi32>], vector<16xf32>,
        %add3A_307 = arith.constant 64 : i32
        %add3A_308 = vector.broadcast %add3A_307 : i32 to vector<16xi32>
        %add3A_309 = arith.addi %broadcast_in_dim3A_305, %add3A_308 : vector<16xi32>
        %gather3A_310 = tpu.vector_load_idx %arg11[%add3A_219, %add3A_309] : memref<64x128xf32, #tpu.memory_space<vmem>>[vector<16xi32>, vector<16xi32>], vector<16xf32>,
        %mul3A_311 = arith.mulf %gather3A_306, %gather3A_310 : vector<16xf32>
        %add3A_312 = arith.addf %add3A_300, %mul3A_311 : vector<16xf32>
        %mul3A_313 = arith.constant 8 : i32
        %mul3A_314 = arith.muli %scan3A_228, %mul3A_313 : i32
        %add3A_315 = arith.constant 7 : i32
        %add3A_316 = arith.addi %mul3A_314, %add3A_315 : i32
        %broadcast_in_dim3A_317 = vector.broadcast %add3A_316 : i32 to vector<16xi32>
        %gather3A_318 = tpu.vector_load_idx %arg10[%add3A_219, %broadcast_in_dim3A_317] : memref<64x128xf32, #tpu.memory_space<vmem>>[vector<16xi32>, vector<16xi32>], vector<16xf32>,
        %add3A_319 = arith.constant 64 : i32
        %add3A_320 = vector.broadcast %add3A_319 : i32 to vector<16xi32>
        %add3A_321 = arith.addi %broadcast_in_dim3A_317, %add3A_320 : vector<16xi32>
        %gather3A_322 = tpu.vector_load_idx %arg11[%add3A_219, %add3A_321] : memref<64x128xf32, #tpu.memory_space<vmem>>[vector<16xi32>, vector<16xi32>], vector<16xf32>,
        %mul3A_323 = arith.mulf %gather3A_318, %gather3A_322 : vector<16xf32>
        %add3A_324 = arith.addf %add3A_312, %mul3A_323 : vector<16xf32>
        scf.yield %add3A_324 : vector<16xf32>
      }
      %scan3A_227 = arith.constant 8 : i32
      tpu.vector_store_idx %arg14[%add3A_214], %scan3A_226 : memref<512xf32, #tpu.memory_space<vmem>>[vector<16xi32>], vector<16xf32>,
    }
    %scan3A_155 = arith.constant 4 : i32
    %dma_start3A_156 = arith.constant 384 : i32
    %dma_start3A_157 = tpu.memref_slice %arg8[%dma_start3A_156] : memref<512xi32, #tpu.memory_space<vmem>> -> memref<64xi32, #tpu.memory_space<vmem>>
    %dma_start3A_158 = arith.constant 0 : i32
    %dma_start3A_159 = arith.constant 0 : i32
    %dma_start3A_160 = tpu.memref_slice %arg4[%dma_start3A_158, %dma_start3A_159] : memref<1000000x128xf32, #tpu.memory_space<hbm>> -> memref<1000000x128xf32, #tpu.memory_space<hbm>>
    tpu.enqueue_indirect_dma source(%dma_start3A_160 : memref<1000000x128xf32, #tpu.memory_space<hbm>>) target(%arg10 : memref<64x128xf32, #tpu.memory_space<vmem>>) offsets(%dma_start3A_157 : memref<64xi32, #tpu.memory_space<vmem>>) semaphore(%arg15 : memref<!tpu.dma_semaphore, #tpu.memory_space<semaphore_mem>>)
    %dma_start3A_161 = arith.constant 384 : i32
    %dma_start3A_162 = tpu.memref_slice %arg9[%dma_start3A_161] : memref<512xi32, #tpu.memory_space<vmem>> -> memref<64xi32, #tpu.memory_space<vmem>>
    %dma_start3A_163 = arith.constant 0 : i32
    %dma_start3A_164 = arith.constant 0 : i32
    %dma_start3A_165 = tpu.memref_slice %arg4[%dma_start3A_163, %dma_start3A_164] : memref<1000000x128xf32, #tpu.memory_space<hbm>> -> memref<1000000x128xf32, #tpu.memory_space<hbm>>
    tpu.enqueue_indirect_dma source(%dma_start3A_165 : memref<1000000x128xf32, #tpu.memory_space<hbm>>) target(%arg11 : memref<64x128xf32, #tpu.memory_space<vmem>>) offsets(%dma_start3A_162 : memref<64xi32, #tpu.memory_space<vmem>>) semaphore(%arg15 : memref<!tpu.dma_semaphore, #tpu.memory_space<semaphore_mem>>)
    %dma_wait3A_166 = arith.constant 384 : i32
    %dma_wait3A_167 = tpu.memref_slice %arg8[%dma_wait3A_166] : memref<512xi32, #tpu.memory_space<vmem>> -> memref<64xi32, #tpu.memory_space<vmem>>
    %dma_wait3A_168 = arith.constant 0 : i32
    %dma_wait3A_169 = arith.constant 0 : i32
    %dma_wait3A_170 = tpu.memref_slice %arg4[%dma_wait3A_168, %dma_wait3A_169] : memref<1000000x128xf32, #tpu.memory_space<hbm>> -> memref<1000000x128xf32, #tpu.memory_space<hbm>>
    tpu.wait_indirect_dma semaphore(%arg15 : memref<!tpu.dma_semaphore, #tpu.memory_space<semaphore_mem>>) src(%dma_wait3A_170 : memref<1000000x128xf32, #tpu.memory_space<hbm>>) dst(%arg10 : memref<64x128xf32, #tpu.memory_space<vmem>>)
    %dma_wait3A_171 = arith.constant 384 : i32
    %dma_wait3A_172 = tpu.memref_slice %arg9[%dma_wait3A_171] : memref<512xi32, #tpu.memory_space<vmem>> -> memref<64xi32, #tpu.memory_space<vmem>>
    %dma_wait3A_173 = arith.constant 0 : i32
    %dma_wait3A_174 = arith.constant 0 : i32
    %dma_wait3A_175 = tpu.memref_slice %arg4[%dma_wait3A_173, %dma_wait3A_174] : memref<1000000x128xf32, #tpu.memory_space<hbm>> -> memref<1000000x128xf32, #tpu.memory_space<hbm>>
    tpu.wait_indirect_dma semaphore(%arg15 : memref<!tpu.dma_semaphore, #tpu.memory_space<semaphore_mem>>) src(%dma_wait3A_175 : memref<1000000x128xf32, #tpu.memory_space<hbm>>) dst(%arg11 : memref<64x128xf32, #tpu.memory_space<vmem>>)
    %scan3A_176 = arith.constant 0 : i32
    %scan3A_177 = arith.constant 0 : i32
    %scan3A_178 = arith.constant 4 : i32
    %scan3A_179 = arith.addi %scan3A_177, %scan3A_178 : i32
    %scan3A_180 = arith.constant 1 : i32
    scf.for %scan3A_208 = %scan3A_177 to %scan3A_179 step %scan3A_180  : i32 {
      %mul3A_209 = arith.constant 16 : i32
      %mul3A_210 = arith.muli %scan3A_208, %mul3A_209 : i32
      %add3A_211 = arith.constant 384 : i32
      %add3A_212 = arith.addi %add3A_211, %mul3A_210 : i32
      %iota3A = tpu.iota {dimensions = array<i32: 0>} : vector<16xi32>
      %add3A_213 = vector.broadcast %add3A_212 : i32 to vector<16xi32>
      %add3A_214 = arith.addi %add3A_213, %iota3A : vector<16xi32>
      %mul3A_215 = arith.constant 16 : i32
      %mul3A_216 = arith.muli %scan3A_208, %mul3A_215 : i32
      %iota3A_217 = tpu.iota {dimensions = array<i32: 0>} : vector<16xi32>
      %add3A_218 = vector.broadcast %mul3A_216 : i32 to vector<16xi32>
      %add3A_219 = arith.addi %add3A_218, %iota3A_217 : vector<16xi32>
      %gather3A = tpu.vector_load_idx %arg12[%add3A_214] : memref<512xf32, #tpu.memory_space<vmem>>[vector<16xi32>], vector<16xf32>,
      %gather3A_220 = tpu.vector_load_idx %arg13[%add3A_214] : memref<512xf32, #tpu.memory_space<vmem>>[vector<16xi32>], vector<16xf32>,
      %add3A_221 = arith.addf %gather3A, %gather3A_220 : vector<16xf32>
      %scan3A_222 = arith.constant 0 : i32
      %scan3A_223 = arith.constant 8 : i32
      %scan3A_224 = arith.addi %scan3A_222, %scan3A_223 : i32
      %scan3A_225 = arith.constant 1 : i32
      %scan3A_226 = scf.for %scan3A_228 = %scan3A_222 to %scan3A_224 step %scan3A_225 iter_args(%scan3A_229 = %add3A_221) -> (vector<16xf32>)  : i32 {
        %mul3A_230 = arith.constant 8 : i32
        %mul3A_231 = arith.muli %scan3A_228, %mul3A_230 : i32
        %add3A_232 = arith.constant 0 : i32
        %add3A_233 = arith.addi %mul3A_231, %add3A_232 : i32
        %broadcast_in_dim3A = vector.broadcast %add3A_233 : i32 to vector<16xi32>
        %gather3A_234 = tpu.vector_load_idx %arg10[%add3A_219, %broadcast_in_dim3A] : memref<64x128xf32, #tpu.memory_space<vmem>>[vector<16xi32>, vector<16xi32>], vector<16xf32>,
        %add3A_235 = arith.constant 64 : i32
        %add3A_236 = vector.broadcast %add3A_235 : i32 to vector<16xi32>
        %add3A_237 = arith.addi %broadcast_in_dim3A, %add3A_236 : vector<16xi32>
        %gather3A_238 = tpu.vector_load_idx %arg11[%add3A_219, %add3A_237] : memref<64x128xf32, #tpu.memory_space<vmem>>[vector<16xi32>, vector<16xi32>], vector<16xf32>,
        %mul3A_239 = arith.mulf %gather3A_234, %gather3A_238 : vector<16xf32>
        %add3A_240 = arith.addf %scan3A_229, %mul3A_239 : vector<16xf32>
        %mul3A_241 = arith.constant 8 : i32
        %mul3A_242 = arith.muli %scan3A_228, %mul3A_241 : i32
        %add3A_243 = arith.constant 1 : i32
        %add3A_244 = arith.addi %mul3A_242, %add3A_243 : i32
        %broadcast_in_dim3A_245 = vector.broadcast %add3A_244 : i32 to vector<16xi32>
        %gather3A_246 = tpu.vector_load_idx %arg10[%add3A_219, %broadcast_in_dim3A_245] : memref<64x128xf32, #tpu.memory_space<vmem>>[vector<16xi32>, vector<16xi32>], vector<16xf32>,
        %add3A_247 = arith.constant 64 : i32
        %add3A_248 = vector.broadcast %add3A_247 : i32 to vector<16xi32>
        %add3A_249 = arith.addi %broadcast_in_dim3A_245, %add3A_248 : vector<16xi32>
        %gather3A_250 = tpu.vector_load_idx %arg11[%add3A_219, %add3A_249] : memref<64x128xf32, #tpu.memory_space<vmem>>[vector<16xi32>, vector<16xi32>], vector<16xf32>,
        %mul3A_251 = arith.mulf %gather3A_246, %gather3A_250 : vector<16xf32>
        %add3A_252 = arith.addf %add3A_240, %mul3A_251 : vector<16xf32>
        %mul3A_253 = arith.constant 8 : i32
        %mul3A_254 = arith.muli %scan3A_228, %mul3A_253 : i32
        %add3A_255 = arith.constant 2 : i32
        %add3A_256 = arith.addi %mul3A_254, %add3A_255 : i32
        %broadcast_in_dim3A_257 = vector.broadcast %add3A_256 : i32 to vector<16xi32>
        %gather3A_258 = tpu.vector_load_idx %arg10[%add3A_219, %broadcast_in_dim3A_257] : memref<64x128xf32, #tpu.memory_space<vmem>>[vector<16xi32>, vector<16xi32>], vector<16xf32>,
        %add3A_259 = arith.constant 64 : i32
        %add3A_260 = vector.broadcast %add3A_259 : i32 to vector<16xi32>
        %add3A_261 = arith.addi %broadcast_in_dim3A_257, %add3A_260 : vector<16xi32>
        %gather3A_262 = tpu.vector_load_idx %arg11[%add3A_219, %add3A_261] : memref<64x128xf32, #tpu.memory_space<vmem>>[vector<16xi32>, vector<16xi32>], vector<16xf32>,
        %mul3A_263 = arith.mulf %gather3A_258, %gather3A_262 : vector<16xf32>
        %add3A_264 = arith.addf %add3A_252, %mul3A_263 : vector<16xf32>
        %mul3A_265 = arith.constant 8 : i32
        %mul3A_266 = arith.muli %scan3A_228, %mul3A_265 : i32
        %add3A_267 = arith.constant 3 : i32
        %add3A_268 = arith.addi %mul3A_266, %add3A_267 : i32
        %broadcast_in_dim3A_269 = vector.broadcast %add3A_268 : i32 to vector<16xi32>
        %gather3A_270 = tpu.vector_load_idx %arg10[%add3A_219, %broadcast_in_dim3A_269] : memref<64x128xf32, #tpu.memory_space<vmem>>[vector<16xi32>, vector<16xi32>], vector<16xf32>,
        %add3A_271 = arith.constant 64 : i32
        %add3A_272 = vector.broadcast %add3A_271 : i32 to vector<16xi32>
        %add3A_273 = arith.addi %broadcast_in_dim3A_269, %add3A_272 : vector<16xi32>
        %gather3A_274 = tpu.vector_load_idx %arg11[%add3A_219, %add3A_273] : memref<64x128xf32, #tpu.memory_space<vmem>>[vector<16xi32>, vector<16xi32>], vector<16xf32>,
        %mul3A_275 = arith.mulf %gather3A_270, %gather3A_274 : vector<16xf32>
        %add3A_276 = arith.addf %add3A_264, %mul3A_275 : vector<16xf32>
        %mul3A_277 = arith.constant 8 : i32
        %mul3A_278 = arith.muli %scan3A_228, %mul3A_277 : i32
        %add3A_279 = arith.constant 4 : i32
        %add3A_280 = arith.addi %mul3A_278, %add3A_279 : i32
        %broadcast_in_dim3A_281 = vector.broadcast %add3A_280 : i32 to vector<16xi32>
        %gather3A_282 = tpu.vector_load_idx %arg10[%add3A_219, %broadcast_in_dim3A_281] : memref<64x128xf32, #tpu.memory_space<vmem>>[vector<16xi32>, vector<16xi32>], vector<16xf32>,
        %add3A_283 = arith.constant 64 : i32
        %add3A_284 = vector.broadcast %add3A_283 : i32 to vector<16xi32>
        %add3A_285 = arith.addi %broadcast_in_dim3A_281, %add3A_284 : vector<16xi32>
        %gather3A_286 = tpu.vector_load_idx %arg11[%add3A_219, %add3A_285] : memref<64x128xf32, #tpu.memory_space<vmem>>[vector<16xi32>, vector<16xi32>], vector<16xf32>,
        %mul3A_287 = arith.mulf %gather3A_282, %gather3A_286 : vector<16xf32>
        %add3A_288 = arith.addf %add3A_276, %mul3A_287 : vector<16xf32>
        %mul3A_289 = arith.constant 8 : i32
        %mul3A_290 = arith.muli %scan3A_228, %mul3A_289 : i32
        %add3A_291 = arith.constant 5 : i32
        %add3A_292 = arith.addi %mul3A_290, %add3A_291 : i32
        %broadcast_in_dim3A_293 = vector.broadcast %add3A_292 : i32 to vector<16xi32>
        %gather3A_294 = tpu.vector_load_idx %arg10[%add3A_219, %broadcast_in_dim3A_293] : memref<64x128xf32, #tpu.memory_space<vmem>>[vector<16xi32>, vector<16xi32>], vector<16xf32>,
        %add3A_295 = arith.constant 64 : i32
        %add3A_296 = vector.broadcast %add3A_295 : i32 to vector<16xi32>
        %add3A_297 = arith.addi %broadcast_in_dim3A_293, %add3A_296 : vector<16xi32>
        %gather3A_298 = tpu.vector_load_idx %arg11[%add3A_219, %add3A_297] : memref<64x128xf32, #tpu.memory_space<vmem>>[vector<16xi32>, vector<16xi32>], vector<16xf32>,
        %mul3A_299 = arith.mulf %gather3A_294, %gather3A_298 : vector<16xf32>
        %add3A_300 = arith.addf %add3A_288, %mul3A_299 : vector<16xf32>
        %mul3A_301 = arith.constant 8 : i32
        %mul3A_302 = arith.muli %scan3A_228, %mul3A_301 : i32
        %add3A_303 = arith.constant 6 : i32
        %add3A_304 = arith.addi %mul3A_302, %add3A_303 : i32
        %broadcast_in_dim3A_305 = vector.broadcast %add3A_304 : i32 to vector<16xi32>
        %gather3A_306 = tpu.vector_load_idx %arg10[%add3A_219, %broadcast_in_dim3A_305] : memref<64x128xf32, #tpu.memory_space<vmem>>[vector<16xi32>, vector<16xi32>], vector<16xf32>,
        %add3A_307 = arith.constant 64 : i32
        %add3A_308 = vector.broadcast %add3A_307 : i32 to vector<16xi32>
        %add3A_309 = arith.addi %broadcast_in_dim3A_305, %add3A_308 : vector<16xi32>
        %gather3A_310 = tpu.vector_load_idx %arg11[%add3A_219, %add3A_309] : memref<64x128xf32, #tpu.memory_space<vmem>>[vector<16xi32>, vector<16xi32>], vector<16xf32>,
        %mul3A_311 = arith.mulf %gather3A_306, %gather3A_310 : vector<16xf32>
        %add3A_312 = arith.addf %add3A_300, %mul3A_311 : vector<16xf32>
        %mul3A_313 = arith.constant 8 : i32
        %mul3A_314 = arith.muli %scan3A_228, %mul3A_313 : i32
        %add3A_315 = arith.constant 7 : i32
        %add3A_316 = arith.addi %mul3A_314, %add3A_315 : i32
        %broadcast_in_dim3A_317 = vector.broadcast %add3A_316 : i32 to vector<16xi32>
        %gather3A_318 = tpu.vector_load_idx %arg10[%add3A_219, %broadcast_in_dim3A_317] : memref<64x128xf32, #tpu.memory_space<vmem>>[vector<16xi32>, vector<16xi32>], vector<16xf32>,
        %add3A_319 = arith.constant 64 : i32
        %add3A_320 = vector.broadcast %add3A_319 : i32 to vector<16xi32>
        %add3A_321 = arith.addi %broadcast_in_dim3A_317, %add3A_320 : vector<16xi32>
        %gather3A_322 = tpu.vector_load_idx %arg11[%add3A_219, %add3A_321] : memref<64x128xf32, #tpu.memory_space<vmem>>[vector<16xi32>, vector<16xi32>], vector<16xf32>,
        %mul3A_323 = arith.mulf %gather3A_318, %gather3A_322 : vector<16xf32>
        %add3A_324 = arith.addf %add3A_312, %mul3A_323 : vector<16xf32>
        scf.yield %add3A_324 : vector<16xf32>
      }
      %scan3A_227 = arith.constant 8 : i32
      tpu.vector_store_idx %arg14[%add3A_214], %scan3A_226 : memref<512xf32, #tpu.memory_space<vmem>>[vector<16xi32>], vector<16xf32>,
    }
    %scan3A_181 = arith.constant 4 : i32
    %dma_start3A_182 = arith.constant 448 : i32
    %dma_start3A_183 = tpu.memref_slice %arg8[%dma_start3A_182] : memref<512xi32, #tpu.memory_space<vmem>> -> memref<64xi32, #tpu.memory_space<vmem>>
    %dma_start3A_184 = arith.constant 0 : i32
    %dma_start3A_185 = arith.constant 0 : i32
    %dma_start3A_186 = tpu.memref_slice %arg4[%dma_start3A_184, %dma_start3A_185] : memref<1000000x128xf32, #tpu.memory_space<hbm>> -> memref<1000000x128xf32, #tpu.memory_space<hbm>>
    tpu.enqueue_indirect_dma source(%dma_start3A_186 : memref<1000000x128xf32, #tpu.memory_space<hbm>>) target(%arg10 : memref<64x128xf32, #tpu.memory_space<vmem>>) offsets(%dma_start3A_183 : memref<64xi32, #tpu.memory_space<vmem>>) semaphore(%arg15 : memref<!tpu.dma_semaphore, #tpu.memory_space<semaphore_mem>>)
    %dma_start3A_187 = arith.constant 448 : i32
    %dma_start3A_188 = tpu.memref_slice %arg9[%dma_start3A_187] : memref<512xi32, #tpu.memory_space<vmem>> -> memref<64xi32, #tpu.memory_space<vmem>>
    %dma_start3A_189 = arith.constant 0 : i32
    %dma_start3A_190 = arith.constant 0 : i32
    %dma_start3A_191 = tpu.memref_slice %arg4[%dma_start3A_189, %dma_start3A_190] : memref<1000000x128xf32, #tpu.memory_space<hbm>> -> memref<1000000x128xf32, #tpu.memory_space<hbm>>
    tpu.enqueue_indirect_dma source(%dma_start3A_191 : memref<1000000x128xf32, #tpu.memory_space<hbm>>) target(%arg11 : memref<64x128xf32, #tpu.memory_space<vmem>>) offsets(%dma_start3A_188 : memref<64xi32, #tpu.memory_space<vmem>>) semaphore(%arg15 : memref<!tpu.dma_semaphore, #tpu.memory_space<semaphore_mem>>)
    %dma_wait3A_192 = arith.constant 448 : i32
    %dma_wait3A_193 = tpu.memref_slice %arg8[%dma_wait3A_192] : memref<512xi32, #tpu.memory_space<vmem>> -> memref<64xi32, #tpu.memory_space<vmem>>
    %dma_wait3A_194 = arith.constant 0 : i32
    %dma_wait3A_195 = arith.constant 0 : i32
    %dma_wait3A_196 = tpu.memref_slice %arg4[%dma_wait3A_194, %dma_wait3A_195] : memref<1000000x128xf32, #tpu.memory_space<hbm>> -> memref<1000000x128xf32, #tpu.memory_space<hbm>>
    tpu.wait_indirect_dma semaphore(%arg15 : memref<!tpu.dma_semaphore, #tpu.memory_space<semaphore_mem>>) src(%dma_wait3A_196 : memref<1000000x128xf32, #tpu.memory_space<hbm>>) dst(%arg10 : memref<64x128xf32, #tpu.memory_space<vmem>>)
    %dma_wait3A_197 = arith.constant 448 : i32
    %dma_wait3A_198 = tpu.memref_slice %arg9[%dma_wait3A_197] : memref<512xi32, #tpu.memory_space<vmem>> -> memref<64xi32, #tpu.memory_space<vmem>>
    %dma_wait3A_199 = arith.constant 0 : i32
    %dma_wait3A_200 = arith.constant 0 : i32
    %dma_wait3A_201 = tpu.memref_slice %arg4[%dma_wait3A_199, %dma_wait3A_200] : memref<1000000x128xf32, #tpu.memory_space<hbm>> -> memref<1000000x128xf32, #tpu.memory_space<hbm>>
    tpu.wait_indirect_dma semaphore(%arg15 : memref<!tpu.dma_semaphore, #tpu.memory_space<semaphore_mem>>) src(%dma_wait3A_201 : memref<1000000x128xf32, #tpu.memory_space<hbm>>) dst(%arg11 : memref<64x128xf32, #tpu.memory_space<vmem>>)
    %scan3A_202 = arith.constant 0 : i32
    %scan3A_203 = arith.constant 0 : i32
    %scan3A_204 = arith.constant 4 : i32
    %scan3A_205 = arith.addi %scan3A_203, %scan3A_204 : i32
    %scan3A_206 = arith.constant 1 : i32
    scf.for %scan3A_208 = %scan3A_203 to %scan3A_205 step %scan3A_206  : i32 {
      %mul3A_209 = arith.constant 16 : i32
      %mul3A_210 = arith.muli %scan3A_208, %mul3A_209 : i32
      %add3A_211 = arith.constant 448 : i32
      %add3A_212 = arith.addi %add3A_211, %mul3A_210 : i32
      %iota3A = tpu.iota {dimensions = array<i32: 0>} : vector<16xi32>
      %add3A_213 = vector.broadcast %add3A_212 : i32 to vector<16xi32>
      %add3A_214 = arith.addi %add3A_213, %iota3A : vector<16xi32>
      %mul3A_215 = arith.constant 16 : i32
      %mul3A_216 = arith.muli %scan3A_208, %mul3A_215 : i32
      %iota3A_217 = tpu.iota {dimensions = array<i32: 0>} : vector<16xi32>
      %add3A_218 = vector.broadcast %mul3A_216 : i32 to vector<16xi32>
      %add3A_219 = arith.addi %add3A_218, %iota3A_217 : vector<16xi32>
      %gather3A = tpu.vector_load_idx %arg12[%add3A_214] : memref<512xf32, #tpu.memory_space<vmem>>[vector<16xi32>], vector<16xf32>,
      %gather3A_220 = tpu.vector_load_idx %arg13[%add3A_214] : memref<512xf32, #tpu.memory_space<vmem>>[vector<16xi32>], vector<16xf32>,
      %add3A_221 = arith.addf %gather3A, %gather3A_220 : vector<16xf32>
      %scan3A_222 = arith.constant 0 : i32
      %scan3A_223 = arith.constant 8 : i32
      %scan3A_224 = arith.addi %scan3A_222, %scan3A_223 : i32
      %scan3A_225 = arith.constant 1 : i32
      %scan3A_226 = scf.for %scan3A_228 = %scan3A_222 to %scan3A_224 step %scan3A_225 iter_args(%scan3A_229 = %add3A_221) -> (vector<16xf32>)  : i32 {
        %mul3A_230 = arith.constant 8 : i32
        %mul3A_231 = arith.muli %scan3A_228, %mul3A_230 : i32
        %add3A_232 = arith.constant 0 : i32
        %add3A_233 = arith.addi %mul3A_231, %add3A_232 : i32
        %broadcast_in_dim3A = vector.broadcast %add3A_233 : i32 to vector<16xi32>
        %gather3A_234 = tpu.vector_load_idx %arg10[%add3A_219, %broadcast_in_dim3A] : memref<64x128xf32, #tpu.memory_space<vmem>>[vector<16xi32>, vector<16xi32>], vector<16xf32>,
        %add3A_235 = arith.constant 64 : i32
        %add3A_236 = vector.broadcast %add3A_235 : i32 to vector<16xi32>
        %add3A_237 = arith.addi %broadcast_in_dim3A, %add3A_236 : vector<16xi32>
        %gather3A_238 = tpu.vector_load_idx %arg11[%add3A_219, %add3A_237] : memref<64x128xf32, #tpu.memory_space<vmem>>[vector<16xi32>, vector<16xi32>], vector<16xf32>,
        %mul3A_239 = arith.mulf %gather3A_234, %gather3A_238 : vector<16xf32>
        %add3A_240 = arith.addf %scan3A_229, %mul3A_239 : vector<16xf32>
        %mul3A_241 = arith.constant 8 : i32
        %mul3A_242 = arith.muli %scan3A_228, %mul3A_241 : i32
        %add3A_243 = arith.constant 1 : i32
        %add3A_244 = arith.addi %mul3A_242, %add3A_243 : i32
        %broadcast_in_dim3A_245 = vector.broadcast %add3A_244 : i32 to vector<16xi32>
        %gather3A_246 = tpu.vector_load_idx %arg10[%add3A_219, %broadcast_in_dim3A_245] : memref<64x128xf32, #tpu.memory_space<vmem>>[vector<16xi32>, vector<16xi32>], vector<16xf32>,
        %add3A_247 = arith.constant 64 : i32
        %add3A_248 = vector.broadcast %add3A_247 : i32 to vector<16xi32>
        %add3A_249 = arith.addi %broadcast_in_dim3A_245, %add3A_248 : vector<16xi32>
        %gather3A_250 = tpu.vector_load_idx %arg11[%add3A_219, %add3A_249] : memref<64x128xf32, #tpu.memory_space<vmem>>[vector<16xi32>, vector<16xi32>], vector<16xf32>,
        %mul3A_251 = arith.mulf %gather3A_246, %gather3A_250 : vector<16xf32>
        %add3A_252 = arith.addf %add3A_240, %mul3A_251 : vector<16xf32>
        %mul3A_253 = arith.constant 8 : i32
        %mul3A_254 = arith.muli %scan3A_228, %mul3A_253 : i32
        %add3A_255 = arith.constant 2 : i32
        %add3A_256 = arith.addi %mul3A_254, %add3A_255 : i32
        %broadcast_in_dim3A_257 = vector.broadcast %add3A_256 : i32 to vector<16xi32>
        %gather3A_258 = tpu.vector_load_idx %arg10[%add3A_219, %broadcast_in_dim3A_257] : memref<64x128xf32, #tpu.memory_space<vmem>>[vector<16xi32>, vector<16xi32>], vector<16xf32>,
        %add3A_259 = arith.constant 64 : i32
        %add3A_260 = vector.broadcast %add3A_259 : i32 to vector<16xi32>
        %add3A_261 = arith.addi %broadcast_in_dim3A_257, %add3A_260 : vector<16xi32>
        %gather3A_262 = tpu.vector_load_idx %arg11[%add3A_219, %add3A_261] : memref<64x128xf32, #tpu.memory_space<vmem>>[vector<16xi32>, vector<16xi32>], vector<16xf32>,
        %mul3A_263 = arith.mulf %gather3A_258, %gather3A_262 : vector<16xf32>
        %add3A_264 = arith.addf %add3A_252, %mul3A_263 : vector<16xf32>
        %mul3A_265 = arith.constant 8 : i32
        %mul3A_266 = arith.muli %scan3A_228, %mul3A_265 : i32
        %add3A_267 = arith.constant 3 : i32
        %add3A_268 = arith.addi %mul3A_266, %add3A_267 : i32
        %broadcast_in_dim3A_269 = vector.broadcast %add3A_268 : i32 to vector<16xi32>
        %gather3A_270 = tpu.vector_load_idx %arg10[%add3A_219, %broadcast_in_dim3A_269] : memref<64x128xf32, #tpu.memory_space<vmem>>[vector<16xi32>, vector<16xi32>], vector<16xf32>,
        %add3A_271 = arith.constant 64 : i32
        %add3A_272 = vector.broadcast %add3A_271 : i32 to vector<16xi32>
        %add3A_273 = arith.addi %broadcast_in_dim3A_269, %add3A_272 : vector<16xi32>
        %gather3A_274 = tpu.vector_load_idx %arg11[%add3A_219, %add3A_273] : memref<64x128xf32, #tpu.memory_space<vmem>>[vector<16xi32>, vector<16xi32>], vector<16xf32>,
        %mul3A_275 = arith.mulf %gather3A_270, %gather3A_274 : vector<16xf32>
        %add3A_276 = arith.addf %add3A_264, %mul3A_275 : vector<16xf32>
        %mul3A_277 = arith.constant 8 : i32
        %mul3A_278 = arith.muli %scan3A_228, %mul3A_277 : i32
        %add3A_279 = arith.constant 4 : i32
        %add3A_280 = arith.addi %mul3A_278, %add3A_279 : i32
        %broadcast_in_dim3A_281 = vector.broadcast %add3A_280 : i32 to vector<16xi32>
        %gather3A_282 = tpu.vector_load_idx %arg10[%add3A_219, %broadcast_in_dim3A_281] : memref<64x128xf32, #tpu.memory_space<vmem>>[vector<16xi32>, vector<16xi32>], vector<16xf32>,
        %add3A_283 = arith.constant 64 : i32
        %add3A_284 = vector.broadcast %add3A_283 : i32 to vector<16xi32>
        %add3A_285 = arith.addi %broadcast_in_dim3A_281, %add3A_284 : vector<16xi32>
        %gather3A_286 = tpu.vector_load_idx %arg11[%add3A_219, %add3A_285] : memref<64x128xf32, #tpu.memory_space<vmem>>[vector<16xi32>, vector<16xi32>], vector<16xf32>,
        %mul3A_287 = arith.mulf %gather3A_282, %gather3A_286 : vector<16xf32>
        %add3A_288 = arith.addf %add3A_276, %mul3A_287 : vector<16xf32>
        %mul3A_289 = arith.constant 8 : i32
        %mul3A_290 = arith.muli %scan3A_228, %mul3A_289 : i32
        %add3A_291 = arith.constant 5 : i32
        %add3A_292 = arith.addi %mul3A_290, %add3A_291 : i32
        %broadcast_in_dim3A_293 = vector.broadcast %add3A_292 : i32 to vector<16xi32>
        %gather3A_294 = tpu.vector_load_idx %arg10[%add3A_219, %broadcast_in_dim3A_293] : memref<64x128xf32, #tpu.memory_space<vmem>>[vector<16xi32>, vector<16xi32>], vector<16xf32>,
        %add3A_295 = arith.constant 64 : i32
        %add3A_296 = vector.broadcast %add3A_295 : i32 to vector<16xi32>
        %add3A_297 = arith.addi %broadcast_in_dim3A_293, %add3A_296 : vector<16xi32>
        %gather3A_298 = tpu.vector_load_idx %arg11[%add3A_219, %add3A_297] : memref<64x128xf32, #tpu.memory_space<vmem>>[vector<16xi32>, vector<16xi32>], vector<16xf32>,
        %mul3A_299 = arith.mulf %gather3A_294, %gather3A_298 : vector<16xf32>
        %add3A_300 = arith.addf %add3A_288, %mul3A_299 : vector<16xf32>
        %mul3A_301 = arith.constant 8 : i32
        %mul3A_302 = arith.muli %scan3A_228, %mul3A_301 : i32
        %add3A_303 = arith.constant 6 : i32
        %add3A_304 = arith.addi %mul3A_302, %add3A_303 : i32
        %broadcast_in_dim3A_305 = vector.broadcast %add3A_304 : i32 to vector<16xi32>
        %gather3A_306 = tpu.vector_load_idx %arg10[%add3A_219, %broadcast_in_dim3A_305] : memref<64x128xf32, #tpu.memory_space<vmem>>[vector<16xi32>, vector<16xi32>], vector<16xf32>,
        %add3A_307 = arith.constant 64 : i32
        %add3A_308 = vector.broadcast %add3A_307 : i32 to vector<16xi32>
        %add3A_309 = arith.addi %broadcast_in_dim3A_305, %add3A_308 : vector<16xi32>
        %gather3A_310 = tpu.vector_load_idx %arg11[%add3A_219, %add3A_309] : memref<64x128xf32, #tpu.memory_space<vmem>>[vector<16xi32>, vector<16xi32>], vector<16xf32>,
        %mul3A_311 = arith.mulf %gather3A_306, %gather3A_310 : vector<16xf32>
        %add3A_312 = arith.addf %add3A_300, %mul3A_311 : vector<16xf32>
        %mul3A_313 = arith.constant 8 : i32
        %mul3A_314 = arith.muli %scan3A_228, %mul3A_313 : i32
        %add3A_315 = arith.constant 7 : i32
        %add3A_316 = arith.addi %mul3A_314, %add3A_315 : i32
        %broadcast_in_dim3A_317 = vector.broadcast %add3A_316 : i32 to vector<16xi32>
        %gather3A_318 = tpu.vector_load_idx %arg10[%add3A_219, %broadcast_in_dim3A_317] : memref<64x128xf32, #tpu.memory_space<vmem>>[vector<16xi32>, vector<16xi32>], vector<16xf32>,
        %add3A_319 = arith.constant 64 : i32
        %add3A_320 = vector.broadcast %add3A_319 : i32 to vector<16xi32>
        %add3A_321 = arith.addi %broadcast_in_dim3A_317, %add3A_320 : vector<16xi32>
        %gather3A_322 = tpu.vector_load_idx %arg11[%add3A_219, %add3A_321] : memref<64x128xf32, #tpu.memory_space<vmem>>[vector<16xi32>, vector<16xi32>], vector<16xf32>,
        %mul3A_323 = arith.mulf %gather3A_318, %gather3A_322 : vector<16xf32>
        %add3A_324 = arith.addf %add3A_312, %mul3A_323 : vector<16xf32>
        scf.yield %add3A_324 : vector<16xf32>
      }
      %scan3A_227 = arith.constant 8 : i32
      tpu.vector_store_idx %arg14[%add3A_214], %scan3A_226 : memref<512xf32, #tpu.memory_space<vmem>>[vector<16xi32>], vector<16xf32>,
    }
    %scan3A_207 = arith.constant 4 : i32
    "tpu.region"() ({
      %run_scoped3A = tpu.sem_alloc : memref<!tpu.dma_semaphore, #tpu.memory_space<semaphore_mem>>
      %dma_start3A_208 = tpu.memref_slice %arg7[%multiple_of3A] : memref<16384xf32, #tpu.memory_space<hbm>> -> memref<512xf32, #tpu.memory_space<hbm>>
      %dma_start3A_209 = tpu.memref_slice %arg7[%multiple_of3A] : memref<16384xf32, #tpu.memory_space<hbm>> -> memref<512xf32, #tpu.memory_space<hbm>>
      tpu.enqueue_dma source(%arg14 : memref<512xf32, #tpu.memory_space<vmem>>) target(%dma_start3A_209 : memref<512xf32, #tpu.memory_space<hbm>>) target_semaphore(%run_scoped3A : memref<!tpu.dma_semaphore, #tpu.memory_space<semaphore_mem>>)
      %dma_wait3A_210 = tpu.memref_slice %arg7[%multiple_of3A] : memref<16384xf32, #tpu.memory_space<hbm>> -> memref<512xf32, #tpu.memory_space<hbm>>
      %dma_wait3A_211 = tpu.memref_slice %arg7[%multiple_of3A] : memref<16384xf32, #tpu.memory_space<hbm>> -> memref<512xf32, #tpu.memory_space<hbm>>
      tpu.wait_dma2 semaphore(%run_scoped3A : memref<!tpu.dma_semaphore, #tpu.memory_space<semaphore_mem>>) src(%arg14 : memref<512xf32, #tpu.memory_space<vmem>>) dst(%dma_wait3A_211 : memref<512xf32, #tpu.memory_space<hbm>>)
      tpu.yield
    }) : () -> ()
    return
  }
}

</mosaic_0001>

<sc_bundles>
// kernel: kernel.4.cloned.1.call-start
scs
__scs_entry_jumppad:
0x0: {  	(pc) =	sbr.rel $0x88, $3  }
0x1: {  	(tag) =	ssettag $0x0;
	lr =	simm.s32 $0x1  }
0x2: {  	[smem:$0x3F9B] =	sst lr;
	_ =	strace $0xD0000000  }
0x3: {  	_ = 	snop  }
0x4: {  	_ = 	snop  }
0x5: {  	_ = 	snop  }
0x6: {  	_ = 	snop  }
0x7: {  	_ = 	snop  }
__scs_overlays_trampoline_lowered:
0x8: {  	[smem:$0x3FAA] =	sst s0  }
0x9: {  	[smem:$0x3FAB] =	sst s1  }
0xa: {  	[smem:$0x3FAC] =	sst s2  }
0xb: {  	[smem:$0x3FAD] =	sst s3  }
0xc: {  	[smem:$0x3FAE] =	sst s4  }
0xd: {  	[smem:$0x3FAF] =	sst s5  }
0xe: {  	[smem:$0x3FB0] =	sst s6  }
0xf: {  	[smem:$0x3FB1] =	sst s7  }
0x10: {  	[smem:$0x3FB2] =	sst s8  }
0x11: {  	[smem:$0x3FB3] =	sst s9;
	s0 =	simm.s32 @!p0 $0x0  }
0x12: {  	s1 =	sld [smem:$0x3F99];
	s0 =	simm.s32 @p0 $0x1  }
0x13: {  	[smem:$0x3FB4] =	sst s0;
	s0 =	simm.s32 @!p1 $0x0  }
0x14: {  	s2 =	sld [smem:$0x3F98];
	s0 =	simm.s32 @p1 $0x1  }
0x15: {  	[smem:$0x3FB5] =	sst s0;
	s0 =	simm.s32 @!p2 $0x0  }
0x16: {  	s3 =	sld [smem:$0x3FDB];
	s0 =	simm.s32 @p2 $0x1  }
0x17: {  	s4 =	simm.s32 $0x1BF5;
	[smem:$0x3FB7] =	sst s0  }
0x18: {  	s0 =	sld [smem:$0x3F9A];
	_ =	swait.ge [sflag:s4], $0x0  }
0x19: {  	s7 =	sld [smem:$0x3F9B]  }
0x1a: {  	s8 =	sadd.s32 $0xFFFFE003, lr  }
0x1b: {  	s9 =	sadd.s32 $0xFFFFFEF7, lr;
	s5 =	simm.s32 $0xFFFFFFFF;
	p2 =	slt.u32 s8, $0xFFFFF086  }
0x1c: {  	p1 =	slt.u32 s9, $0xF7A;
	s5 =	simm.s32 @!p2 $0x0  }
0x1d: {  	s5 =	simm.s32 @p1 $0x1;
	p0 =	seq.s32 s7, s2  }
0x1e: {  	s7 =	smul.u32 @!p0 $0xF7A, s2;
	p2 =	seq.s32 @!p0 s5, $0x0  }
0x1f: {  	s9 =	smul.u32 $0xF7A, s1;
	s8 =	simm.s32 @!p0 $0x1BF5;
	p2 =	por !p2, p0  }
0x20: {  	[sflag:s8] =	ssyncset.s32 @!p0 $0xFFFFF086;
	s6 =	sadd.s32 @!p0 s3, s7;
	s7 =	simm.s32 @!p0 $0x108  }
0x21: {  	s3 =	sadd.s32 s3, s9;
	s6 =	sadd.s32 @!p0 $0x88, s6;
	s7 =	simm.s32 @p2 $0x1082  }
0x22: {  	[simem:s7], [sflag:s8] =	dma.local @!p0 [hbm:s6], $0xF7A  }
0x23: {  	s9 =	sor.u32 $0xD0000000, s2;
	s6 =	simm.s32 $0x108;
	_ =	swait.ge @!p0 [sflag:s8], $0x0  }
0x24: {  	s3 =	sadd.s32 $0x88, s3;
	s6 =	simm.s32 @!p1 $0x1082;
	[sflag:s4] =	ssyncset.s32 $0xFFFFF086  }
0x25: {  	[simem:s6], [sflag:s4] =	dma.local [hbm:s3], $0xF7A  }
0x26: {  	[smem:$0x3F9B] =	sst s1;
	(tag) =	ssettag s2;
	_ =	strace s9  }
0x27: {  	s1 =	sld [smem:$0x3FAB]  }
0x28: {  	s2 =	sld [smem:$0x3FAC]  }
0x29: {  	s4 =	sld [smem:$0x3FAE]  }
0x2a: {  	p0 =	seq.s32 s5, $0x0;
	s5 =	sld [smem:$0x3FAF]  }
0x2b: {  	s6 =	sld [smem:$0x3FB0]  }
0x2c: {  	s7 =	sld [smem:$0x3FB1]  }
0x2d: {  	s3 =	simm.s32 $0x108;
	s8 =	sld [smem:$0x3FB2]  }
0x2e: {  	s3 =	simm.s32 @!p0 $0x1082;
	s9 =	sld [smem:$0x3FB3]  }
0x2f: {  	lr =	sadd.s32 s0, s3;
	s0 =	sld [smem:$0x3FAA]  }
0x30: {  	s3 =	sld [smem:$0x3FAD]  }
0x31: {  	[smem:$0x3FB6] =	sst s10  }
0x32: {  	s10 =	sld [smem:$0x3FB4];
	_ =	sdelay $0x3  }
0x33: {  	p0 =	seq.s32 s10, $0x1;
	s10 =	sld [smem:$0x3FB6];
	_ =	sdelay $0x3  }
0x34: {  	[smem:$0x3FB6] =	sst s10  }
0x35: {  	s10 =	sld [smem:$0x3FB5];
	_ =	sdelay $0x3  }
0x36: {  	p1 =	seq.s32 s10, $0x1;
	s10 =	sld [smem:$0x3FB6];
	_ =	sdelay $0x3  }
0x37: {  	[smem:$0x3FB6] =	sst s10  }
0x38: {  	s10 =	sld [smem:$0x3FB7]  }
0x39: {  	_ = 	snop;
	(pc) =	sbr.ind lr, $3  }
0x3a: {  	_ = 	snop  }
0x3b: {  	_ = 	snop  }
0x3c: {  	p2 =	seq.s32 s10, $0x1;
	s10 =	sld [smem:$0x3FB6]  }
0x3d: {  	_ =	shalt  }
0x3e: {  	_ =	shalt  }
0x3f: {  	_ =	shalt  }
0x40: {  	_ =	shalt  }
0x41: {  	_ =	shalt  }
0x42: {  	_ =	shalt  }
0x43: {  	_ =	shalt  }
0x44: {  	_ =	shalt  }
0x45: {  	_ =	shalt  }
0x46: {  	_ =	shalt  }
0x47: {  	_ =	shalt  }
0x48: {  	_ =	shalt  }
0x49: {  	_ =	shalt  }
0x4a: {  	_ =	shalt  }
0x4b: {  	_ =	shalt  }
0x4c: {  	_ =	shalt  }
0x4d: {  	_ =	shalt  }
0x4e: {  	_ =	shalt  }
0x4f: {  	_ =	shalt  }
0x50: {  	_ =	shalt  }
0x51: {  	_ =	shalt  }
0x52: {  	_ =	shalt  }
0x53: {  	_ =	shalt  }
0x54: {  	_ =	shalt  }
0x55: {  	_ =	shalt  }
0x56: {  	_ =	shalt  }
0x57: {  	_ =	shalt  }
0x58: {  	_ =	shalt  }
0x59: {  	_ =	shalt  }
0x5a: {  	_ =	shalt  }
0x5b: {  	_ =	shalt  }
0x5c: {  	_ =	shalt  }
0x5d: {  	_ =	shalt  }
0x5e: {  	_ =	shalt  }
0x5f: {  	_ =	shalt  }
0x60: {  	_ =	shalt  }
0x61: {  	_ =	shalt  }
0x62: {  	_ =	shalt  }
0x63: {  	_ =	shalt  }
0x64: {  	_ =	shalt  }
0x65: {  	_ =	shalt  }
0x66: {  	_ =	shalt  }
0x67: {  	_ =	shalt  }
0x68: {  	_ =	shalt  }
0x69: {  	_ =	shalt  }
0x6a: {  	_ =	shalt  }
0x6b: {  	_ =	shalt  }
0x6c: {  	_ =	shalt  }
0x6d: {  	_ =	shalt  }
0x6e: {  	_ =	shalt  }
0x6f: {  	_ =	shalt  }
0x70: {  	_ =	shalt  }
0x71: {  	_ =	shalt  }
0x72: {  	_ =	shalt  }
0x73: {  	_ =	shalt  }
0x74: {  	_ =	shalt  }
0x75: {  	_ =	shalt  }
0x76: {  	_ =	shalt  }
0x77: {  	_ =	shalt  }
0x78: {  	_ =	shalt  }
0x79: {  	_ =	shalt  }
0x7a: {  	_ =	shalt  }
0x7b: {  	_ =	shalt  }
0x7c: {  	_ =	shalt  }
0x7d: {  	_ =	shalt  }
0x7e: {  	_ =	shalt  }
0x7f: {  	_ =	shalt  }
0x80: {  	_ =	shalt  }
0x81: {  	_ =	shalt  }
0x82: {  	_ =	shalt  }
0x83: {  	_ =	shalt  }
0x84: {  	_ =	shalt  }
0x85: {  	_ =	shalt  }
0x86: {  	_ =	shalt  }
0x87: {  	_ =	shalt  }
.Lfunc_end0:
.L_simem_size_0:
called_computation_lowered:
.L_overlay_start_0:
0x88: {  	s2 =	sld [smem:$0x3FD9]  }
0x89: {  	s3 =	sld [smem:$0x3FFE];
	_ =	sdelay $0x1  }
0x8a: {  	s1 =	srdreg.scid  }
0x8b: {  	s0 =	sand.u32 $0x1, s1  }
0x8c: {  	s17 =	sshll.u32 s0, $0xA;
	s2 =	sadd.s32 s3, s2  }
0x8d: {  	s2 =	sadd.s32 s2, s17  }
0x8e: {  	[smem:$0x3FC2] =	sst s2  }
0x8f: {  	_ = 	snop  }
0x90: {  	s2 =	sld [smem:$0x3FC9]  }
0x91: {  	s18 =	sld [smem:$0x3FC8];
	(tm) =	ssettm $0x1  }
0x92: {  	s4 =	sld [smem:$0x3FFB];
	_ =	sdelay $0x3  }
0x93: {  	_ =	strace s4  }
0x94: {  	s4 =	sld [smem:$0x3FFC];
	_ =	sdelay $0x3  }
0x95: {  	_ =	strace s4  }
0x96: {  	s4 =	sld [smem:$0x3FFD];
	_ =	sdelay $0x3  }
0x97: {  	_ =	strace s4  }
0x98: {  	_ =	strace $0x8FFFFFFF  }
0x99: {  	s19 =	sld [smem:$0x3FDB];
	_ =	sdelay $0x1  }
0x9a: {  	s5 =	simm.s32 $_scs_section_size  }
0x9b: {  	s6 =	simm.s32 $_size__tile_overlayer_lowered;
	s7 =	simm.s32 $_tile_overlayer_lowered  }
0x9c: {  	s22 =	simm.s32 $0x1BFF;
	s21 =	sshll.u32 s7, $0x1;
	s4 =	sadd.s32 s5, s19  }
0x9d: {  	s8 =	simm.s32 $0x0;
	s20 =	sshll.u32 s6, $0x1;
	s6 =	sadd.s32 s21, s4  }
0x9e: {  	[timem:s8], [sflag:s22] =	dma.local [hbm:s6], s20  }
0x9f: {  	_ =	swait.ge [sflag:s22], s20  }
0xa0: {  	s5 =	ssub.s32 $0x0, s20;
	[sflag:s22] =	ssyncset.done $0x0  }
0xa1: {  	[sflag:s22] =	ssyncadd.s32 s5;
	_ =	sdelay $0x1  }
0xa2: {  	s23 =	simm.s32 $0x1B8B  }
0xa3: {  	_ =	swait.ge [sflag:s23], $0x1  }
0xa4: {  	[sflag:s23] =	ssyncset.done $0x0  }
0xa5: {  	s25 =	simm.s32 $0x1B8E;
	s24 =	sld [smem:$0x3FFE];
	[sflag:s23] =	ssyncadd.s32 $0xFFFFFFFF  }
0xa6: {  	s26 =	simm.s32 $execute0_lowered;
	[smem:$0x3FD2] =	sst s25  }
0xa7: {  	s6 =	sshll.u32 s26, $0x1;
	_ =	strace $0x80000046;
	[dreg:$0x1] =	wrdreg $0xFFFFFFFF  }
0xa8: {  	s28 =	simm.s32 $_size_execute0_lowered;
	s4 =	sadd.s32 s4, s6;
	[dreg:$0x0] =	wrdreg $0x0  }
0xa9: {  	s6 =	sshll.u32 s28, $0x1;
	[dreg:$0x2] =	wrdreg s4  }
0xaa: {  	[dreg:$0x3] =	wrdreg s6  }
0xab: {  	[dreg:$0x4] =	wrdreg $0xC0  }
0xac: {  	_ =	task [dreg:s8], $0x5FFFF  }
0xad: {  	[dreg:$0x1] =	wrdreg $0xFFFFFFFF  }
0xae: {  	[dreg:$0x0] =	wrdreg $0x60  }
0xaf: {  	[dreg:$0x2] =	wrdreg s2  }
0xb0: {  	[dreg:$0x3] =	wrdreg s18  }
0xb1: {  	[dreg:$0x4] =	wrdreg s24  }
0xb2: {  	[dreg:$0x5] =	wrdreg $0x9  }
0xb3: {  	_ =	task.clear_ibuf [dreg:s8], $0x6FFFF;
	_ =	strace $0x90000046  }
0xb4: {  	s29 =	simm.s32 $0x9;
	_ =	strace $0x80000048  }
0xb5: {  	_ =	swait.ge [sflag:s29], $0x1  }
0xb6: {  	[sflag:s29] =	ssyncadd.s32 $0xFFFFFFFF  }
0xb7: {  	_ =	strace $0x90000048  }
0xb8: {  	_ =	sfence  }
0xb9: {  	s30 =	sld [smem:$0x0];
	_ =	sdelay $0x2  }
0xba: {  	s31 =	sshll.u32 s1, $0xD;
	s1 =	sshrl.u32 s1, $0x2  }
0xbb: {  	s3 =	sand.u32 $0x4000, s31;
	s1 =	sadd.s32 s1, s30  }
0xbc: {  	s0 =	sor.u32 s3, s0;
	s1 =	sshll.u32 s1, $0x11  }
0xbd: {  	s0 =	sor.u32 s1, s0  }
0xbe: {  	s0 =	sadd.s32 $0x8F2B, s0  }
0xbf: {  	[sflag:s0] =	ssyncadd.remote.s32 $0x1  }
0xc0: {  	_ =	sfence.sel $0xFFFF  }
0xc1: {  	[dreg:$0x0] =	wrdreg $0xFFFFFFFF;
	(pc) =	sbr.abs _section_cstart, $3  }
0xc2: {  	[dreg:$0x1] =	wrdreg $0xFFFFFFFF  }
0xc3: {  	_ =	task.clear_ibuf [dreg:s8], $0x2FFFF;
	_ =	strace $0x9FFFFFFF  }
0xc4: {  	(tm) =	ssettm $0x7FFFFFFF  }
0xc5: {  	_ =	shalt  }
tec
execute0_lowered:
.L_overlay_start_1:
0x0: {  	(tag) =	ssettag $0x1  }
0x1: {  	s3 =	rddreg [dreg:$0x0]  }
0x2: {  	s5 =	rddreg [dreg:$0x1]  }
0x3: {  	s12 =	rddreg [dreg:$0x2];
	s2 =	srdreg.scid  }
0x4: {  	s0 =	rddreg [dreg:$0x3];
	s1 =	stileid.u32;
	s13 =	sand.u32 $0x1, s2  }
0x5: {  	s2 =	simm.s32 $0x0;
	s4 =	sshll.u32 s1, $0x7;
	s6 =	sshll.u32 s13, $0x6  }
0x6: {  	[smem:$0x7FF] =	sst s2;
	s14 =	sor.u32 s6, s4  }
0x7: {  	_ =	strace $0x80000047;
	s4 =	sadd.s32 s3, s14;
	s3 =	simm.s32 $0x2  }
0x8: {  	[tilespmem:s2], [sflag:$0x2] =	stream.linear.gather [hbm4b:s4+s2], $0x200, $0x38;
	[tilespmem:$0x800] =	vst v63  }
0x9: {  	_ =	swait.ge [sflag:s3], $0x200  }
0xa: {  	[sflag:s3] =	ssyncset.done $0x0  }
0xb: {  	s6 =	simm.s32 $0x200;
	s5 =	sadd.s32 s5, s14;
	[sflag:s3] =	ssyncadd.s32 $0xFFFFFE00  }
0xc: {  	[tilespmem:s6], [sflag:$0x2] =	stream.linear.gather [hbm4b:s5+s2], $0x200, $0x38;
	[tilespmem:$0x800] =	vst v63  }
0xd: {  	_ =	swait.ge [sflag:s3], $0x200  }
0xe: {  	[sflag:s3] =	ssyncset.done $0x0  }
0xf: {  	s8 =	simm.s32 $0x400;
	s7 =	sadd.s32 $0x200, s12;
	[sflag:s3] =	ssyncadd.s32 $0xFFFFFE00  }
0x10: {  	[tilespmem:s8], [sflag:$0x1] =	stream.indirect.gather [hbm4b:s7+s6], $0x1, s2, s6, $0xb8;
	[tilespmem:$0x800] =	vst v63  }
0x11: {  	s10 =	simm.s32 $0x600;
	s11 =	simm.s32 $0x1;
	s9 =	sadd.s32 $0x1EC00, s12  }
0x12: {  	[tilespmem:s10], [sflag:$0x1] =	stream.indirect.gather [hbm4b:s9+s6], $0x1, s6, s6, $0xb8;
	[tilespmem:$0x800] =	vst v63  }
0x13: {  	_ =	swait.ge [sflag:s11], $0x200  }
0x14: {  	[sflag:s11] =	ssyncset.done $0x0  }
0x15: {  	s13 =	ssub.s32 $0x2, s13;
	[sflag:s11] =	ssyncadd.s32 $0xFFFFFE00  }
0x16: {  	s15 =	sshrl.u32 s13, $0x1;
	_ =	swait.ge [sflag:s11], $0x200  }
0x17: {  	s14 =	sadd.s32 s14, s12;
	s15 =	ssub.s32 s13, s15;
	[sflag:s11] =	ssyncset.done $0x0  }
0x18: {  	s12 =	sadd.s32 $0x3D600, s14;
	s31 =	smax.u32 s15, $0x1;
	[sflag:s11] =	ssyncadd.s32 $0xFFFFFE00  }
0x19: {  	[hbm4b:s12+s2] =	stream.linear.scatter [tilespmem:s8], [sflag:$0x2], $0x200, $0x38;
	[tilespmem:$0x800] =	vst v63  }
0x1a: {  	p0 =	sne.s32 s31, $0x1;
	_ =	swait.ge [sflag:s3], $0x200  }
.Ltmp0:
0x1b: {  	[sflag:s3] =	ssyncset.done $0x0;
	(pc) =	sbr.rel @!p0 .LBB2_2-.Ltmp0, $4  }
0x1c: {  	s13 =	sadd.s32 $0x3DE00, s14;
	[sflag:s3] =	ssyncadd.s32 $0xFFFFFE00  }
0x1d: {  	[hbm4b:s13+s2] =	stream.linear.scatter [tilespmem:s10], [sflag:$0x2], $0x200, $0x38;
	[tilespmem:$0x800] =	vst v63  }
0x1e: {  	_ =	swait.ge [sflag:s3], $0x200  }
0x1f: {  	s14 =	sadd.s32 $0xFFFFFFFF, s31;
	[sflag:s3] =	ssyncset.done $0x0  }
.LBB2_1:
0x20: {  	p0 =	sne.s32 s14, $0x1;
	s14 =	sadd.s32 $0xFFFFFFFF, s14;
	[sflag:s3] =	ssyncadd.s32 $0xFFFFFE00  }
0x21: {  	[tilespmem:s2], [sflag:$0x2] =	stream.linear.gather [hbm4b:s4+s2], $0x200, $0x38;
	[tilespmem:$0x800] =	vst v63  }
0x22: {  	_ =	swait.ge [sflag:s3], $0x200  }
0x23: {  	[sflag:s3] =	ssyncset.done $0x0  }
0x24: {  	[sflag:s3] =	ssyncadd.s32 $0xFFFFFE00  }
0x25: {  	[tilespmem:s6], [sflag:$0x2] =	stream.linear.gather [hbm4b:s5+s2], $0x200, $0x38;
	[tilespmem:$0x800] =	vst v63  }
0x26: {  	_ =	swait.ge [sflag:s3], $0x200  }
0x27: {  	[sflag:s3] =	ssyncset.done $0x0  }
0x28: {  	[sflag:s3] =	ssyncadd.s32 $0xFFFFFE00  }
0x29: {  	[tilespmem:s8], [sflag:$0x1] =	stream.indirect.gather [hbm4b:s7+s6], $0x1, s2, s6, $0xb8;
	[tilespmem:$0x800] =	vst v63  }
0x2a: {  	_ = 	snop  }
0x2b: {  	[tilespmem:s10], [sflag:$0x1] =	stream.indirect.gather [hbm4b:s9+s6], $0x1, s6, s6, $0xb8;
	[tilespmem:$0x800] =	vst v63  }
0x2c: {  	_ =	swait.ge [sflag:s11], $0x200  }
0x2d: {  	[sflag:s11] =	ssyncset.done $0x0  }
0x2e: {  	[sflag:s11] =	ssyncadd.s32 $0xFFFFFE00  }
0x2f: {  	_ =	swait.ge [sflag:s11], $0x200  }
0x30: {  	[sflag:s11] =	ssyncset.done $0x0  }
0x31: {  	[sflag:s11] =	ssyncadd.s32 $0xFFFFFE00  }
0x32: {  	[hbm4b:s12+s2] =	stream.linear.scatter [tilespmem:s8], [sflag:$0x2], $0x200, $0x38;
	[tilespmem:$0x800] =	vst v63  }
0x33: {  	_ =	swait.ge [sflag:s3], $0x200  }
.Ltmp1:
0x34: {  	[sflag:s3] =	ssyncset.done $0x0;
	(pc) =	sbr.rel @p0 .LBB2_1-.Ltmp1, $4  }
0x35: {  	[sflag:s3] =	ssyncadd.s32 $0xFFFFFE00  }
0x36: {  	[hbm4b:s13+s2] =	stream.linear.scatter [tilespmem:s10], [sflag:$0x2], $0x200, $0x38;
	[tilespmem:$0x800] =	vst v63  }
0x37: {  	_ =	swait.ge [sflag:s3], $0x200  }
0x38: {  	[sflag:s3] =	ssyncset.done $0x0  }
.LBB2_2:
0x39: {  	[sflag:s3] =	ssyncadd.s32 $0xFFFFFE00  }
0x3a: {  	_ =	sfence.sel $0x180000  }
0x3b: {  	[bflag:$0x0] =	sbarrier.arrive $0xFFFF  }
0x3c: {  	p0 =	sne.s32 s1, $0x0;
	_ =	strace $0x90000047  }
0x3d: {  	s0 =	sadd.s32 @!p0 $0x100000, s0;
	[bflag:$0x2] =	sbarrier.arrive $0xFFFF  }
0x3e: {  	[sflag:s0] =	ssyncadd.tile.s32 @!p0 $0x1;
	_ =	shalt  }
.Lfunc_end2:
_tile_overlayer_lowered:
.L_overlay_start_2:
0x3f: {  	(tag) =	ssettag $0x2  }
0x40: {  	s0 =	rddreg [dreg:$0x0];
	s2 =	stileid.u32  }
0x41: {  	s1 =	rddreg [dreg:$0x1];
	p0 =	sne.s32 s2, $0x0  }
0x42: {  	s3 =	rddreg [dreg:$0x2];
	[bflag:$0x3] =	sbarrier.arrive $0xFFFF;
	s2 =	simm.s32 @!p0 $0x1C02  }
0x43: {  	[timem:s3], [sflag:s2] =	dma.local @!p0 [hbm:s0], s1  }
0x44: {  	s0 =	simm.s32 @!p0 $0x2  }
0x45: {  	_ =	swait.ge @!p0 [sflag:s0], s1  }
0x46: {  	s1 =	ssub.s32 @!p0 $0x0, s1;
	[sflag:s0] =	ssyncset.done @!p0 $0x0  }
0x47: {  	[sflag:s0] =	ssyncadd.s32 @!p0 s1  }
0x48: {  	[bflag:$0x3] =	sbarrier.arrive $0xFFFF  }
0x49: {  	_ =	shalt  }

// kernel: kernel.7.cloned.1.call-start
scs
__scs_entry_jumppad:
0x0: {  	(pc) =	sbr.rel $0x88, $3  }
0x1: {  	(tag) =	ssettag $0x0;
	lr =	simm.s32 $0x1  }
0x2: {  	[smem:$0x3F9B] =	sst lr;
	_ =	strace $0xD0000000  }
0x3: {  	_ = 	snop  }
0x4: {  	_ = 	snop  }
0x5: {  	_ = 	snop  }
0x6: {  	_ = 	snop  }
0x7: {  	_ = 	snop  }
__scs_overlays_trampoline_lowered:
0x8: {  	[smem:$0x3FAA] =	sst s0  }
0x9: {  	[smem:$0x3FAB] =	sst s1  }
0xa: {  	[smem:$0x3FAC] =	sst s2  }
0xb: {  	[smem:$0x3FAD] =	sst s3  }
0xc: {  	[smem:$0x3FAE] =	sst s4  }
0xd: {  	[smem:$0x3FAF] =	sst s5  }
0xe: {  	[smem:$0x3FB0] =	sst s6  }
0xf: {  	[smem:$0x3FB1] =	sst s7  }
0x10: {  	[smem:$0x3FB2] =	sst s8  }
0x11: {  	[smem:$0x3FB3] =	sst s9;
	s0 =	simm.s32 @!p0 $0x0  }
0x12: {  	s1 =	sld [smem:$0x3F99];
	s0 =	simm.s32 @p0 $0x1  }
0x13: {  	[smem:$0x3FB4] =	sst s0;
	s0 =	simm.s32 @!p1 $0x0  }
0x14: {  	s2 =	sld [smem:$0x3F98];
	s0 =	simm.s32 @p1 $0x1  }
0x15: {  	[smem:$0x3FB5] =	sst s0;
	s0 =	simm.s32 @!p2 $0x0  }
0x16: {  	s3 =	sld [smem:$0x3FDB];
	s0 =	simm.s32 @p2 $0x1  }
0x17: {  	s4 =	simm.s32 $0x1BF5;
	[smem:$0x3FB7] =	sst s0  }
0x18: {  	s0 =	sld [smem:$0x3F9A];
	_ =	swait.ge [sflag:s4], $0x0  }
0x19: {  	s7 =	sld [smem:$0x3F9B]  }
0x1a: {  	s8 =	sadd.s32 $0xFFFFE003, lr  }
0x1b: {  	s9 =	sadd.s32 $0xFFFFFEF7, lr;
	s5 =	simm.s32 $0xFFFFFFFF;
	p2 =	slt.u32 s8, $0xFFFFF086  }
0x1c: {  	p1 =	slt.u32 s9, $0xF7A;
	s5 =	simm.s32 @!p2 $0x0  }
0x1d: {  	s5 =	simm.s32 @p1 $0x1;
	p0 =	seq.s32 s7, s2  }
0x1e: {  	s7 =	smul.u32 @!p0 $0xF7A, s2;
	p2 =	seq.s32 @!p0 s5, $0x0  }
0x1f: {  	s9 =	smul.u32 $0xF7A, s1;
	s8 =	simm.s32 @!p0 $0x1BF5;
	p2 =	por !p2, p0  }
0x20: {  	[sflag:s8] =	ssyncset.s32 @!p0 $0xFFFFF086;
	s6 =	sadd.s32 @!p0 s3, s7;
	s7 =	simm.s32 @!p0 $0x108  }
0x21: {  	s3 =	sadd.s32 s3, s9;
	s6 =	sadd.s32 @!p0 $0x88, s6;
	s7 =	simm.s32 @p2 $0x1082  }
0x22: {  	[simem:s7], [sflag:s8] =	dma.local @!p0 [hbm:s6], $0xF7A  }
0x23: {  	s9 =	sor.u32 $0xD0000000, s2;
	s6 =	simm.s32 $0x108;
	_ =	swait.ge @!p0 [sflag:s8], $0x0  }
0x24: {  	s3 =	sadd.s32 $0x88, s3;
	s6 =	simm.s32 @!p1 $0x1082;
	[sflag:s4] =	ssyncset.s32 $0xFFFFF086  }
0x25: {  	[simem:s6], [sflag:s4] =	dma.local [hbm:s3], $0xF7A  }
0x26: {  	[smem:$0x3F9B] =	sst s1;
	(tag) =	ssettag s2;
	_ =	strace s9  }
0x27: {  	s1 =	sld [smem:$0x3FAB]  }
0x28: {  	s2 =	sld [smem:$0x3FAC]  }
0x29: {  	s4 =	sld [smem:$0x3FAE]  }
0x2a: {  	p0 =	seq.s32 s5, $0x0;
	s5 =	sld [smem:$0x3FAF]  }
0x2b: {  	s6 =	sld [smem:$0x3FB0]  }
0x2c: {  	s7 =	sld [smem:$0x3FB1]  }
0x2d: {  	s3 =	simm.s32 $0x108;
	s8 =	sld [smem:$0x3FB2]  }
0x2e: {  	s3 =	simm.s32 @!p0 $0x1082;
	s9 =	sld [smem:$0x3FB3]  }
0x2f: {  	lr =	sadd.s32 s0, s3;
	s0 =	sld [smem:$0x3FAA]  }
0x30: {  	s3 =	sld [smem:$0x3FAD]  }
0x31: {  	[smem:$0x3FB6] =	sst s10  }
0x32: {  	s10 =	sld [smem:$0x3FB4];
	_ =	sdelay $0x3  }
0x33: {  	p0 =	seq.s32 s10, $0x1;
	s10 =	sld [smem:$0x3FB6];
	_ =	sdelay $0x3  }
0x34: {  	[smem:$0x3FB6] =	sst s10  }
0x35: {  	s10 =	sld [smem:$0x3FB5];
	_ =	sdelay $0x3  }
0x36: {  	p1 =	seq.s32 s10, $0x1;
	s10 =	sld [smem:$0x3FB6];
	_ =	sdelay $0x3  }
0x37: {  	[smem:$0x3FB6] =	sst s10  }
0x38: {  	s10 =	sld [smem:$0x3FB7]  }
0x39: {  	_ = 	snop;
	(pc) =	sbr.ind lr, $3  }
0x3a: {  	_ = 	snop  }
0x3b: {  	_ = 	snop  }
0x3c: {  	p2 =	seq.s32 s10, $0x1;
	s10 =	sld [smem:$0x3FB6]  }
0x3d: {  	_ =	shalt  }
0x3e: {  	_ =	shalt  }
0x3f: {  	_ =	shalt  }
0x40: {  	_ =	shalt  }
0x41: {  	_ =	shalt  }
0x42: {  	_ =	shalt  }
0x43: {  	_ =	shalt  }
0x44: {  	_ =	shalt  }
0x45: {  	_ =	shalt  }
0x46: {  	_ =	shalt  }
0x47: {  	_ =	shalt  }
0x48: {  	_ =	shalt  }
0x49: {  	_ =	shalt  }
0x4a: {  	_ =	shalt  }
0x4b: {  	_ =	shalt  }
0x4c: {  	_ =	shalt  }
0x4d: {  	_ =	shalt  }
0x4e: {  	_ =	shalt  }
0x4f: {  	_ =	shalt  }
0x50: {  	_ =	shalt  }
0x51: {  	_ =	shalt  }
0x52: {  	_ =	shalt  }
0x53: {  	_ =	shalt  }
0x54: {  	_ =	shalt  }
0x55: {  	_ =	shalt  }
0x56: {  	_ =	shalt  }
0x57: {  	_ =	shalt  }
0x58: {  	_ =	shalt  }
0x59: {  	_ =	shalt  }
0x5a: {  	_ =	shalt  }
0x5b: {  	_ =	shalt  }
0x5c: {  	_ =	shalt  }
0x5d: {  	_ =	shalt  }
0x5e: {  	_ =	shalt  }
0x5f: {  	_ =	shalt  }
0x60: {  	_ =	shalt  }
0x61: {  	_ =	shalt  }
0x62: {  	_ =	shalt  }
0x63: {  	_ =	shalt  }
0x64: {  	_ =	shalt  }
0x65: {  	_ =	shalt  }
0x66: {  	_ =	shalt  }
0x67: {  	_ =	shalt  }
0x68: {  	_ =	shalt  }
0x69: {  	_ =	shalt  }
0x6a: {  	_ =	shalt  }
0x6b: {  	_ =	shalt  }
0x6c: {  	_ =	shalt  }
0x6d: {  	_ =	shalt  }
0x6e: {  	_ =	shalt  }
0x6f: {  	_ =	shalt  }
0x70: {  	_ =	shalt  }
0x71: {  	_ =	shalt  }
0x72: {  	_ =	shalt  }
0x73: {  	_ =	shalt  }
0x74: {  	_ =	shalt  }
0x75: {  	_ =	shalt  }
0x76: {  	_ =	shalt  }
0x77: {  	_ =	shalt  }
0x78: {  	_ =	shalt  }
0x79: {  	_ =	shalt  }
0x7a: {  	_ =	shalt  }
0x7b: {  	_ =	shalt  }
0x7c: {  	_ =	shalt  }
0x7d: {  	_ =	shalt  }
0x7e: {  	_ =	shalt  }
0x7f: {  	_ =	shalt  }
0x80: {  	_ =	shalt  }
0x81: {  	_ =	shalt  }
0x82: {  	_ =	shalt  }
0x83: {  	_ =	shalt  }
0x84: {  	_ =	shalt  }
0x85: {  	_ =	shalt  }
0x86: {  	_ =	shalt  }
0x87: {  	_ =	shalt  }
.Lfunc_end0:
.L_simem_size_0:
called_computation.1_lowered:
.L_overlay_start_0:
0x88: {  	s2 =	sld [smem:$0x3FD9]  }
0x89: {  	s3 =	sld [smem:$0x3FFE];
	_ =	sdelay $0x1  }
0x8a: {  	s1 =	srdreg.scid  }
0x8b: {  	s0 =	sand.u32 $0x1, s1  }
0x8c: {  	s17 =	sshll.u32 s0, $0xA;
	s2 =	sadd.s32 s3, s2  }
0x8d: {  	s2 =	sadd.s32 s2, s17  }
0x8e: {  	[smem:$0x3FC2] =	sst s2  }
0x8f: {  	_ = 	snop  }
0x90: {  	s2 =	sld [smem:$0x3FC9]  }
0x91: {  	s18 =	sld [smem:$0x3FC8]  }
0x92: {  	s4 =	sld [smem:$0x3FD0];
	(tm) =	ssettm $0x1  }
0x93: {  	s5 =	sld [smem:$0x3FFB];
	_ =	sdelay $0x3  }
0x94: {  	_ =	strace s5  }
0x95: {  	s5 =	sld [smem:$0x3FFC];
	_ =	sdelay $0x3  }
0x96: {  	_ =	strace s5  }
0x97: {  	s5 =	sld [smem:$0x3FFD];
	_ =	sdelay $0x3  }
0x98: {  	_ =	strace s5  }
0x99: {  	_ =	strace $0x8FFFFFFF  }
0x9a: {  	s19 =	sld [smem:$0x3FDB];
	_ =	sdelay $0x1  }
0x9b: {  	s6 =	simm.s32 $_scs_section_size  }
0x9c: {  	s7 =	simm.s32 $_size__tile_overlayer_lowered;
	s8 =	simm.s32 $_tile_overlayer_lowered  }
0x9d: {  	s22 =	simm.s32 $0x1BFF;
	s21 =	sshll.u32 s8, $0x1;
	s5 =	sadd.s32 s6, s19  }
0x9e: {  	s9 =	simm.s32 $0x0;
	s20 =	sshll.u32 s7, $0x1;
	s7 =	sadd.s32 s21, s5  }
0x9f: {  	[timem:s9], [sflag:s22] =	dma.local [hbm:s7], s20  }
0xa0: {  	_ =	swait.ge [sflag:s22], s20  }
0xa1: {  	s6 =	ssub.s32 $0x0, s20;
	[sflag:s22] =	ssyncset.done $0x0  }
0xa2: {  	[sflag:s22] =	ssyncadd.s32 s6;
	_ =	sdelay $0x1  }
0xa3: {  	s23 =	simm.s32 $0x1B8B  }
0xa4: {  	_ =	swait.ge [sflag:s23], $0x1  }
0xa5: {  	[sflag:s23] =	ssyncset.done $0x0  }
0xa6: {  	s25 =	simm.s32 $0x1B8E;
	s24 =	sld [smem:$0x3FFE];
	[sflag:s23] =	ssyncadd.s32 $0xFFFFFFFF  }
0xa7: {  	s26 =	simm.s32 $execute0_lowered;
	[smem:$0x3FD2] =	sst s25  }
0xa8: {  	s7 =	sshll.u32 s26, $0x1;
	_ =	strace $0x80000049;
	[dreg:$0x1] =	wrdreg $0xFFFFFFFF  }
0xa9: {  	s28 =	simm.s32 $_size_execute0_lowered;
	s5 =	sadd.s32 s5, s7;
	[dreg:$0x0] =	wrdreg $0x0  }
0xaa: {  	s7 =	sshll.u32 s28, $0x1;
	[dreg:$0x2] =	wrdreg s5  }
0xab: {  	[dreg:$0x3] =	wrdreg s7  }
0xac: {  	[dreg:$0x4] =	wrdreg $0xC0  }
0xad: {  	_ =	task [dreg:s9], $0x5FFFF  }
0xae: {  	[dreg:$0x1] =	wrdreg $0xFFFFFFFF  }
0xaf: {  	[dreg:$0x0] =	wrdreg $0x60  }
0xb0: {  	[dreg:$0x2] =	wrdreg s2  }
0xb1: {  	[dreg:$0x3] =	wrdreg s18  }
0xb2: {  	[dreg:$0x4] =	wrdreg s24  }
0xb3: {  	[dreg:$0x5] =	wrdreg s4  }
0xb4: {  	[dreg:$0x6] =	wrdreg $0x9  }
0xb5: {  	_ =	task.clear_ibuf [dreg:s9], $0x7FFFF;
	_ =	strace $0x90000049  }
0xb6: {  	s29 =	simm.s32 $0x9;
	_ =	strace $0x8000004B  }
0xb7: {  	_ =	swait.ge [sflag:s29], $0x1  }
0xb8: {  	[sflag:s29] =	ssyncadd.s32 $0xFFFFFFFF  }
0xb9: {  	_ =	strace $0x9000004B  }
0xba: {  	_ =	sfence  }
0xbb: {  	s30 =	sld [smem:$0x0];
	_ =	sdelay $0x2  }
0xbc: {  	s31 =	sshll.u32 s1, $0xD;
	s1 =	sshrl.u32 s1, $0x2  }
0xbd: {  	s3 =	sand.u32 $0x4000, s31;
	s1 =	sadd.s32 s1, s30  }
0xbe: {  	s0 =	sor.u32 s3, s0;
	s1 =	sshll.u32 s1, $0x11  }
0xbf: {  	s0 =	sor.u32 s1, s0  }
0xc0: {  	s0 =	sadd.s32 $0x8F2B, s0  }
0xc1: {  	[sflag:s0] =	ssyncadd.remote.s32 $0x1  }
0xc2: {  	_ =	sfence.sel $0xFFFF  }
0xc3: {  	[dreg:$0x0] =	wrdreg $0xFFFFFFFF;
	(pc) =	sbr.abs _section_cstart, $3  }
0xc4: {  	[dreg:$0x1] =	wrdreg $0xFFFFFFFF  }
0xc5: {  	_ =	task.clear_ibuf [dreg:s9], $0x2FFFF;
	_ =	strace $0x9FFFFFFF  }
0xc6: {  	(tm) =	ssettm $0x7FFFFFFF  }
0xc7: {  	_ =	shalt  }
tec
execute0_lowered:
.L_overlay_start_1:
0x0: {  	(tag) =	ssettag $0x1  }
0x1: {  	s0 =	rddreg [dreg:$0x0]  }
0x2: {  	s1 =	rddreg [dreg:$0x1]  }
0x3: {  	s4 =	rddreg [dreg:$0x2]  }
0x4: {  	s8 =	rddreg [dreg:$0x3]  }
0x5: {  	s3 =	srdreg.scid;
	s2 =	simm.s32 $0x0;
	s5 =	stileid.u32  }
0x6: {  	s11 =	simm.s32 $0x200;
	s12 =	simm.s32 $0x4400;
	s13 =	simm.s32 $0x4600  }
0x7: {  	s14 =	simm.s32 $0x40;
	s15 =	simm.s32 $0x400;
	s16 =	simm.s32 $0x2400  }
0x8: {  	s17 =	simm.s32 $0x1;
	s18 =	simm.s32 $0x4800;
	s23 =	simm.s32 $0x2C0  }
0x9: {  	s24 =	simm.s32 $0x100;
	s28 =	simm.s32 $0x340;
	s29 =	simm.s32 $0x180  }
0xa: {  	s30 =	simm.s32 $0x380;
	s31 =	simm.s32 $0x1C0;
	s3 =	sand.u32 $0x1, s3  }
0xb: {  	[smem:$0x7FF] =	sst s2;
	s5 =	sshll.u32 s5, $0x7;
	s6 =	sshll.u32 s3, $0x6  }
0xc: {  	_ =	strace $0x8000004A;
	s25 =	ssub.s32 $0x2, s3;
	s9 =	sor.u32 s6, s5  }
0xd: {  	s3 =	sadd.s32 $0x1EC2E00, s4;
	s26 =	sshrl.u32 s25, $0x1;
	s7 =	sadd.s32 s9, s4  }
0xe: {  	s10 =	ssub.s32 s25, s26;
	s4 =	sadd.s32 s0, s9;
	s5 =	sadd.s32 s1, s9  }
0xf: {  	s8 =	sadd.s32 s8, s9;
	s25 =	simm.s32 $0x300;
	s26 =	simm.s32 $0x140  }
0x10: {  	v0 =	vlaneseq.u32;
	s0 =	simm.s32 $0x3C0;
	s1 =	simm.s32 $0x0;
	s6 =	sadd.s32 $0x3D600, s7  }
0x11: {  	v1 =	vmul.u32 $0x80, v0;
	s7 =	sadd.s32 $0x3DE00, s7;
	s9 =	smax.u32 s10, $0x1;
	s10 =	simm.s32 $0x2  }
.LBB2_1:
0x12: {  	[tilespmem:s2], [sflag:$0x2] =	stream.linear.gather [hbm4b:s4+s2], $0x200, $0x38;
	[tilespmem:$0x4A00] =	vst v63  }
0x13: {  	_ =	swait.ge [sflag:s10], $0x200  }
0x14: {  	[sflag:s10] =	ssyncset.done $0x0  }
0x15: {  	[sflag:s10] =	ssyncadd.s32 $0xFFFFFE00  }
0x16: {  	[tilespmem:s11], [sflag:$0x2] =	stream.linear.gather [hbm4b:s5+s2], $0x200, $0x38;
	[tilespmem:$0x4A00] =	vst v63  }
0x17: {  	_ =	swait.ge [sflag:s10], $0x200  }
0x18: {  	[sflag:s10] =	ssyncset.done $0x0  }
0x19: {  	[sflag:s10] =	ssyncadd.s32 $0xFFFFFE00  }
0x1a: {  	[tilespmem:s12], [sflag:$0x2] =	stream.linear.gather [hbm4b:s6+s2], $0x200, $0x38;
	[tilespmem:$0x4A00] =	vst v63  }
0x1b: {  	_ =	swait.ge [sflag:s10], $0x200  }
0x1c: {  	[sflag:s10] =	ssyncset.done $0x0  }
0x1d: {  	[sflag:s10] =	ssyncadd.s32 $0xFFFFFE00  }
0x1e: {  	[tilespmem:s13], [sflag:$0x2] =	stream.linear.gather [hbm4b:s7+s2], $0x200, $0x38;
	[tilespmem:$0x4A00] =	vst v63  }
0x1f: {  	_ =	swait.ge [sflag:s10], $0x200  }
0x20: {  	[sflag:s10] =	ssyncset.done $0x0  }
0x21: {  	[sflag:s10] =	ssyncadd.s32 $0xFFFFFE00  }
0x22: {  	[tilespmem:s15], [sflag:$0x1] =	stream.indirect.gather [hbm4b:s3+s14], $0x80, s2, s14, $0xb8;
	[tilespmem:$0x4A00] =	vst v63  }
0x23: {  	_ = 	snop  }
0x24: {  	[tilespmem:s16], [sflag:$0x1] =	stream.indirect.gather [hbm4b:s3+s14], $0x80, s11, s14, $0xb8;
	[tilespmem:$0x4A00] =	vst v63  }
0x25: {  	_ =	swait.ge [sflag:s17], $0x2000  }
0x26: {  	[sflag:s17] =	ssyncset.done $0x0  }
0x27: {  	[sflag:s17] =	ssyncadd.s32 $0xFFFFE000  }
0x28: {  	_ =	swait.ge [sflag:s17], $0x2000  }
0x29: {  	[sflag:s17] =	ssyncset.done $0x0  }
0x2a: {  	s19 =	simm.s32 $0x0;
	[sflag:s17] =	ssyncadd.s32 $0xFFFFE000  }
.LBB2_2:
0x2b: {  	s20 =	sshll.u32 s19, $0x4  }
0x2c: {  	v2 =	vor.u32 s20, v0  }
0x2d: {  	s22 =	simm.s32 $0x0;
	v3 =	vshll.u32 v2, $0x7  }
0x2e: {  	s21 =	simm.s32 $0x1;
	v5 =	vor.u32 s22, v3  }
0x2f: {  	v4 =	vor.u32 $0x40, v3;
	v7 =	vor.u32 s21, v3  }
0x30: {  	v6 =	vor.u32 s22, v4  }
0x31: {  	v9 =	vor.u32 s21, v4;
	s22 =	simm.s32 $0x2;
	v8 =	vld.idx.msk [tilespmem:v2+s12+$0x0], $0xffff  }
0x32: {  	v11 =	vor.u32 s22, v3;
	v10 =	vld.idx.msk [tilespmem:v2+s13+$0x0], $0xffff  }
0x33: {  	s21 =	simm.s32 $0x3;
	v12 =	vor.u32 s22, v4;
	v5 =	vld.idx.msk [tilespmem:v5+s15+$0x0], $0xffff  }
0x34: {  	v14 =	vor.u32 s21, v4;
	s22 =	simm.s32 $0x4;
	v7 =	vld.idx.msk [tilespmem:v7+s15+$0x0], $0xffff  }
0x35: {  	v15 =	vor.u32 s22, v3;
	v13 =	vld.idx.msk [tilespmem:v6+s16+$0x0], $0xffff  }
0x36: {  	v6 =	vor.u32 s21, v3;
	v9 =	vld.idx.msk [tilespmem:v9+s16+$0x0], $0xffff  }
0x37: {  	s21 =	simm.s32 $0x5;
	v17 =	vld.idx.msk [tilespmem:v11+s15+$0x0], $0xffff;
	v11 =	vor.u32 s22, v4  }
0x38: {  	v18 =	vld.idx.msk [tilespmem:v12+s16+$0x0], $0xffff;
	v16 =	vor.u32 s21, v3  }
0x39: {  	v19 =	vor.u32 s21, v4;
	s22 =	simm.s32 $0x6;
	v10 =	vadd.f32 v10, v8;
	v8 =	vld.idx.msk [tilespmem:v14+s16+$0x0], $0xffff  }
0x3a: {  	v12 =	vmul.f32 v13, v5;
	v5 =	vld.idx.msk [tilespmem:v15+s15+$0x0], $0xffff;
	v15 =	vor.u32 s22, v3  }
0x3b: {  	s21 =	simm.s32 $0x7;
	v14 =	vor.u32 s22, v4;
	v6 =	vld.idx.msk [tilespmem:v6+s15+$0x0], $0xffff  }
0x3c: {  	v20 =	vmul.f32 v9, v7;
	v9 =	vld.idx.msk [tilespmem:v11+s16+$0x0], $0xffff;
	v10 =	vadd.f32 v12, v10;
	v12 =	vor.u32 s21, v3  }
0x3d: {  	s22 =	simm.s32 $0x8;
	v7 =	vld.idx.msk [tilespmem:v16+s15+$0x0], $0xffff;
	v11 =	vor.u32 s21, v4  }
0x3e: {  	s20 =	simm.s32 $0xF;
	v13 =	vor.u32 s22, v3;
	v17 =	vmul.f32 v18, v17;
	s21 =	simm.s32 $0x17;
	v16 =	vadd.f32 v20, v10;
	v10 =	vld.idx.msk [tilespmem:v19+s16+$0x0], $0xffff  }
.LBB2_3:
0x3f: {  	p0 =	sne.s32 s21, $0x3F;
	v18 =	vor.u32 s22, v4;
	s22 =	sadd.s32 $0xFFFFFFFA, s20;
	v15 =	vld.idx.msk [tilespmem:v15+s15+$0x0], $0xffff  }
0x40: {  	v6 =	vmul.f32 v8, v6;
	v19 =	vor.u32 s22, v3;
	v16 =	vadd.f32 v17, v16;
	v8 =	vld.idx.msk [tilespmem:v14+s16+$0x0], $0xffff  }
0x41: {  	v14 =	vor.u32 s22, v4;
	s22 =	sadd.s32 $0xFFFFFFFB, s20;
	v12 =	vld.idx.msk [tilespmem:v12+s15+$0x0], $0xffff  }
0x42: {  	v17 =	vor.u32 s22, v3;
	v5 =	vmul.f32 v9, v5;
	v6 =	vadd.f32 v6, v16;
	v9 =	vld.idx.msk [tilespmem:v11+s16+$0x0], $0xffff  }
0x43: {  	v11 =	vld.idx.msk [tilespmem:v13+s15+$0x0], $0xffff;
	v13 =	vor.u32 s22, v4;
	s22 =	sadd.s32 $0xFFFFFFFC, s20  }
0x44: {  	v16 =	vld.idx.msk [tilespmem:v18+s16+$0x0], $0xffff;
	v18 =	vor.u32 s22, v3;
	v5 =	vadd.f32 v5, v6;
	v6 =	vmul.f32 v10, v7  }
0x45: {  	v10 =	vor.u32 s22, v4;
	s22 =	sadd.s32 $0xFFFFFFFD, s20;
	v7 =	vld.idx.msk [tilespmem:v19+s15+$0x0], $0xffff  }
0x46: {  	v19 =	vld.idx.msk [tilespmem:v14+s16+$0x0], $0xffff;
	v14 =	vor.u32 s22, v3;
	v5 =	vadd.f32 v6, v5;
	v6 =	vmul.f32 v8, v15  }
0x47: {  	v20 =	vor.u32 s22, v4;
	s22 =	sadd.s32 $0xFFFFFFFE, s20;
	v17 =	vld.idx.msk [tilespmem:v17+s15+$0x0], $0xffff  }
0x48: {  	v9 =	vmul.f32 v9, v12;
	v21 =	vld.idx.msk [tilespmem:v13+s16+$0x0], $0xffff;
	v13 =	vor.u32 s22, v3;
	v5 =	vadd.f32 v6, v5  }
0x49: {  	v6 =	vld.idx.msk [tilespmem:v18+s15+$0x0], $0xffff;
	v18 =	vor.u32 s22, v4;
	s22 =	sadd.s32 $0xFFFFFFFF, s20  }
.Ltmp0:
0x4a: {  	v11 =	vmul.f32 v16, v11;
	v8 =	vld.idx.msk [tilespmem:v10+s16+$0x0], $0xffff;
	v15 =	vor.u32 s22, v3;
	v9 =	vadd.f32 v9, v5;
	(pc) =	sbr.rel @p0 .LBB2_3-.Ltmp0, $4  }
0x4b: {  	v5 =	vld.idx.msk [tilespmem:v14+s15+$0x0], $0xffff;
	v14 =	vor.u32 s22, v4  }
0x4c: {  	v12 =	vor.u32 s20, v3;
	v16 =	vmul.f32 v19, v7;
	v10 =	vadd.f32 v11, v9;
	v9 =	vld.idx.msk [tilespmem:v20+s16+$0x0], $0xffff  }
0x4d: {  	s22 =	sadd.s32 $0xFFFFFFF9, s21;
	v11 =	vor.u32 s20, v4;
	s20 =	smov.u32 s21;
	v7 =	vld.idx.msk [tilespmem:v13+s15+$0x0], $0xffff  }
0x4e: {  	s21 =	sadd.s32 $0x8, s21;
	v13 =	vor.u32 s22, v3;
	v17 =	vmul.f32 v21, v17;
	v16 =	vadd.f32 v16, v10;
	v10 =	vld.idx.msk [tilespmem:v18+s16+$0x0], $0xffff  }
0x4f: {  	_ =	sdelay $0x3  }
0x50: {  	v18 =	vor.u32 s22, v4;
	s21 =	sadd.s32 $0xFFFFFFFA, s20;
	v15 =	vld.idx.msk [tilespmem:v15+s15+$0x0], $0xffff;
	v6 =	vmul.f32 v8, v6;
	v16 =	vadd.f32 v17, v16  }
0x51: {  	v14 =	vld.idx.msk [tilespmem:v14+s16+$0x0], $0xffff;
	v35 =	vor.u32 s21, v3  }
0x52: {  	s22 =	sadd.s32 $0xFFFFFFFB, s20;
	v12 =	vld.idx.msk [tilespmem:v12+s15+$0x0], $0xffff;
	v36 =	vor.u32 s21, v4;
	v5 =	vmul.f32 v9, v5;
	v6 =	vadd.f32 v6, v16  }
0x53: {  	v11 =	vld.idx.msk [tilespmem:v11+s16+$0x0], $0xffff;
	v37 =	vor.u32 s22, v3  }
0x54: {  	v13 =	vld.idx.msk [tilespmem:v13+s15+$0x0], $0xffff;
	v38 =	vor.u32 s22, v4;
	s22 =	sadd.s32 $0xFFFFFFFC, s20;
	v39 =	vmul.f32 v10, v7;
	v5 =	vadd.f32 v5, v6  }
0x55: {  	v41 =	vor.u32 s22, v3;
	v40 =	vld.idx.msk [tilespmem:v18+s16+$0x0], $0xffff  }
0x56: {  	v42 =	vor.u32 s22, v4;
	s22 =	sadd.s32 $0xFFFFFFFD, s20;
	v43 =	vmul.f32 v14, v15;
	v8 =	vld.idx.msk [tilespmem:v35+s15+$0x0], $0xffff;
	v5 =	vadd.f32 v39, v5  }
0x57: {  	v45 =	vor.u32 s22, v3;
	v44 =	vld.idx.msk [tilespmem:v36+s16+$0x0], $0xffff  }
0x58: {  	v46 =	vor.u32 s22, v4;
	s22 =	sadd.s32 $0xFFFFFFFE, s20;
	v47 =	vmul.f32 v11, v12;
	v9 =	vld.idx.msk [tilespmem:v37+s15+$0x0], $0xffff;
	v5 =	vadd.f32 v43, v5  }
0x59: {  	v49 =	vor.u32 s22, v3;
	v48 =	vld.idx.msk [tilespmem:v38+s16+$0x0], $0xffff  }
0x5a: {  	v50 =	vor.u32 s22, v4;
	s22 =	sadd.s32 $0xFFFFFFFF, s20;
	v10 =	vld.idx.msk [tilespmem:v41+s15+$0x0], $0xffff;
	v7 =	vmul.f32 v40, v13;
	v5 =	vadd.f32 v47, v5  }
0x5b: {  	v52 =	vor.u32 s22, v3;
	v51 =	vld.idx.msk [tilespmem:v42+s16+$0x0], $0xffff  }
0x5c: {  	v53 =	vor.u32 s22, v4;
	v15 =	vld.idx.msk [tilespmem:v45+s15+$0x0], $0xffff;
	v54 =	vmul.f32 v44, v8;
	v5 =	vadd.f32 v7, v5  }
0x5d: {  	v56 =	vor.u32 s20, v4;
	v55 =	vld.idx.msk [tilespmem:v46+s16+$0x0], $0xffff  }
0x5e: {  	v3 =	vor.u32 s20, v3;
	v12 =	vld.idx.msk [tilespmem:v49+s15+$0x0], $0xffff;
	v57 =	vmul.f32 v48, v9;
	v5 =	vadd.f32 v54, v5  }
0x5f: {  	v58 =	vld.idx.msk [tilespmem:v50+s16+$0x0], $0xffff  }
0x60: {  	v59 =	vld.idx.msk [tilespmem:v52+s15+$0x0], $0xffff;
	v6 =	vmul.f32 v51, v10;
	v5 =	vadd.f32 v57, v5  }
0x61: {  	v60 =	vld.idx.msk [tilespmem:v53+s16+$0x0], $0xffff  }
0x62: {  	v4 =	vld.idx.msk [tilespmem:v56+s16+$0x0], $0xffff;
	v61 =	vmul.f32 v55, v15;
	v5 =	vadd.f32 v6, v5  }
0x63: {  	v3 =	vld.idx.msk [tilespmem:v3+s15+$0x0], $0xffff  }
0x64: {  	v62 =	vmul.f32 v58, v12;
	v5 =	vadd.f32 v61, v5;
	_ =	sdelay $0x1  }
0x65: {  	s19 =	sadd.s32 $0x1, s19;
	v63 =	vmul.f32 v60, v59;
	v5 =	vadd.f32 v62, v5  }
0x66: {  	p0 =	sne.s32 s19, $0x4  }
.Ltmp1:
0x67: {  	v3 =	vmul.f32 v4, v3;
	v5 =	vadd.f32 v63, v5;
	(pc) =	sbr.rel @p0 .LBB2_2-.Ltmp1, $3  }
0x68: {  	_ = 	snop  }
0x69: {  	v3 =	vadd.f32 v3, v5;
	_ =	sdelay $0x1  }
0x6a: {  	[tilespmem:v2+s18+$0x0] =	vst.idx.msk $0xffff, v3  }
0x6b: {  	[tilespmem:s15], [sflag:$0x1] =	stream.indirect.gather [hbm4b:s3+s14], $0x80, s14, s14, $0xb8;
	[tilespmem:$0x4A00] =	vst v63  }
0x6c: {  	s19 =	simm.s32 $0x240  }
0x6d: {  	[tilespmem:s16], [sflag:$0x1] =	stream.indirect.gather [hbm4b:s3+s14], $0x80, s19, s14, $0xb8;
	[tilespmem:$0x4A00] =	vst v63  }
0x6e: {  	_ =	swait.ge [sflag:s17], $0x2000  }
0x6f: {  	[sflag:s17] =	ssyncset.done $0x0  }
0x70: {  	[sflag:s17] =	ssyncadd.s32 $0xFFFFE000  }
0x71: {  	_ =	swait.ge [sflag:s17], $0x2000  }
0x72: {  	[sflag:s17] =	ssyncset.done $0x0  }
0x73: {  	s19 =	simm.s32 $0x0;
	[sflag:s17] =	ssyncadd.s32 $0xFFFFE000  }
.LBB2_6:
0x74: {  	s20 =	sshll.u32 s19, $0x4  }
0x75: {  	s21 =	sor.u32 $0x40, s20;
	v2 =	vmov s20  }
0x76: {  	v3 =	vshll.u32 v2, $0x7;
	v2 =	vor.u32 s21, v0  }
0x77: {  	s22 =	simm.s32 $0x0;
	v3 =	vor.u32 v1, v3  }
0x78: {  	s21 =	simm.s32 $0x1;
	v5 =	vor.u32 s22, v3  }
0x79: {  	v4 =	vor.u32 $0x40, v3;
	v7 =	vor.u32 s21, v3  }
0x7a: {  	v6 =	vor.u32 s22, v4  }
0x7b: {  	v9 =	vor.u32 s21, v4;
	s22 =	simm.s32 $0x2;
	v8 =	vld.idx.msk [tilespmem:v2+s12+$0x0], $0xffff  }
0x7c: {  	v11 =	vor.u32 s22, v3;
	v10 =	vld.idx.msk [tilespmem:v2+s13+$0x0], $0xffff  }
0x7d: {  	s21 =	simm.s32 $0x3;
	v12 =	vor.u32 s22, v4;
	v5 =	vld.idx.msk [tilespmem:v5+s15+$0x0], $0xffff  }
0x7e: {  	v14 =	vor.u32 s21, v4;
	s22 =	simm.s32 $0x4;
	v7 =	vld.idx.msk [tilespmem:v7+s15+$0x0], $0xffff  }
0x7f: {  	v15 =	vor.u32 s22, v3;
	v13 =	vld.idx.msk [tilespmem:v6+s16+$0x0], $0xffff  }
0x80: {  	v6 =	vor.u32 s21, v3;
	v9 =	vld.idx.msk [tilespmem:v9+s16+$0x0], $0xffff  }
0x81: {  	s21 =	simm.s32 $0x5;
	v17 =	vld.idx.msk [tilespmem:v11+s15+$0x0], $0xffff;
	v11 =	vor.u32 s22, v4  }
0x82: {  	v18 =	vld.idx.msk [tilespmem:v12+s16+$0x0], $0xffff;
	v16 =	vor.u32 s21, v3  }
0x83: {  	v19 =	vor.u32 s21, v4;
	s22 =	simm.s32 $0x6;
	v10 =	vadd.f32 v10, v8;
	v8 =	vld.idx.msk [tilespmem:v14+s16+$0x0], $0xffff  }
0x84: {  	v12 =	vmul.f32 v13, v5;
	v5 =	vld.idx.msk [tilespmem:v15+s15+$0x0], $0xffff;
	v15 =	vor.u32 s22, v3  }
0x85: {  	s21 =	simm.s32 $0x7;
	v14 =	vor.u32 s22, v4;
	v6 =	vld.idx.msk [tilespmem:v6+s15+$0x0], $0xffff  }
0x86: {  	v20 =	vmul.f32 v9, v7;
	v9 =	vld.idx.msk [tilespmem:v11+s16+$0x0], $0xffff;
	v10 =	vadd.f32 v12, v10;
	v12 =	vor.u32 s21, v3  }
0x87: {  	s22 =	simm.s32 $0x8;
	v7 =	vld.idx.msk [tilespmem:v16+s15+$0x0], $0xffff;
	v11 =	vor.u32 s21, v4  }
0x88: {  	s20 =	simm.s32 $0xF;
	v13 =	vor.u32 s22, v3;
	v17 =	vmul.f32 v18, v17;
	s21 =	simm.s32 $0x17;
	v16 =	vadd.f32 v20, v10;
	v10 =	vld.idx.msk [tilespmem:v19+s16+$0x0], $0xffff  }
.LBB2_7:
0x89: {  	p0 =	sne.s32 s21, $0x3F;
	v18 =	vor.u32 s22, v4;
	s22 =	sadd.s32 $0xFFFFFFFA, s20;
	v15 =	vld.idx.msk [tilespmem:v15+s15+$0x0], $0xffff  }
0x8a: {  	v6 =	vmul.f32 v8, v6;
	v19 =	vor.u32 s22, v3;
	v16 =	vadd.f32 v17, v16;
	v8 =	vld.idx.msk [tilespmem:v14+s16+$0x0], $0xffff  }
0x8b: {  	v14 =	vor.u32 s22, v4;
	s22 =	sadd.s32 $0xFFFFFFFB, s20;
	v12 =	vld.idx.msk [tilespmem:v12+s15+$0x0], $0xffff  }
0x8c: {  	v17 =	vor.u32 s22, v3;
	v5 =	vmul.f32 v9, v5;
	v6 =	vadd.f32 v6, v16;
	v9 =	vld.idx.msk [tilespmem:v11+s16+$0x0], $0xffff  }
0x8d: {  	v11 =	vld.idx.msk [tilespmem:v13+s15+$0x0], $0xffff;
	v13 =	vor.u32 s22, v4;
	s22 =	sadd.s32 $0xFFFFFFFC, s20  }
0x8e: {  	v16 =	vld.idx.msk [tilespmem:v18+s16+$0x0], $0xffff;
	v18 =	vor.u32 s22, v3;
	v5 =	vadd.f32 v5, v6;
	v6 =	vmul.f32 v10, v7  }
0x8f: {  	v10 =	vor.u32 s22, v4;
	s22 =	sadd.s32 $0xFFFFFFFD, s20;
	v7 =	vld.idx.msk [tilespmem:v19+s15+$0x0], $0xffff  }
0x90: {  	v19 =	vld.idx.msk [tilespmem:v14+s16+$0x0], $0xffff;
	v14 =	vor.u32 s22, v3;
	v5 =	vadd.f32 v6, v5;
	v6 =	vmul.f32 v8, v15  }
0x91: {  	v20 =	vor.u32 s22, v4;
	s22 =	sadd.s32 $0xFFFFFFFE, s20;
	v17 =	vld.idx.msk [tilespmem:v17+s15+$0x0], $0xffff  }
0x92: {  	v9 =	vmul.f32 v9, v12;
	v21 =	vld.idx.msk [tilespmem:v13+s16+$0x0], $0xffff;
	v13 =	vor.u32 s22, v3;
	v5 =	vadd.f32 v6, v5  }
0x93: {  	v6 =	vld.idx.msk [tilespmem:v18+s15+$0x0], $0xffff;
	v18 =	vor.u32 s22, v4;
	s22 =	sadd.s32 $0xFFFFFFFF, s20  }
.Ltmp2:
0x94: {  	v11 =	vmul.f32 v16, v11;
	v8 =	vld.idx.msk [tilespmem:v10+s16+$0x0], $0xffff;
	v15 =	vor.u32 s22, v3;
	v9 =	vadd.f32 v9, v5;
	(pc) =	sbr.rel @p0 .LBB2_7-.Ltmp2, $4  }
0x95: {  	v5 =	vld.idx.msk [tilespmem:v14+s15+$0x0], $0xffff;
	v14 =	vor.u32 s22, v4  }
0x96: {  	v12 =	vor.u32 s20, v3;
	v16 =	vmul.f32 v19, v7;
	v10 =	vadd.f32 v11, v9;
	v9 =	vld.idx.msk [tilespmem:v20+s16+$0x0], $0xffff  }
0x97: {  	s22 =	sadd.s32 $0xFFFFFFF9, s21;
	v11 =	vor.u32 s20, v4;
	s20 =	smov.u32 s21;
	v7 =	vld.idx.msk [tilespmem:v13+s15+$0x0], $0xffff  }
0x98: {  	s21 =	sadd.s32 $0x8, s21;
	v13 =	vor.u32 s22, v3;
	v17 =	vmul.f32 v21, v17;
	v16 =	vadd.f32 v16, v10;
	v10 =	vld.idx.msk [tilespmem:v18+s16+$0x0], $0xffff  }
0x99: {  	_ =	sdelay $0x3  }
0x9a: {  	v18 =	vor.u32 s22, v4;
	s21 =	sadd.s32 $0xFFFFFFFA, s20;
	v15 =	vld.idx.msk [tilespmem:v15+s15+$0x0], $0xffff;
	v6 =	vmul.f32 v8, v6;
	v16 =	vadd.f32 v17, v16  }
0x9b: {  	v14 =	vld.idx.msk [tilespmem:v14+s16+$0x0], $0xffff;
	v35 =	vor.u32 s21, v3  }
0x9c: {  	s22 =	sadd.s32 $0xFFFFFFFB, s20;
	v12 =	vld.idx.msk [tilespmem:v12+s15+$0x0], $0xffff;
	v36 =	vor.u32 s21, v4;
	v5 =	vmul.f32 v9, v5;
	v6 =	vadd.f32 v6, v16  }
0x9d: {  	v11 =	vld.idx.msk [tilespmem:v11+s16+$0x0], $0xffff;
	v37 =	vor.u32 s22, v3  }
0x9e: {  	v13 =	vld.idx.msk [tilespmem:v13+s15+$0x0], $0xffff;
	v38 =	vor.u32 s22, v4;
	s22 =	sadd.s32 $0xFFFFFFFC, s20;
	v39 =	vmul.f32 v10, v7;
	v5 =	vadd.f32 v5, v6  }
0x9f: {  	v41 =	vor.u32 s22, v3;
	v40 =	vld.idx.msk [tilespmem:v18+s16+$0x0], $0xffff  }
0xa0: {  	v42 =	vor.u32 s22, v4;
	s22 =	sadd.s32 $0xFFFFFFFD, s20;
	v43 =	vmul.f32 v14, v15;
	v8 =	vld.idx.msk [tilespmem:v35+s15+$0x0], $0xffff;
	v5 =	vadd.f32 v39, v5  }
0xa1: {  	v45 =	vor.u32 s22, v3;
	v44 =	vld.idx.msk [tilespmem:v36+s16+$0x0], $0xffff  }
0xa2: {  	v46 =	vor.u32 s22, v4;
	s22 =	sadd.s32 $0xFFFFFFFE, s20;
	v47 =	vmul.f32 v11, v12;
	v9 =	vld.idx.msk [tilespmem:v37+s15+$0x0], $0xffff;
	v5 =	vadd.f32 v43, v5  }
0xa3: {  	v49 =	vor.u32 s22, v3;
	v48 =	vld.idx.msk [tilespmem:v38+s16+$0x0], $0xffff  }
0xa4: {  	v50 =	vor.u32 s22, v4;
	s22 =	sadd.s32 $0xFFFFFFFF, s20;
	v10 =	vld.idx.msk [tilespmem:v41+s15+$0x0], $0xffff;
	v7 =	vmul.f32 v40, v13;
	v5 =	vadd.f32 v47, v5  }
0xa5: {  	v52 =	vor.u32 s22, v3;
	v51 =	vld.idx.msk [tilespmem:v42+s16+$0x0], $0xffff  }
0xa6: {  	v53 =	vor.u32 s22, v4;
	v15 =	vld.idx.msk [tilespmem:v45+s15+$0x0], $0xffff;
	v54 =	vmul.f32 v44, v8;
	v5 =	vadd.f32 v7, v5  }
0xa7: {  	v56 =	vor.u32 s20, v4;
	v55 =	vld.idx.msk [tilespmem:v46+s16+$0x0], $0xffff  }
0xa8: {  	v3 =	vor.u32 s20, v3;
	v12 =	vld.idx.msk [tilespmem:v49+s15+$0x0], $0xffff;
	v57 =	vmul.f32 v48, v9;
	v5 =	vadd.f32 v54, v5  }
0xa9: {  	v58 =	vld.idx.msk [tilespmem:v50+s16+$0x0], $0xffff  }
0xaa: {  	v59 =	vld.idx.msk [tilespmem:v52+s15+$0x0], $0xffff;
	v6 =	vmul.f32 v51, v10;
	v5 =	vadd.f32 v57, v5  }
0xab: {  	v60 =	vld.idx.msk [tilespmem:v53+s16+$0x0], $0xffff  }
0xac: {  	v4 =	vld.idx.msk [tilespmem:v56+s16+$0x0], $0xffff;
	v61 =	vmul.f32 v55, v15;
	v5 =	vadd.f32 v6, v5  }
0xad: {  	v3 =	vld.idx.msk [tilespmem:v3+s15+$0x0], $0xffff  }
0xae: {  	v62 =	vmul.f32 v58, v12;
	v5 =	vadd.f32 v61, v5;
	_ =	sdelay $0x1  }
0xaf: {  	s19 =	sadd.s32 $0x1, s19;
	v63 =	vmul.f32 v60, v59;
	v5 =	vadd.f32 v62, v5  }
0xb0: {  	p0 =	sne.s32 s19, $0x4  }
.Ltmp3:
0xb1: {  	v3 =	vmul.f32 v4, v3;
	v5 =	vadd.f32 v63, v5;
	(pc) =	sbr.rel @p0 .LBB2_6-.Ltmp3, $3  }
0xb2: {  	_ = 	snop  }
0xb3: {  	v3 =	vadd.f32 v3, v5;
	_ =	sdelay $0x1  }
0xb4: {  	[tilespmem:v2+s18+$0x0] =	vst.idx.msk $0xffff, v3  }
0xb5: {  	s19 =	simm.s32 $0x80  }
0xb6: {  	[tilespmem:s15], [sflag:$0x1] =	stream.indirect.gather [hbm4b:s3+s14], $0x80, s19, s14, $0xb8;
	[tilespmem:$0x4A00] =	vst v63  }
0xb7: {  	s22 =	simm.s32 $0x280  }
0xb8: {  	[tilespmem:s16], [sflag:$0x1] =	stream.indirect.gather [hbm4b:s3+s14], $0x80, s22, s14, $0xb8;
	[tilespmem:$0x4A00] =	vst v63  }
0xb9: {  	_ =	swait.ge [sflag:s17], $0x2000  }
0xba: {  	[sflag:s17] =	ssyncset.done $0x0  }
0xbb: {  	[sflag:s17] =	ssyncadd.s32 $0xFFFFE000  }
0xbc: {  	_ =	swait.ge [sflag:s17], $0x2000  }
0xbd: {  	[sflag:s17] =	ssyncset.done $0x0  }
0xbe: {  	s19 =	simm.s32 $0x0;
	[sflag:s17] =	ssyncadd.s32 $0xFFFFE000  }
.LBB2_10:
0xbf: {  	s20 =	sshll.u32 s19, $0x4  }
0xc0: {  	s21 =	sor.u32 $0x80, s20;
	v2 =	vmov s20  }
0xc1: {  	v3 =	vshll.u32 v2, $0x7;
	v2 =	vor.u32 s21, v0  }
0xc2: {  	s22 =	simm.s32 $0x0;
	v3 =	vor.u32 v1, v3  }
0xc3: {  	s21 =	simm.s32 $0x1;
	v5 =	vor.u32 s22, v3  }
0xc4: {  	v4 =	vor.u32 $0x40, v3;
	v7 =	vor.u32 s21, v3  }
0xc5: {  	v6 =	vor.u32 s22, v4  }
0xc6: {  	v9 =	vor.u32 s21, v4;
	s22 =	simm.s32 $0x2;
	v8 =	vld.idx.msk [tilespmem:v2+s12+$0x0], $0xffff  }
0xc7: {  	v11 =	vor.u32 s22, v3;
	v10 =	vld.idx.msk [tilespmem:v2+s13+$0x0], $0xffff  }
0xc8: {  	s21 =	simm.s32 $0x3;
	v12 =	vor.u32 s22, v4;
	v5 =	vld.idx.msk [tilespmem:v5+s15+$0x0], $0xffff  }
0xc9: {  	v14 =	vor.u32 s21, v4;
	s22 =	simm.s32 $0x4;
	v7 =	vld.idx.msk [tilespmem:v7+s15+$0x0], $0xffff  }
0xca: {  	v15 =	vor.u32 s22, v3;
	v13 =	vld.idx.msk [tilespmem:v6+s16+$0x0], $0xffff  }
0xcb: {  	v6 =	vor.u32 s21, v3;
	v9 =	vld.idx.msk [tilespmem:v9+s16+$0x0], $0xffff  }
0xcc: {  	s21 =	simm.s32 $0x5;
	v17 =	vld.idx.msk [tilespmem:v11+s15+$0x0], $0xffff;
	v11 =	vor.u32 s22, v4  }
0xcd: {  	v18 =	vld.idx.msk [tilespmem:v12+s16+$0x0], $0xffff;
	v16 =	vor.u32 s21, v3  }
0xce: {  	v19 =	vor.u32 s21, v4;
	s22 =	simm.s32 $0x6;
	v10 =	vadd.f32 v10, v8;
	v8 =	vld.idx.msk [tilespmem:v14+s16+$0x0], $0xffff  }
0xcf: {  	v12 =	vmul.f32 v13, v5;
	v5 =	vld.idx.msk [tilespmem:v15+s15+$0x0], $0xffff;
	v15 =	vor.u32 s22, v3  }
0xd0: {  	s21 =	simm.s32 $0x7;
	v14 =	vor.u32 s22, v4;
	v6 =	vld.idx.msk [tilespmem:v6+s15+$0x0], $0xffff  }
0xd1: {  	v20 =	vmul.f32 v9, v7;
	v9 =	vld.idx.msk [tilespmem:v11+s16+$0x0], $0xffff;
	v10 =	vadd.f32 v12, v10;
	v12 =	vor.u32 s21, v3  }
0xd2: {  	s22 =	simm.s32 $0x8;
	v7 =	vld.idx.msk [tilespmem:v16+s15+$0x0], $0xffff;
	v11 =	vor.u32 s21, v4  }
0xd3: {  	s20 =	simm.s32 $0xF;
	v13 =	vor.u32 s22, v3;
	v17 =	vmul.f32 v18, v17;
	s21 =	simm.s32 $0x17;
	v16 =	vadd.f32 v20, v10;
	v10 =	vld.idx.msk [tilespmem:v19+s16+$0x0], $0xffff  }
.LBB2_11:
0xd4: {  	p0 =	sne.s32 s21, $0x3F;
	v18 =	vor.u32 s22, v4;
	s22 =	sadd.s32 $0xFFFFFFFA, s20;
	v15 =	vld.idx.msk [tilespmem:v15+s15+$0x0], $0xffff  }
0xd5: {  	v6 =	vmul.f32 v8, v6;
	v19 =	vor.u32 s22, v3;
	v16 =	vadd.f32 v17, v16;
	v8 =	vld.idx.msk [tilespmem:v14+s16+$0x0], $0xffff  }
0xd6: {  	v14 =	vor.u32 s22, v4;
	s22 =	sadd.s32 $0xFFFFFFFB, s20;
	v12 =	vld.idx.msk [tilespmem:v12+s15+$0x0], $0xffff  }
0xd7: {  	v17 =	vor.u32 s22, v3;
	v5 =	vmul.f32 v9, v5;
	v6 =	vadd.f32 v6, v16;
	v9 =	vld.idx.msk [tilespmem:v11+s16+$0x0], $0xffff  }
0xd8: {  	v11 =	vld.idx.msk [tilespmem:v13+s15+$0x0], $0xffff;
	v13 =	vor.u32 s22, v4;
	s22 =	sadd.s32 $0xFFFFFFFC, s20  }
0xd9: {  	v16 =	vld.idx.msk [tilespmem:v18+s16+$0x0], $0xffff;
	v18 =	vor.u32 s22, v3;
	v5 =	vadd.f32 v5, v6;
	v6 =	vmul.f32 v10, v7  }
0xda: {  	v10 =	vor.u32 s22, v4;
	s22 =	sadd.s32 $0xFFFFFFFD, s20;
	v7 =	vld.idx.msk [tilespmem:v19+s15+$0x0], $0xffff  }
0xdb: {  	v19 =	vld.idx.msk [tilespmem:v14+s16+$0x0], $0xffff;
	v14 =	vor.u32 s22, v3;
	v5 =	vadd.f32 v6, v5;
	v6 =	vmul.f32 v8, v15  }
0xdc: {  	v20 =	vor.u32 s22, v4;
	s22 =	sadd.s32 $0xFFFFFFFE, s20;
	v17 =	vld.idx.msk [tilespmem:v17+s15+$0x0], $0xffff  }
0xdd: {  	v9 =	vmul.f32 v9, v12;
	v21 =	vld.idx.msk [tilespmem:v13+s16+$0x0], $0xffff;
	v13 =	vor.u32 s22, v3;
	v5 =	vadd.f32 v6, v5  }
0xde: {  	v6 =	vld.idx.msk [tilespmem:v18+s15+$0x0], $0xffff;
	v18 =	vor.u32 s22, v4;
	s22 =	sadd.s32 $0xFFFFFFFF, s20  }
.Ltmp4:
0xdf: {  	v11 =	vmul.f32 v16, v11;
	v8 =	vld.idx.msk [tilespmem:v10+s16+$0x0], $0xffff;
	v15 =	vor.u32 s22, v3;
	v9 =	vadd.f32 v9, v5;
	(pc) =	sbr.rel @p0 .LBB2_11-.Ltmp4, $4  }
0xe0: {  	v5 =	vld.idx.msk [tilespmem:v14+s15+$0x0], $0xffff;
	v14 =	vor.u32 s22, v4  }
0xe1: {  	v12 =	vor.u32 s20, v3;
	v16 =	vmul.f32 v19, v7;
	v10 =	vadd.f32 v11, v9;
	v9 =	vld.idx.msk [tilespmem:v20+s16+$0x0], $0xffff  }
0xe2: {  	s22 =	sadd.s32 $0xFFFFFFF9, s21;
	v11 =	vor.u32 s20, v4;
	s20 =	smov.u32 s21;
	v7 =	vld.idx.msk [tilespmem:v13+s15+$0x0], $0xffff  }
0xe3: {  	s21 =	sadd.s32 $0x8, s21;
	v13 =	vor.u32 s22, v3;
	v17 =	vmul.f32 v21, v17;
	v16 =	vadd.f32 v16, v10;
	v10 =	vld.idx.msk [tilespmem:v18+s16+$0x0], $0xffff  }
0xe4: {  	_ =	sdelay $0x3  }
0xe5: {  	v18 =	vor.u32 s22, v4;
	s21 =	sadd.s32 $0xFFFFFFFA, s20;
	v15 =	vld.idx.msk [tilespmem:v15+s15+$0x0], $0xffff;
	v6 =	vmul.f32 v8, v6;
	v16 =	vadd.f32 v17, v16  }
0xe6: {  	v14 =	vld.idx.msk [tilespmem:v14+s16+$0x0], $0xffff;
	v35 =	vor.u32 s21, v3  }
0xe7: {  	s22 =	sadd.s32 $0xFFFFFFFB, s20;
	v12 =	vld.idx.msk [tilespmem:v12+s15+$0x0], $0xffff;
	v36 =	vor.u32 s21, v4;
	v5 =	vmul.f32 v9, v5;
	v6 =	vadd.f32 v6, v16  }
0xe8: {  	v11 =	vld.idx.msk [tilespmem:v11+s16+$0x0], $0xffff;
	v37 =	vor.u32 s22, v3  }
0xe9: {  	v13 =	vld.idx.msk [tilespmem:v13+s15+$0x0], $0xffff;
	v38 =	vor.u32 s22, v4;
	s22 =	sadd.s32 $0xFFFFFFFC, s20;
	v39 =	vmul.f32 v10, v7;
	v5 =	vadd.f32 v5, v6  }
0xea: {  	v41 =	vor.u32 s22, v3;
	v40 =	vld.idx.msk [tilespmem:v18+s16+$0x0], $0xffff  }
0xeb: {  	v42 =	vor.u32 s22, v4;
	s22 =	sadd.s32 $0xFFFFFFFD, s20;
	v43 =	vmul.f32 v14, v15;
	v8 =	vld.idx.msk [tilespmem:v35+s15+$0x0], $0xffff;
	v5 =	vadd.f32 v39, v5  }
0xec: {  	v45 =	vor.u32 s22, v3;
	v44 =	vld.idx.msk [tilespmem:v36+s16+$0x0], $0xffff  }
0xed: {  	v46 =	vor.u32 s22, v4;
	s22 =	sadd.s32 $0xFFFFFFFE, s20;
	v47 =	vmul.f32 v11, v12;
	v9 =	vld.idx.msk [tilespmem:v37+s15+$0x0], $0xffff;
	v5 =	vadd.f32 v43, v5  }
0xee: {  	v49 =	vor.u32 s22, v3;
	v48 =	vld.idx.msk [tilespmem:v38+s16+$0x0], $0xffff  }
0xef: {  	v50 =	vor.u32 s22, v4;
	s22 =	sadd.s32 $0xFFFFFFFF, s20;
	v10 =	vld.idx.msk [tilespmem:v41+s15+$0x0], $0xffff;
	v7 =	vmul.f32 v40, v13;
	v5 =	vadd.f32 v47, v5  }
0xf0: {  	v52 =	vor.u32 s22, v3;
	v51 =	vld.idx.msk [tilespmem:v42+s16+$0x0], $0xffff  }
0xf1: {  	v53 =	vor.u32 s22, v4;
	v15 =	vld.idx.msk [tilespmem:v45+s15+$0x0], $0xffff;
	v54 =	vmul.f32 v44, v8;
	v5 =	vadd.f32 v7, v5  }
0xf2: {  	v56 =	vor.u32 s20, v4;
	v55 =	vld.idx.msk [tilespmem:v46+s16+$0x0], $0xffff  }
0xf3: {  	v3 =	vor.u32 s20, v3;
	v12 =	vld.idx.msk [tilespmem:v49+s15+$0x0], $0xffff;
	v57 =	vmul.f32 v48, v9;
	v5 =	vadd.f32 v54, v5  }
0xf4: {  	v58 =	vld.idx.msk [tilespmem:v50+s16+$0x0], $0xffff  }
0xf5: {  	v59 =	vld.idx.msk [tilespmem:v52+s15+$0x0], $0xffff;
	v6 =	vmul.f32 v51, v10;
	v5 =	vadd.f32 v57, v5  }
0xf6: {  	v60 =	vld.idx.msk [tilespmem:v53+s16+$0x0], $0xffff  }
0xf7: {  	v4 =	vld.idx.msk [tilespmem:v56+s16+$0x0], $0xffff;
	v61 =	vmul.f32 v55, v15;
	v5 =	vadd.f32 v6, v5  }
0xf8: {  	v3 =	vld.idx.msk [tilespmem:v3+s15+$0x0], $0xffff  }
0xf9: {  	v62 =	vmul.f32 v58, v12;
	v5 =	vadd.f32 v61, v5;
	_ =	sdelay $0x1  }
0xfa: {  	s19 =	sadd.s32 $0x1, s19;
	v63 =	vmul.f32 v60, v59;
	v5 =	vadd.f32 v62, v5  }
0xfb: {  	p0 =	sne.s32 s19, $0x4  }
.Ltmp5:
0xfc: {  	v3 =	vmul.f32 v4, v3;
	v5 =	vadd.f32 v63, v5;
	(pc) =	sbr.rel @p0 .LBB2_10-.Ltmp5, $3  }
0xfd: {  	_ = 	snop  }
0xfe: {  	v3 =	vadd.f32 v3, v5;
	_ =	sdelay $0x1  }
0xff: {  	[tilespmem:v2+s18+$0x0] =	vst.idx.msk $0xffff, v3  }
0x100: {  	s19 =	simm.s32 $0xC0  }
0x101: {  	[tilespmem:s15], [sflag:$0x1] =	stream.indirect.gather [hbm4b:s3+s14], $0x80, s19, s14, $0xb8;
	[tilespmem:$0x4A00] =	vst v63  }
0x102: {  	_ = 	snop  }
0x103: {  	[tilespmem:s16], [sflag:$0x1] =	stream.indirect.gather [hbm4b:s3+s14], $0x80, s23, s14, $0xb8;
	[tilespmem:$0x4A00] =	vst v63  }
0x104: {  	_ =	swait.ge [sflag:s17], $0x2000  }
0x105: {  	[sflag:s17] =	ssyncset.done $0x0  }
0x106: {  	[sflag:s17] =	ssyncadd.s32 $0xFFFFE000  }
0x107: {  	_ =	swait.ge [sflag:s17], $0x2000  }
0x108: {  	[sflag:s17] =	ssyncset.done $0x0  }
0x109: {  	s19 =	simm.s32 $0x0;
	[sflag:s17] =	ssyncadd.s32 $0xFFFFE000  }
.LBB2_14:
0x10a: {  	s20 =	sshll.u32 s19, $0x4  }
0x10b: {  	s21 =	sor.u32 $0xC0, s20;
	v2 =	vmov s20  }
0x10c: {  	v3 =	vshll.u32 v2, $0x7;
	v2 =	vor.u32 s21, v0  }
0x10d: {  	s22 =	simm.s32 $0x0;
	v3 =	vor.u32 v1, v3  }
0x10e: {  	s21 =	simm.s32 $0x1;
	v5 =	vor.u32 s22, v3  }
0x10f: {  	v4 =	vor.u32 $0x40, v3;
	v7 =	vor.u32 s21, v3  }
0x110: {  	v6 =	vor.u32 s22, v4  }
0x111: {  	v9 =	vor.u32 s21, v4;
	s22 =	simm.s32 $0x2;
	v8 =	vld.idx.msk [tilespmem:v2+s12+$0x0], $0xffff  }
0x112: {  	v11 =	vor.u32 s22, v3;
	v10 =	vld.idx.msk [tilespmem:v2+s13+$0x0], $0xffff  }
0x113: {  	s21 =	simm.s32 $0x3;
	v12 =	vor.u32 s22, v4;
	v5 =	vld.idx.msk [tilespmem:v5+s15+$0x0], $0xffff  }
0x114: {  	v14 =	vor.u32 s21, v4;
	s22 =	simm.s32 $0x4;
	v7 =	vld.idx.msk [tilespmem:v7+s15+$0x0], $0xffff  }
0x115: {  	v15 =	vor.u32 s22, v3;
	v13 =	vld.idx.msk [tilespmem:v6+s16+$0x0], $0xffff  }
0x116: {  	v6 =	vor.u32 s21, v3;
	v9 =	vld.idx.msk [tilespmem:v9+s16+$0x0], $0xffff  }
0x117: {  	s21 =	simm.s32 $0x5;
	v17 =	vld.idx.msk [tilespmem:v11+s15+$0x0], $0xffff;
	v11 =	vor.u32 s22, v4  }
0x118: {  	v18 =	vld.idx.msk [tilespmem:v12+s16+$0x0], $0xffff;
	v16 =	vor.u32 s21, v3  }
0x119: {  	v19 =	vor.u32 s21, v4;
	s22 =	simm.s32 $0x6;
	v10 =	vadd.f32 v10, v8;
	v8 =	vld.idx.msk [tilespmem:v14+s16+$0x0], $0xffff  }
0x11a: {  	v12 =	vmul.f32 v13, v5;
	v5 =	vld.idx.msk [tilespmem:v15+s15+$0x0], $0xffff;
	v15 =	vor.u32 s22, v3  }
0x11b: {  	s21 =	simm.s32 $0x7;
	v14 =	vor.u32 s22, v4;
	v6 =	vld.idx.msk [tilespmem:v6+s15+$0x0], $0xffff  }
0x11c: {  	v20 =	vmul.f32 v9, v7;
	v9 =	vld.idx.msk [tilespmem:v11+s16+$0x0], $0xffff;
	v10 =	vadd.f32 v12, v10;
	v12 =	vor.u32 s21, v3  }
0x11d: {  	s22 =	simm.s32 $0x8;
	v7 =	vld.idx.msk [tilespmem:v16+s15+$0x0], $0xffff;
	v11 =	vor.u32 s21, v4  }
0x11e: {  	s20 =	simm.s32 $0xF;
	v13 =	vor.u32 s22, v3;
	v17 =	vmul.f32 v18, v17;
	s21 =	simm.s32 $0x17;
	v16 =	vadd.f32 v20, v10;
	v10 =	vld.idx.msk [tilespmem:v19+s16+$0x0], $0xffff  }
.LBB2_15:
0x11f: {  	p0 =	sne.s32 s21, $0x3F;
	v18 =	vor.u32 s22, v4;
	s22 =	sadd.s32 $0xFFFFFFFA, s20;
	v15 =	vld.idx.msk [tilespmem:v15+s15+$0x0], $0xffff  }
0x120: {  	v6 =	vmul.f32 v8, v6;
	v19 =	vor.u32 s22, v3;
	v16 =	vadd.f32 v17, v16;
	v8 =	vld.idx.msk [tilespmem:v14+s16+$0x0], $0xffff  }
0x121: {  	v14 =	vor.u32 s22, v4;
	s22 =	sadd.s32 $0xFFFFFFFB, s20;
	v12 =	vld.idx.msk [tilespmem:v12+s15+$0x0], $0xffff  }
0x122: {  	v17 =	vor.u32 s22, v3;
	v5 =	vmul.f32 v9, v5;
	v6 =	vadd.f32 v6, v16;
	v9 =	vld.idx.msk [tilespmem:v11+s16+$0x0], $0xffff  }
0x123: {  	v11 =	vld.idx.msk [tilespmem:v13+s15+$0x0], $0xffff;
	v13 =	vor.u32 s22, v4;
	s22 =	sadd.s32 $0xFFFFFFFC, s20  }
0x124: {  	v16 =	vld.idx.msk [tilespmem:v18+s16+$0x0], $0xffff;
	v18 =	vor.u32 s22, v3;
	v5 =	vadd.f32 v5, v6;
	v6 =	vmul.f32 v10, v7  }
0x125: {  	v10 =	vor.u32 s22, v4;
	s22 =	sadd.s32 $0xFFFFFFFD, s20;
	v7 =	vld.idx.msk [tilespmem:v19+s15+$0x0], $0xffff  }
0x126: {  	v19 =	vld.idx.msk [tilespmem:v14+s16+$0x0], $0xffff;
	v14 =	vor.u32 s22, v3;
	v5 =	vadd.f32 v6, v5;
	v6 =	vmul.f32 v8, v15  }
0x127: {  	v20 =	vor.u32 s22, v4;
	s22 =	sadd.s32 $0xFFFFFFFE, s20;
	v17 =	vld.idx.msk [tilespmem:v17+s15+$0x0], $0xffff  }
0x128: {  	v9 =	vmul.f32 v9, v12;
	v21 =	vld.idx.msk [tilespmem:v13+s16+$0x0], $0xffff;
	v13 =	vor.u32 s22, v3;
	v5 =	vadd.f32 v6, v5  }
0x129: {  	v6 =	vld.idx.msk [tilespmem:v18+s15+$0x0], $0xffff;
	v18 =	vor.u32 s22, v4;
	s22 =	sadd.s32 $0xFFFFFFFF, s20  }
.Ltmp6:
0x12a: {  	v11 =	vmul.f32 v16, v11;
	v8 =	vld.idx.msk [tilespmem:v10+s16+$0x0], $0xffff;
	v15 =	vor.u32 s22, v3;
	v9 =	vadd.f32 v9, v5;
	(pc) =	sbr.rel @p0 .LBB2_15-.Ltmp6, $4  }
0x12b: {  	v5 =	vld.idx.msk [tilespmem:v14+s15+$0x0], $0xffff;
	v14 =	vor.u32 s22, v4  }
0x12c: {  	v12 =	vor.u32 s20, v3;
	v16 =	vmul.f32 v19, v7;
	v10 =	vadd.f32 v11, v9;
	v9 =	vld.idx.msk [tilespmem:v20+s16+$0x0], $0xffff  }
0x12d: {  	s22 =	sadd.s32 $0xFFFFFFF9, s21;
	v11 =	vor.u32 s20, v4;
	s20 =	smov.u32 s21;
	v7 =	vld.idx.msk [tilespmem:v13+s15+$0x0], $0xffff  }
0x12e: {  	s21 =	sadd.s32 $0x8, s21;
	v13 =	vor.u32 s22, v3;
	v17 =	vmul.f32 v21, v17;
	v16 =	vadd.f32 v16, v10;
	v10 =	vld.idx.msk [tilespmem:v18+s16+$0x0], $0xffff  }
0x12f: {  	_ =	sdelay $0x3  }
0x130: {  	v18 =	vor.u32 s22, v4;
	s21 =	sadd.s32 $0xFFFFFFFA, s20;
	v15 =	vld.idx.msk [tilespmem:v15+s15+$0x0], $0xffff;
	v6 =	vmul.f32 v8, v6;
	v16 =	vadd.f32 v17, v16  }
0x131: {  	v14 =	vld.idx.msk [tilespmem:v14+s16+$0x0], $0xffff;
	v35 =	vor.u32 s21, v3  }
0x132: {  	s22 =	sadd.s32 $0xFFFFFFFB, s20;
	v12 =	vld.idx.msk [tilespmem:v12+s15+$0x0], $0xffff;
	v36 =	vor.u32 s21, v4;
	v5 =	vmul.f32 v9, v5;
	v6 =	vadd.f32 v6, v16  }
0x133: {  	v11 =	vld.idx.msk [tilespmem:v11+s16+$0x0], $0xffff;
	v37 =	vor.u32 s22, v3  }
0x134: {  	v13 =	vld.idx.msk [tilespmem:v13+s15+$0x0], $0xffff;
	v38 =	vor.u32 s22, v4;
	s22 =	sadd.s32 $0xFFFFFFFC, s20;
	v39 =	vmul.f32 v10, v7;
	v5 =	vadd.f32 v5, v6  }
0x135: {  	v41 =	vor.u32 s22, v3;
	v40 =	vld.idx.msk [tilespmem:v18+s16+$0x0], $0xffff  }
0x136: {  	v42 =	vor.u32 s22, v4;
	s22 =	sadd.s32 $0xFFFFFFFD, s20;
	v43 =	vmul.f32 v14, v15;
	v8 =	vld.idx.msk [tilespmem:v35+s15+$0x0], $0xffff;
	v5 =	vadd.f32 v39, v5  }
0x137: {  	v45 =	vor.u32 s22, v3;
	v44 =	vld.idx.msk [tilespmem:v36+s16+$0x0], $0xffff  }
0x138: {  	v46 =	vor.u32 s22, v4;
	s22 =	sadd.s32 $0xFFFFFFFE, s20;
	v47 =	vmul.f32 v11, v12;
	v9 =	vld.idx.msk [tilespmem:v37+s15+$0x0], $0xffff;
	v5 =	vadd.f32 v43, v5  }
0x139: {  	v49 =	vor.u32 s22, v3;
	v48 =	vld.idx.msk [tilespmem:v38+s16+$0x0], $0xffff  }
0x13a: {  	v50 =	vor.u32 s22, v4;
	s22 =	sadd.s32 $0xFFFFFFFF, s20;
	v10 =	vld.idx.msk [tilespmem:v41+s15+$0x0], $0xffff;
	v7 =	vmul.f32 v40, v13;
	v5 =	vadd.f32 v47, v5  }
0x13b: {  	v52 =	vor.u32 s22, v3;
	v51 =	vld.idx.msk [tilespmem:v42+s16+$0x0], $0xffff  }
0x13c: {  	v53 =	vor.u32 s22, v4;
	v15 =	vld.idx.msk [tilespmem:v45+s15+$0x0], $0xffff;
	v54 =	vmul.f32 v44, v8;
	v5 =	vadd.f32 v7, v5  }
0x13d: {  	v56 =	vor.u32 s20, v4;
	v55 =	vld.idx.msk [tilespmem:v46+s16+$0x0], $0xffff  }
0x13e: {  	v3 =	vor.u32 s20, v3;
	v12 =	vld.idx.msk [tilespmem:v49+s15+$0x0], $0xffff;
	v57 =	vmul.f32 v48, v9;
	v5 =	vadd.f32 v54, v5  }
0x13f: {  	v58 =	vld.idx.msk [tilespmem:v50+s16+$0x0], $0xffff  }
0x140: {  	v59 =	vld.idx.msk [tilespmem:v52+s15+$0x0], $0xffff;
	v6 =	vmul.f32 v51, v10;
	v5 =	vadd.f32 v57, v5  }
0x141: {  	v60 =	vld.idx.msk [tilespmem:v53+s16+$0x0], $0xffff  }
0x142: {  	v4 =	vld.idx.msk [tilespmem:v56+s16+$0x0], $0xffff;
	v61 =	vmul.f32 v55, v15;
	v5 =	vadd.f32 v6, v5  }
0x143: {  	v3 =	vld.idx.msk [tilespmem:v3+s15+$0x0], $0xffff  }
0x144: {  	v62 =	vmul.f32 v58, v12;
	v5 =	vadd.f32 v61, v5;
	_ =	sdelay $0x1  }
0x145: {  	s19 =	sadd.s32 $0x1, s19;
	v63 =	vmul.f32 v60, v59;
	v5 =	vadd.f32 v62, v5  }
0x146: {  	p0 =	sne.s32 s19, $0x4  }
.Ltmp7:
0x147: {  	v3 =	vmul.f32 v4, v3;
	v5 =	vadd.f32 v63, v5;
	(pc) =	sbr.rel @p0 .LBB2_14-.Ltmp7, $3  }
0x148: {  	_ = 	snop  }
0x149: {  	v3 =	vadd.f32 v3, v5;
	_ =	sdelay $0x1  }
0x14a: {  	[tilespmem:v2+s18+$0x0] =	vst.idx.msk $0xffff, v3  }
0x14b: {  	[tilespmem:s15], [sflag:$0x1] =	stream.indirect.gather [hbm4b:s3+s14], $0x80, s24, s14, $0xb8;
	[tilespmem:$0x4A00] =	vst v63  }
0x14c: {  	_ = 	snop  }
0x14d: {  	[tilespmem:s16], [sflag:$0x1] =	stream.indirect.gather [hbm4b:s3+s14], $0x80, s25, s14, $0xb8;
	[tilespmem:$0x4A00] =	vst v63  }
0x14e: {  	_ =	swait.ge [sflag:s17], $0x2000  }
0x14f: {  	[sflag:s17] =	ssyncset.done $0x0  }
0x150: {  	[sflag:s17] =	ssyncadd.s32 $0xFFFFE000  }
0x151: {  	_ =	swait.ge [sflag:s17], $0x2000  }
0x152: {  	[sflag:s17] =	ssyncset.done $0x0  }
0x153: {  	s19 =	simm.s32 $0x0;
	[sflag:s17] =	ssyncadd.s32 $0xFFFFE000  }
.LBB2_18:
0x154: {  	s20 =	sshll.u32 s19, $0x4  }
0x155: {  	s21 =	sor.u32 $0x100, s20;
	v2 =	vmov s20  }
0x156: {  	v3 =	vshll.u32 v2, $0x7;
	v2 =	vor.u32 s21, v0  }
0x157: {  	s22 =	simm.s32 $0x0;
	v3 =	vor.u32 v1, v3  }
0x158: {  	s21 =	simm.s32 $0x1;
	v5 =	vor.u32 s22, v3  }
0x159: {  	v4 =	vor.u32 $0x40, v3;
	v7 =	vor.u32 s21, v3  }
0x15a: {  	v6 =	vor.u32 s22, v4  }
0x15b: {  	v9 =	vor.u32 s21, v4;
	s22 =	simm.s32 $0x2;
	v8 =	vld.idx.msk [tilespmem:v2+s12+$0x0], $0xffff  }
0x15c: {  	v11 =	vor.u32 s22, v3;
	v10 =	vld.idx.msk [tilespmem:v2+s13+$0x0], $0xffff  }
0x15d: {  	s21 =	simm.s32 $0x3;
	v12 =	vor.u32 s22, v4;
	v5 =	vld.idx.msk [tilespmem:v5+s15+$0x0], $0xffff  }
0x15e: {  	v14 =	vor.u32 s21, v4;
	s22 =	simm.s32 $0x4;
	v7 =	vld.idx.msk [tilespmem:v7+s15+$0x0], $0xffff  }
0x15f: {  	v15 =	vor.u32 s22, v3;
	v13 =	vld.idx.msk [tilespmem:v6+s16+$0x0], $0xffff  }
0x160: {  	v6 =	vor.u32 s21, v3;
	v9 =	vld.idx.msk [tilespmem:v9+s16+$0x0], $0xffff  }
0x161: {  	s21 =	simm.s32 $0x5;
	v17 =	vld.idx.msk [tilespmem:v11+s15+$0x0], $0xffff;
	v11 =	vor.u32 s22, v4  }
0x162: {  	v18 =	vld.idx.msk [tilespmem:v12+s16+$0x0], $0xffff;
	v16 =	vor.u32 s21, v3  }
0x163: {  	v19 =	vor.u32 s21, v4;
	s22 =	simm.s32 $0x6;
	v10 =	vadd.f32 v10, v8;
	v8 =	vld.idx.msk [tilespmem:v14+s16+$0x0], $0xffff  }
0x164: {  	v12 =	vmul.f32 v13, v5;
	v5 =	vld.idx.msk [tilespmem:v15+s15+$0x0], $0xffff;
	v15 =	vor.u32 s22, v3  }
0x165: {  	s21 =	simm.s32 $0x7;
	v14 =	vor.u32 s22, v4;
	v6 =	vld.idx.msk [tilespmem:v6+s15+$0x0], $0xffff  }
0x166: {  	v20 =	vmul.f32 v9, v7;
	v9 =	vld.idx.msk [tilespmem:v11+s16+$0x0], $0xffff;
	v10 =	vadd.f32 v12, v10;
	v12 =	vor.u32 s21, v3  }
0x167: {  	s22 =	simm.s32 $0x8;
	v7 =	vld.idx.msk [tilespmem:v16+s15+$0x0], $0xffff;
	v11 =	vor.u32 s21, v4  }
0x168: {  	s20 =	simm.s32 $0xF;
	v13 =	vor.u32 s22, v3;
	v17 =	vmul.f32 v18, v17;
	s21 =	simm.s32 $0x17;
	v16 =	vadd.f32 v20, v10;
	v10 =	vld.idx.msk [tilespmem:v19+s16+$0x0], $0xffff  }
.LBB2_19:
0x169: {  	p0 =	sne.s32 s21, $0x3F;
	v18 =	vor.u32 s22, v4;
	s22 =	sadd.s32 $0xFFFFFFFA, s20;
	v15 =	vld.idx.msk [tilespmem:v15+s15+$0x0], $0xffff  }
0x16a: {  	v6 =	vmul.f32 v8, v6;
	v19 =	vor.u32 s22, v3;
	v16 =	vadd.f32 v17, v16;
	v8 =	vld.idx.msk [tilespmem:v14+s16+$0x0], $0xffff  }
0x16b: {  	v14 =	vor.u32 s22, v4;
	s22 =	sadd.s32 $0xFFFFFFFB, s20;
	v12 =	vld.idx.msk [tilespmem:v12+s15+$0x0], $0xffff  }
0x16c: {  	v17 =	vor.u32 s22, v3;
	v5 =	vmul.f32 v9, v5;
	v6 =	vadd.f32 v6, v16;
	v9 =	vld.idx.msk [tilespmem:v11+s16+$0x0], $0xffff  }
0x16d: {  	v11 =	vld.idx.msk [tilespmem:v13+s15+$0x0], $0xffff;
	v13 =	vor.u32 s22, v4;
	s22 =	sadd.s32 $0xFFFFFFFC, s20  }
0x16e: {  	v16 =	vld.idx.msk [tilespmem:v18+s16+$0x0], $0xffff;
	v18 =	vor.u32 s22, v3;
	v5 =	vadd.f32 v5, v6;
	v6 =	vmul.f32 v10, v7  }
0x16f: {  	v10 =	vor.u32 s22, v4;
	s22 =	sadd.s32 $0xFFFFFFFD, s20;
	v7 =	vld.idx.msk [tilespmem:v19+s15+$0x0], $0xffff  }
0x170: {  	v19 =	vld.idx.msk [tilespmem:v14+s16+$0x0], $0xffff;
	v14 =	vor.u32 s22, v3;
	v5 =	vadd.f32 v6, v5;
	v6 =	vmul.f32 v8, v15  }
0x171: {  	v20 =	vor.u32 s22, v4;
	s22 =	sadd.s32 $0xFFFFFFFE, s20;
	v17 =	vld.idx.msk [tilespmem:v17+s15+$0x0], $0xffff  }
0x172: {  	v9 =	vmul.f32 v9, v12;
	v21 =	vld.idx.msk [tilespmem:v13+s16+$0x0], $0xffff;
	v13 =	vor.u32 s22, v3;
	v5 =	vadd.f32 v6, v5  }
0x173: {  	v6 =	vld.idx.msk [tilespmem:v18+s15+$0x0], $0xffff;
	v18 =	vor.u32 s22, v4;
	s22 =	sadd.s32 $0xFFFFFFFF, s20  }
.Ltmp8:
0x174: {  	v11 =	vmul.f32 v16, v11;
	v8 =	vld.idx.msk [tilespmem:v10+s16+$0x0], $0xffff;
	v15 =	vor.u32 s22, v3;
	v9 =	vadd.f32 v9, v5;
	(pc) =	sbr.rel @p0 .LBB2_19-.Ltmp8, $4  }
0x175: {  	v5 =	vld.idx.msk [tilespmem:v14+s15+$0x0], $0xffff;
	v14 =	vor.u32 s22, v4  }
0x176: {  	v12 =	vor.u32 s20, v3;
	v16 =	vmul.f32 v19, v7;
	v10 =	vadd.f32 v11, v9;
	v9 =	vld.idx.msk [tilespmem:v20+s16+$0x0], $0xffff  }
0x177: {  	s22 =	sadd.s32 $0xFFFFFFF9, s21;
	v11 =	vor.u32 s20, v4;
	s20 =	smov.u32 s21;
	v7 =	vld.idx.msk [tilespmem:v13+s15+$0x0], $0xffff  }
0x178: {  	s21 =	sadd.s32 $0x8, s21;
	v13 =	vor.u32 s22, v3;
	v17 =	vmul.f32 v21, v17;
	v16 =	vadd.f32 v16, v10;
	v10 =	vld.idx.msk [tilespmem:v18+s16+$0x0], $0xffff  }
0x179: {  	_ =	sdelay $0x3  }
0x17a: {  	v18 =	vor.u32 s22, v4;
	s21 =	sadd.s32 $0xFFFFFFFA, s20;
	v15 =	vld.idx.msk [tilespmem:v15+s15+$0x0], $0xffff;
	v6 =	vmul.f32 v8, v6;
	v16 =	vadd.f32 v17, v16  }
0x17b: {  	v14 =	vld.idx.msk [tilespmem:v14+s16+$0x0], $0xffff;
	v35 =	vor.u32 s21, v3  }
0x17c: {  	s22 =	sadd.s32 $0xFFFFFFFB, s20;
	v12 =	vld.idx.msk [tilespmem:v12+s15+$0x0], $0xffff;
	v36 =	vor.u32 s21, v4;
	v5 =	vmul.f32 v9, v5;
	v6 =	vadd.f32 v6, v16  }
0x17d: {  	v11 =	vld.idx.msk [tilespmem:v11+s16+$0x0], $0xffff;
	v37 =	vor.u32 s22, v3  }
0x17e: {  	v13 =	vld.idx.msk [tilespmem:v13+s15+$0x0], $0xffff;
	v38 =	vor.u32 s22, v4;
	s22 =	sadd.s32 $0xFFFFFFFC, s20;
	v39 =	vmul.f32 v10, v7;
	v5 =	vadd.f32 v5, v6  }
0x17f: {  	v41 =	vor.u32 s22, v3;
	v40 =	vld.idx.msk [tilespmem:v18+s16+$0x0], $0xffff  }
0x180: {  	v42 =	vor.u32 s22, v4;
	s22 =	sadd.s32 $0xFFFFFFFD, s20;
	v43 =	vmul.f32 v14, v15;
	v8 =	vld.idx.msk [tilespmem:v35+s15+$0x0], $0xffff;
	v5 =	vadd.f32 v39, v5  }
0x181: {  	v45 =	vor.u32 s22, v3;
	v44 =	vld.idx.msk [tilespmem:v36+s16+$0x0], $0xffff  }
0x182: {  	v46 =	vor.u32 s22, v4;
	s22 =	sadd.s32 $0xFFFFFFFE, s20;
	v47 =	vmul.f32 v11, v12;
	v9 =	vld.idx.msk [tilespmem:v37+s15+$0x0], $0xffff;
	v5 =	vadd.f32 v43, v5  }
0x183: {  	v49 =	vor.u32 s22, v3;
	v48 =	vld.idx.msk [tilespmem:v38+s16+$0x0], $0xffff  }
0x184: {  	v50 =	vor.u32 s22, v4;
	s22 =	sadd.s32 $0xFFFFFFFF, s20;
	v10 =	vld.idx.msk [tilespmem:v41+s15+$0x0], $0xffff;
	v7 =	vmul.f32 v40, v13;
	v5 =	vadd.f32 v47, v5  }
0x185: {  	v52 =	vor.u32 s22, v3;
	v51 =	vld.idx.msk [tilespmem:v42+s16+$0x0], $0xffff  }
0x186: {  	v53 =	vor.u32 s22, v4;
	v15 =	vld.idx.msk [tilespmem:v45+s15+$0x0], $0xffff;
	v54 =	vmul.f32 v44, v8;
	v5 =	vadd.f32 v7, v5  }
0x187: {  	v56 =	vor.u32 s20, v4;
	v55 =	vld.idx.msk [tilespmem:v46+s16+$0x0], $0xffff  }
0x188: {  	v3 =	vor.u32 s20, v3;
	v12 =	vld.idx.msk [tilespmem:v49+s15+$0x0], $0xffff;
	v57 =	vmul.f32 v48, v9;
	v5 =	vadd.f32 v54, v5  }
0x189: {  	v58 =	vld.idx.msk [tilespmem:v50+s16+$0x0], $0xffff  }
0x18a: {  	v59 =	vld.idx.msk [tilespmem:v52+s15+$0x0], $0xffff;
	v6 =	vmul.f32 v51, v10;
	v5 =	vadd.f32 v57, v5  }
0x18b: {  	v60 =	vld.idx.msk [tilespmem:v53+s16+$0x0], $0xffff  }
0x18c: {  	v4 =	vld.idx.msk [tilespmem:v56+s16+$0x0], $0xffff;
	v61 =	vmul.f32 v55, v15;
	v5 =	vadd.f32 v6, v5  }
0x18d: {  	v3 =	vld.idx.msk [tilespmem:v3+s15+$0x0], $0xffff  }
0x18e: {  	v62 =	vmul.f32 v58, v12;
	v5 =	vadd.f32 v61, v5;
	_ =	sdelay $0x1  }
0x18f: {  	s19 =	sadd.s32 $0x1, s19;
	v63 =	vmul.f32 v60, v59;
	v5 =	vadd.f32 v62, v5  }
0x190: {  	p0 =	sne.s32 s19, $0x4  }
.Ltmp9:
0x191: {  	v3 =	vmul.f32 v4, v3;
	v5 =	vadd.f32 v63, v5;
	(pc) =	sbr.rel @p0 .LBB2_18-.Ltmp9, $3  }
0x192: {  	_ = 	snop  }
0x193: {  	v3 =	vadd.f32 v3, v5;
	_ =	sdelay $0x1  }
0x194: {  	[tilespmem:v2+s18+$0x0] =	vst.idx.msk $0xffff, v3  }
0x195: {  	[tilespmem:s15], [sflag:$0x1] =	stream.indirect.gather [hbm4b:s3+s14], $0x80, s26, s14, $0xb8;
	[tilespmem:$0x4A00] =	vst v63  }
0x196: {  	_ = 	snop  }
0x197: {  	[tilespmem:s16], [sflag:$0x1] =	stream.indirect.gather [hbm4b:s3+s14], $0x80, s28, s14, $0xb8;
	[tilespmem:$0x4A00] =	vst v63  }
0x198: {  	_ =	swait.ge [sflag:s17], $0x2000  }
0x199: {  	[sflag:s17] =	ssyncset.done $0x0  }
0x19a: {  	[sflag:s17] =	ssyncadd.s32 $0xFFFFE000  }
0x19b: {  	_ =	swait.ge [sflag:s17], $0x2000  }
0x19c: {  	[sflag:s17] =	ssyncset.done $0x0  }
0x19d: {  	s19 =	simm.s32 $0x0;
	[sflag:s17] =	ssyncadd.s32 $0xFFFFE000  }
.LBB2_22:
0x19e: {  	s20 =	sshll.u32 s19, $0x4  }
0x19f: {  	s21 =	sor.u32 $0x140, s20;
	v2 =	vmov s20  }
0x1a0: {  	v3 =	vshll.u32 v2, $0x7;
	v2 =	vor.u32 s21, v0  }
0x1a1: {  	s22 =	simm.s32 $0x0;
	v3 =	vor.u32 v1, v3  }
0x1a2: {  	s21 =	simm.s32 $0x1;
	v5 =	vor.u32 s22, v3  }
0x1a3: {  	v4 =	vor.u32 $0x40, v3;
	v7 =	vor.u32 s21, v3  }
0x1a4: {  	v6 =	vor.u32 s22, v4  }
0x1a5: {  	v9 =	vor.u32 s21, v4;
	s22 =	simm.s32 $0x2;
	v8 =	vld.idx.msk [tilespmem:v2+s12+$0x0], $0xffff  }
0x1a6: {  	v11 =	vor.u32 s22, v3;
	v10 =	vld.idx.msk [tilespmem:v2+s13+$0x0], $0xffff  }
0x1a7: {  	s21 =	simm.s32 $0x3;
	v12 =	vor.u32 s22, v4;
	v5 =	vld.idx.msk [tilespmem:v5+s15+$0x0], $0xffff  }
0x1a8: {  	v14 =	vor.u32 s21, v4;
	s22 =	simm.s32 $0x4;
	v7 =	vld.idx.msk [tilespmem:v7+s15+$0x0], $0xffff  }
0x1a9: {  	v15 =	vor.u32 s22, v3;
	v13 =	vld.idx.msk [tilespmem:v6+s16+$0x0], $0xffff  }
0x1aa: {  	v6 =	vor.u32 s21, v3;
	v9 =	vld.idx.msk [tilespmem:v9+s16+$0x0], $0xffff  }
0x1ab: {  	s21 =	simm.s32 $0x5;
	v17 =	vld.idx.msk [tilespmem:v11+s15+$0x0], $0xffff;
	v11 =	vor.u32 s22, v4  }
0x1ac: {  	v18 =	vld.idx.msk [tilespmem:v12+s16+$0x0], $0xffff;
	v16 =	vor.u32 s21, v3  }
0x1ad: {  	v19 =	vor.u32 s21, v4;
	s22 =	simm.s32 $0x6;
	v10 =	vadd.f32 v10, v8;
	v8 =	vld.idx.msk [tilespmem:v14+s16+$0x0], $0xffff  }
0x1ae: {  	v12 =	vmul.f32 v13, v5;
	v5 =	vld.idx.msk [tilespmem:v15+s15+$0x0], $0xffff;
	v15 =	vor.u32 s22, v3  }
0x1af: {  	s21 =	simm.s32 $0x7;
	v14 =	vor.u32 s22, v4;
	v6 =	vld.idx.msk [tilespmem:v6+s15+$0x0], $0xffff  }
0x1b0: {  	v20 =	vmul.f32 v9, v7;
	v9 =	vld.idx.msk [tilespmem:v11+s16+$0x0], $0xffff;
	v10 =	vadd.f32 v12, v10;
	v12 =	vor.u32 s21, v3  }
0x1b1: {  	s22 =	simm.s32 $0x8;
	v7 =	vld.idx.msk [tilespmem:v16+s15+$0x0], $0xffff;
	v11 =	vor.u32 s21, v4  }
0x1b2: {  	s20 =	simm.s32 $0xF;
	v13 =	vor.u32 s22, v3;
	v17 =	vmul.f32 v18, v17;
	s21 =	simm.s32 $0x17;
	v16 =	vadd.f32 v20, v10;
	v10 =	vld.idx.msk [tilespmem:v19+s16+$0x0], $0xffff  }
.LBB2_23:
0x1b3: {  	p0 =	sne.s32 s21, $0x3F;
	v18 =	vor.u32 s22, v4;
	s22 =	sadd.s32 $0xFFFFFFFA, s20;
	v15 =	vld.idx.msk [tilespmem:v15+s15+$0x0], $0xffff  }
0x1b4: {  	v6 =	vmul.f32 v8, v6;
	v19 =	vor.u32 s22, v3;
	v16 =	vadd.f32 v17, v16;
	v8 =	vld.idx.msk [tilespmem:v14+s16+$0x0], $0xffff  }
0x1b5: {  	v14 =	vor.u32 s22, v4;
	s22 =	sadd.s32 $0xFFFFFFFB, s20;
	v12 =	vld.idx.msk [tilespmem:v12+s15+$0x0], $0xffff  }
0x1b6: {  	v17 =	vor.u32 s22, v3;
	v5 =	vmul.f32 v9, v5;
	v6 =	vadd.f32 v6, v16;
	v9 =	vld.idx.msk [tilespmem:v11+s16+$0x0], $0xffff  }
0x1b7: {  	v11 =	vld.idx.msk [tilespmem:v13+s15+$0x0], $0xffff;
	v13 =	vor.u32 s22, v4;
	s22 =	sadd.s32 $0xFFFFFFFC, s20  }
0x1b8: {  	v16 =	vld.idx.msk [tilespmem:v18+s16+$0x0], $0xffff;
	v18 =	vor.u32 s22, v3;
	v5 =	vadd.f32 v5, v6;
	v6 =	vmul.f32 v10, v7  }
0x1b9: {  	v10 =	vor.u32 s22, v4;
	s22 =	sadd.s32 $0xFFFFFFFD, s20;
	v7 =	vld.idx.msk [tilespmem:v19+s15+$0x0], $0xffff  }
0x1ba: {  	v19 =	vld.idx.msk [tilespmem:v14+s16+$0x0], $0xffff;
	v14 =	vor.u32 s22, v3;
	v5 =	vadd.f32 v6, v5;
	v6 =	vmul.f32 v8, v15  }
0x1bb: {  	v20 =	vor.u32 s22, v4;
	s22 =	sadd.s32 $0xFFFFFFFE, s20;
	v17 =	vld.idx.msk [tilespmem:v17+s15+$0x0], $0xffff  }
0x1bc: {  	v9 =	vmul.f32 v9, v12;
	v21 =	vld.idx.msk [tilespmem:v13+s16+$0x0], $0xffff;
	v13 =	vor.u32 s22, v3;
	v5 =	vadd.f32 v6, v5  }
0x1bd: {  	v6 =	vld.idx.msk [tilespmem:v18+s15+$0x0], $0xffff;
	v18 =	vor.u32 s22, v4;
	s22 =	sadd.s32 $0xFFFFFFFF, s20  }
.Ltmp10:
0x1be: {  	v11 =	vmul.f32 v16, v11;
	v8 =	vld.idx.msk [tilespmem:v10+s16+$0x0], $0xffff;
	v15 =	vor.u32 s22, v3;
	v9 =	vadd.f32 v9, v5;
	(pc) =	sbr.rel @p0 .LBB2_23-.Ltmp10, $4  }
0x1bf: {  	v5 =	vld.idx.msk [tilespmem:v14+s15+$0x0], $0xffff;
	v14 =	vor.u32 s22, v4  }
0x1c0: {  	v12 =	vor.u32 s20, v3;
	v16 =	vmul.f32 v19, v7;
	v10 =	vadd.f32 v11, v9;
	v9 =	vld.idx.msk [tilespmem:v20+s16+$0x0], $0xffff  }
0x1c1: {  	s22 =	sadd.s32 $0xFFFFFFF9, s21;
	v11 =	vor.u32 s20, v4;
	s20 =	smov.u32 s21;
	v7 =	vld.idx.msk [tilespmem:v13+s15+$0x0], $0xffff  }
0x1c2: {  	s21 =	sadd.s32 $0x8, s21;
	v13 =	vor.u32 s22, v3;
	v17 =	vmul.f32 v21, v17;
	v16 =	vadd.f32 v16, v10;
	v10 =	vld.idx.msk [tilespmem:v18+s16+$0x0], $0xffff  }
0x1c3: {  	_ =	sdelay $0x3  }
0x1c4: {  	v18 =	vor.u32 s22, v4;
	s21 =	sadd.s32 $0xFFFFFFFA, s20;
	v15 =	vld.idx.msk [tilespmem:v15+s15+$0x0], $0xffff;
	v6 =	vmul.f32 v8, v6;
	v16 =	vadd.f32 v17, v16  }
0x1c5: {  	v14 =	vld.idx.msk [tilespmem:v14+s16+$0x0], $0xffff;
	v35 =	vor.u32 s21, v3  }
0x1c6: {  	s22 =	sadd.s32 $0xFFFFFFFB, s20;
	v12 =	vld.idx.msk [tilespmem:v12+s15+$0x0], $0xffff;
	v36 =	vor.u32 s21, v4;
	v5 =	vmul.f32 v9, v5;
	v6 =	vadd.f32 v6, v16  }
0x1c7: {  	v11 =	vld.idx.msk [tilespmem:v11+s16+$0x0], $0xffff;
	v37 =	vor.u32 s22, v3  }
0x1c8: {  	v13 =	vld.idx.msk [tilespmem:v13+s15+$0x0], $0xffff;
	v38 =	vor.u32 s22, v4;
	s22 =	sadd.s32 $0xFFFFFFFC, s20;
	v39 =	vmul.f32 v10, v7;
	v5 =	vadd.f32 v5, v6  }
0x1c9: {  	v41 =	vor.u32 s22, v3;
	v40 =	vld.idx.msk [tilespmem:v18+s16+$0x0], $0xffff  }
0x1ca: {  	v42 =	vor.u32 s22, v4;
	s22 =	sadd.s32 $0xFFFFFFFD, s20;
	v43 =	vmul.f32 v14, v15;
	v8 =	vld.idx.msk [tilespmem:v35+s15+$0x0], $0xffff;
	v5 =	vadd.f32 v39, v5  }
0x1cb: {  	v45 =	vor.u32 s22, v3;
	v44 =	vld.idx.msk [tilespmem:v36+s16+$0x0], $0xffff  }
0x1cc: {  	v46 =	vor.u32 s22, v4;
	s22 =	sadd.s32 $0xFFFFFFFE, s20;
	v47 =	vmul.f32 v11, v12;
	v9 =	vld.idx.msk [tilespmem:v37+s15+$0x0], $0xffff;
	v5 =	vadd.f32 v43, v5  }
0x1cd: {  	v49 =	vor.u32 s22, v3;
	v48 =	vld.idx.msk [tilespmem:v38+s16+$0x0], $0xffff  }
0x1ce: {  	v50 =	vor.u32 s22, v4;
	s22 =	sadd.s32 $0xFFFFFFFF, s20;
	v10 =	vld.idx.msk [tilespmem:v41+s15+$0x0], $0xffff;
	v7 =	vmul.f32 v40, v13;
	v5 =	vadd.f32 v47, v5  }
0x1cf: {  	v52 =	vor.u32 s22, v3;
	v51 =	vld.idx.msk [tilespmem:v42+s16+$0x0], $0xffff  }
0x1d0: {  	v53 =	vor.u32 s22, v4;
	v15 =	vld.idx.msk [tilespmem:v45+s15+$0x0], $0xffff;
	v54 =	vmul.f32 v44, v8;
	v5 =	vadd.f32 v7, v5  }
0x1d1: {  	v56 =	vor.u32 s20, v4;
	v55 =	vld.idx.msk [tilespmem:v46+s16+$0x0], $0xffff  }
0x1d2: {  	v3 =	vor.u32 s20, v3;
	v12 =	vld.idx.msk [tilespmem:v49+s15+$0x0], $0xffff;
	v57 =	vmul.f32 v48, v9;
	v5 =	vadd.f32 v54, v5  }
0x1d3: {  	v58 =	vld.idx.msk [tilespmem:v50+s16+$0x0], $0xffff  }
0x1d4: {  	v59 =	vld.idx.msk [tilespmem:v52+s15+$0x0], $0xffff;
	v6 =	vmul.f32 v51, v10;
	v5 =	vadd.f32 v57, v5  }
0x1d5: {  	v60 =	vld.idx.msk [tilespmem:v53+s16+$0x0], $0xffff  }
0x1d6: {  	v4 =	vld.idx.msk [tilespmem:v56+s16+$0x0], $0xffff;
	v61 =	vmul.f32 v55, v15;
	v5 =	vadd.f32 v6, v5  }
0x1d7: {  	v3 =	vld.idx.msk [tilespmem:v3+s15+$0x0], $0xffff  }
0x1d8: {  	v62 =	vmul.f32 v58, v12;
	v5 =	vadd.f32 v61, v5;
	_ =	sdelay $0x1  }
0x1d9: {  	s19 =	sadd.s32 $0x1, s19;
	v63 =	vmul.f32 v60, v59;
	v5 =	vadd.f32 v62, v5  }
0x1da: {  	p0 =	sne.s32 s19, $0x4  }
.Ltmp11:
0x1db: {  	v3 =	vmul.f32 v4, v3;
	v5 =	vadd.f32 v63, v5;
	(pc) =	sbr.rel @p0 .LBB2_22-.Ltmp11, $3  }
0x1dc: {  	_ = 	snop  }
0x1dd: {  	v3 =	vadd.f32 v3, v5;
	_ =	sdelay $0x1  }
0x1de: {  	[tilespmem:v2+s18+$0x0] =	vst.idx.msk $0xffff, v3  }
0x1df: {  	[tilespmem:s15], [sflag:$0x1] =	stream.indirect.gather [hbm4b:s3+s14], $0x80, s29, s14, $0xb8;
	[tilespmem:$0x4A00] =	vst v63  }
0x1e0: {  	_ = 	snop  }
0x1e1: {  	[tilespmem:s16], [sflag:$0x1] =	stream.indirect.gather [hbm4b:s3+s14], $0x80, s30, s14, $0xb8;
	[tilespmem:$0x4A00] =	vst v63  }
0x1e2: {  	_ =	swait.ge [sflag:s17], $0x2000  }
0x1e3: {  	[sflag:s17] =	ssyncset.done $0x0  }
0x1e4: {  	[sflag:s17] =	ssyncadd.s32 $0xFFFFE000  }
0x1e5: {  	_ =	swait.ge [sflag:s17], $0x2000  }
0x1e6: {  	[sflag:s17] =	ssyncset.done $0x0  }
0x1e7: {  	s19 =	simm.s32 $0x0;
	[sflag:s17] =	ssyncadd.s32 $0xFFFFE000  }
.LBB2_26:
0x1e8: {  	s20 =	sshll.u32 s19, $0x4  }
0x1e9: {  	s21 =	sor.u32 $0x180, s20;
	v2 =	vmov s20  }
0x1ea: {  	v3 =	vshll.u32 v2, $0x7;
	v2 =	vor.u32 s21, v0  }
0x1eb: {  	s22 =	simm.s32 $0x0;
	v3 =	vor.u32 v1, v3  }
0x1ec: {  	s21 =	simm.s32 $0x1;
	v5 =	vor.u32 s22, v3  }
0x1ed: {  	v4 =	vor.u32 $0x40, v3;
	v7 =	vor.u32 s21, v3  }
0x1ee: {  	v6 =	vor.u32 s22, v4  }
0x1ef: {  	v9 =	vor.u32 s21, v4;
	s22 =	simm.s32 $0x2;
	v8 =	vld.idx.msk [tilespmem:v2+s12+$0x0], $0xffff  }
0x1f0: {  	v11 =	vor.u32 s22, v3;
	v10 =	vld.idx.msk [tilespmem:v2+s13+$0x0], $0xffff  }
0x1f1: {  	s21 =	simm.s32 $0x3;
	v12 =	vor.u32 s22, v4;
	v5 =	vld.idx.msk [tilespmem:v5+s15+$0x0], $0xffff  }
0x1f2: {  	v14 =	vor.u32 s21, v4;
	s22 =	simm.s32 $0x4;
	v7 =	vld.idx.msk [tilespmem:v7+s15+$0x0], $0xffff  }
0x1f3: {  	v15 =	vor.u32 s22, v3;
	v13 =	vld.idx.msk [tilespmem:v6+s16+$0x0], $0xffff  }
0x1f4: {  	v6 =	vor.u32 s21, v3;
	v9 =	vld.idx.msk [tilespmem:v9+s16+$0x0], $0xffff  }
0x1f5: {  	s21 =	simm.s32 $0x5;
	v17 =	vld.idx.msk [tilespmem:v11+s15+$0x0], $0xffff;
	v11 =	vor.u32 s22, v4  }
0x1f6: {  	v18 =	vld.idx.msk [tilespmem:v12+s16+$0x0], $0xffff;
	v16 =	vor.u32 s21, v3  }
0x1f7: {  	v19 =	vor.u32 s21, v4;
	s22 =	simm.s32 $0x6;
	v10 =	vadd.f32 v10, v8;
	v8 =	vld.idx.msk [tilespmem:v14+s16+$0x0], $0xffff  }
0x1f8: {  	v12 =	vmul.f32 v13, v5;
	v5 =	vld.idx.msk [tilespmem:v15+s15+$0x0], $0xffff;
	v15 =	vor.u32 s22, v3  }
0x1f9: {  	s21 =	simm.s32 $0x7;
	v14 =	vor.u32 s22, v4;
	v6 =	vld.idx.msk [tilespmem:v6+s15+$0x0], $0xffff  }
0x1fa: {  	v20 =	vmul.f32 v9, v7;
	v9 =	vld.idx.msk [tilespmem:v11+s16+$0x0], $0xffff;
	v10 =	vadd.f32 v12, v10;
	v12 =	vor.u32 s21, v3  }
0x1fb: {  	s22 =	simm.s32 $0x8;
	v7 =	vld.idx.msk [tilespmem:v16+s15+$0x0], $0xffff;
	v11 =	vor.u32 s21, v4  }
0x1fc: {  	s20 =	simm.s32 $0xF;
	v13 =	vor.u32 s22, v3;
	v17 =	vmul.f32 v18, v17;
	s21 =	simm.s32 $0x17;
	v16 =	vadd.f32 v20, v10;
	v10 =	vld.idx.msk [tilespmem:v19+s16+$0x0], $0xffff  }
.LBB2_27:
0x1fd: {  	p0 =	sne.s32 s21, $0x3F;
	v18 =	vor.u32 s22, v4;
	s22 =	sadd.s32 $0xFFFFFFFA, s20;
	v15 =	vld.idx.msk [tilespmem:v15+s15+$0x0], $0xffff  }
0x1fe: {  	v6 =	vmul.f32 v8, v6;
	v19 =	vor.u32 s22, v3;
	v16 =	vadd.f32 v17, v16;
	v8 =	vld.idx.msk [tilespmem:v14+s16+$0x0], $0xffff  }
0x1ff: {  	v14 =	vor.u32 s22, v4;
	s22 =	sadd.s32 $0xFFFFFFFB, s20;
	v12 =	vld.idx.msk [tilespmem:v12+s15+$0x0], $0xffff  }
0x200: {  	v17 =	vor.u32 s22, v3;
	v5 =	vmul.f32 v9, v5;
	v6 =	vadd.f32 v6, v16;
	v9 =	vld.idx.msk [tilespmem:v11+s16+$0x0], $0xffff  }
0x201: {  	v11 =	vld.idx.msk [tilespmem:v13+s15+$0x0], $0xffff;
	v13 =	vor.u32 s22, v4;
	s22 =	sadd.s32 $0xFFFFFFFC, s20  }
0x202: {  	v16 =	vld.idx.msk [tilespmem:v18+s16+$0x0], $0xffff;
	v18 =	vor.u32 s22, v3;
	v5 =	vadd.f32 v5, v6;
	v6 =	vmul.f32 v10, v7  }
0x203: {  	v10 =	vor.u32 s22, v4;
	s22 =	sadd.s32 $0xFFFFFFFD, s20;
	v7 =	vld.idx.msk [tilespmem:v19+s15+$0x0], $0xffff  }
0x204: {  	v19 =	vld.idx.msk [tilespmem:v14+s16+$0x0], $0xffff;
	v14 =	vor.u32 s22, v3;
	v5 =	vadd.f32 v6, v5;
	v6 =	vmul.f32 v8, v15  }
0x205: {  	v20 =	vor.u32 s22, v4;
	s22 =	sadd.s32 $0xFFFFFFFE, s20;
	v17 =	vld.idx.msk [tilespmem:v17+s15+$0x0], $0xffff  }
0x206: {  	v9 =	vmul.f32 v9, v12;
	v21 =	vld.idx.msk [tilespmem:v13+s16+$0x0], $0xffff;
	v13 =	vor.u32 s22, v3;
	v5 =	vadd.f32 v6, v5  }
0x207: {  	v6 =	vld.idx.msk [tilespmem:v18+s15+$0x0], $0xffff;
	v18 =	vor.u32 s22, v4;
	s22 =	sadd.s32 $0xFFFFFFFF, s20  }
.Ltmp12:
0x208: {  	v11 =	vmul.f32 v16, v11;
	v8 =	vld.idx.msk [tilespmem:v10+s16+$0x0], $0xffff;
	v15 =	vor.u32 s22, v3;
	v9 =	vadd.f32 v9, v5;
	(pc) =	sbr.rel @p0 .LBB2_27-.Ltmp12, $4  }
0x209: {  	v5 =	vld.idx.msk [tilespmem:v14+s15+$0x0], $0xffff;
	v14 =	vor.u32 s22, v4  }
0x20a: {  	v12 =	vor.u32 s20, v3;
	v16 =	vmul.f32 v19, v7;
	v10 =	vadd.f32 v11, v9;
	v9 =	vld.idx.msk [tilespmem:v20+s16+$0x0], $0xffff  }
0x20b: {  	s22 =	sadd.s32 $0xFFFFFFF9, s21;
	v11 =	vor.u32 s20, v4;
	s20 =	smov.u32 s21;
	v7 =	vld.idx.msk [tilespmem:v13+s15+$0x0], $0xffff  }
0x20c: {  	s21 =	sadd.s32 $0x8, s21;
	v13 =	vor.u32 s22, v3;
	v17 =	vmul.f32 v21, v17;
	v16 =	vadd.f32 v16, v10;
	v10 =	vld.idx.msk [tilespmem:v18+s16+$0x0], $0xffff  }
0x20d: {  	_ =	sdelay $0x3  }
0x20e: {  	v18 =	vor.u32 s22, v4;
	s21 =	sadd.s32 $0xFFFFFFFA, s20;
	v15 =	vld.idx.msk [tilespmem:v15+s15+$0x0], $0xffff;
	v6 =	vmul.f32 v8, v6;
	v16 =	vadd.f32 v17, v16  }
0x20f: {  	v14 =	vld.idx.msk [tilespmem:v14+s16+$0x0], $0xffff;
	v35 =	vor.u32 s21, v3  }
0x210: {  	s22 =	sadd.s32 $0xFFFFFFFB, s20;
	v12 =	vld.idx.msk [tilespmem:v12+s15+$0x0], $0xffff;
	v36 =	vor.u32 s21, v4;
	v5 =	vmul.f32 v9, v5;
	v6 =	vadd.f32 v6, v16  }
0x211: {  	v11 =	vld.idx.msk [tilespmem:v11+s16+$0x0], $0xffff;
	v37 =	vor.u32 s22, v3  }
0x212: {  	v13 =	vld.idx.msk [tilespmem:v13+s15+$0x0], $0xffff;
	v38 =	vor.u32 s22, v4;
	s22 =	sadd.s32 $0xFFFFFFFC, s20;
	v39 =	vmul.f32 v10, v7;
	v5 =	vadd.f32 v5, v6  }
0x213: {  	v41 =	vor.u32 s22, v3;
	v40 =	vld.idx.msk [tilespmem:v18+s16+$0x0], $0xffff  }
0x214: {  	v42 =	vor.u32 s22, v4;
	s22 =	sadd.s32 $0xFFFFFFFD, s20;
	v43 =	vmul.f32 v14, v15;
	v8 =	vld.idx.msk [tilespmem:v35+s15+$0x0], $0xffff;
	v5 =	vadd.f32 v39, v5  }
0x215: {  	v45 =	vor.u32 s22, v3;
	v44 =	vld.idx.msk [tilespmem:v36+s16+$0x0], $0xffff  }
0x216: {  	v46 =	vor.u32 s22, v4;
	s22 =	sadd.s32 $0xFFFFFFFE, s20;
	v47 =	vmul.f32 v11, v12;
	v9 =	vld.idx.msk [tilespmem:v37+s15+$0x0], $0xffff;
	v5 =	vadd.f32 v43, v5  }
0x217: {  	v49 =	vor.u32 s22, v3;
	v48 =	vld.idx.msk [tilespmem:v38+s16+$0x0], $0xffff  }
0x218: {  	v50 =	vor.u32 s22, v4;
	s22 =	sadd.s32 $0xFFFFFFFF, s20;
	v10 =	vld.idx.msk [tilespmem:v41+s15+$0x0], $0xffff;
	v7 =	vmul.f32 v40, v13;
	v5 =	vadd.f32 v47, v5  }
0x219: {  	v52 =	vor.u32 s22, v3;
	v51 =	vld.idx.msk [tilespmem:v42+s16+$0x0], $0xffff  }
0x21a: {  	v53 =	vor.u32 s22, v4;
	v15 =	vld.idx.msk [tilespmem:v45+s15+$0x0], $0xffff;
	v54 =	vmul.f32 v44, v8;
	v5 =	vadd.f32 v7, v5  }
0x21b: {  	v56 =	vor.u32 s20, v4;
	v55 =	vld.idx.msk [tilespmem:v46+s16+$0x0], $0xffff  }
0x21c: {  	v3 =	vor.u32 s20, v3;
	v12 =	vld.idx.msk [tilespmem:v49+s15+$0x0], $0xffff;
	v57 =	vmul.f32 v48, v9;
	v5 =	vadd.f32 v54, v5  }
0x21d: {  	v58 =	vld.idx.msk [tilespmem:v50+s16+$0x0], $0xffff  }
0x21e: {  	v59 =	vld.idx.msk [tilespmem:v52+s15+$0x0], $0xffff;
	v6 =	vmul.f32 v51, v10;
	v5 =	vadd.f32 v57, v5  }
0x21f: {  	v60 =	vld.idx.msk [tilespmem:v53+s16+$0x0], $0xffff  }
0x220: {  	v4 =	vld.idx.msk [tilespmem:v56+s16+$0x0], $0xffff;
	v61 =	vmul.f32 v55, v15;
	v5 =	vadd.f32 v6, v5  }
0x221: {  	v3 =	vld.idx.msk [tilespmem:v3+s15+$0x0], $0xffff  }
0x222: {  	v62 =	vmul.f32 v58, v12;
	v5 =	vadd.f32 v61, v5;
	_ =	sdelay $0x1  }
0x223: {  	s19 =	sadd.s32 $0x1, s19;
	v63 =	vmul.f32 v60, v59;
	v5 =	vadd.f32 v62, v5  }
0x224: {  	p0 =	sne.s32 s19, $0x4  }
.Ltmp13:
0x225: {  	v3 =	vmul.f32 v4, v3;
	v5 =	vadd.f32 v63, v5;
	(pc) =	sbr.rel @p0 .LBB2_26-.Ltmp13, $3  }
0x226: {  	_ = 	snop  }
0x227: {  	v3 =	vadd.f32 v3, v5;
	_ =	sdelay $0x1  }
0x228: {  	[tilespmem:v2+s18+$0x0] =	vst.idx.msk $0xffff, v3  }
0x229: {  	[tilespmem:s15], [sflag:$0x1] =	stream.indirect.gather [hbm4b:s3+s14], $0x80, s31, s14, $0xb8;
	[tilespmem:$0x4A00] =	vst v63  }
0x22a: {  	_ = 	snop  }
0x22b: {  	[tilespmem:s16], [sflag:$0x1] =	stream.indirect.gather [hbm4b:s3+s14], $0x80, s0, s14, $0xb8;
	[tilespmem:$0x4A00] =	vst v63  }
0x22c: {  	_ =	swait.ge [sflag:s17], $0x2000  }
0x22d: {  	[sflag:s17] =	ssyncset.done $0x0  }
0x22e: {  	[sflag:s17] =	ssyncadd.s32 $0xFFFFE000  }
0x22f: {  	_ =	swait.ge [sflag:s17], $0x2000  }
0x230: {  	[sflag:s17] =	ssyncset.done $0x0  }
0x231: {  	s19 =	simm.s32 $0x0;
	[sflag:s17] =	ssyncadd.s32 $0xFFFFE000  }
.LBB2_30:
0x232: {  	s20 =	sshll.u32 s19, $0x4  }
0x233: {  	s21 =	sor.u32 $0x1C0, s20;
	v2 =	vmov s20  }
0x234: {  	v3 =	vshll.u32 v2, $0x7;
	v2 =	vor.u32 s21, v0  }
0x235: {  	s22 =	simm.s32 $0x0;
	v3 =	vor.u32 v1, v3  }
0x236: {  	s21 =	simm.s32 $0x1;
	v5 =	vor.u32 s22, v3  }
0x237: {  	v4 =	vor.u32 $0x40, v3;
	v7 =	vor.u32 s21, v3  }
0x238: {  	v6 =	vor.u32 s22, v4  }
0x239: {  	v9 =	vor.u32 s21, v4;
	s22 =	simm.s32 $0x2;
	v8 =	vld.idx.msk [tilespmem:v2+s12+$0x0], $0xffff  }
0x23a: {  	v11 =	vor.u32 s22, v3;
	v10 =	vld.idx.msk [tilespmem:v2+s13+$0x0], $0xffff  }
0x23b: {  	s21 =	simm.s32 $0x3;
	v12 =	vor.u32 s22, v4;
	v5 =	vld.idx.msk [tilespmem:v5+s15+$0x0], $0xffff  }
0x23c: {  	v14 =	vor.u32 s21, v4;
	s22 =	simm.s32 $0x4;
	v7 =	vld.idx.msk [tilespmem:v7+s15+$0x0], $0xffff  }
0x23d: {  	v15 =	vor.u32 s22, v3;
	v13 =	vld.idx.msk [tilespmem:v6+s16+$0x0], $0xffff  }
0x23e: {  	v6 =	vor.u32 s21, v3;
	v9 =	vld.idx.msk [tilespmem:v9+s16+$0x0], $0xffff  }
0x23f: {  	s21 =	simm.s32 $0x5;
	v17 =	vld.idx.msk [tilespmem:v11+s15+$0x0], $0xffff;
	v11 =	vor.u32 s22, v4  }
0x240: {  	v18 =	vld.idx.msk [tilespmem:v12+s16+$0x0], $0xffff;
	v16 =	vor.u32 s21, v3  }
0x241: {  	v19 =	vor.u32 s21, v4;
	s22 =	simm.s32 $0x6;
	v10 =	vadd.f32 v10, v8;
	v8 =	vld.idx.msk [tilespmem:v14+s16+$0x0], $0xffff  }
0x242: {  	v12 =	vmul.f32 v13, v5;
	v5 =	vld.idx.msk [tilespmem:v15+s15+$0x0], $0xffff;
	v15 =	vor.u32 s22, v3  }
0x243: {  	s21 =	simm.s32 $0x7;
	v14 =	vor.u32 s22, v4;
	v6 =	vld.idx.msk [tilespmem:v6+s15+$0x0], $0xffff  }
0x244: {  	v20 =	vmul.f32 v9, v7;
	v9 =	vld.idx.msk [tilespmem:v11+s16+$0x0], $0xffff;
	v10 =	vadd.f32 v12, v10;
	v12 =	vor.u32 s21, v3  }
0x245: {  	s22 =	simm.s32 $0x8;
	v7 =	vld.idx.msk [tilespmem:v16+s15+$0x0], $0xffff;
	v11 =	vor.u32 s21, v4  }
0x246: {  	s20 =	simm.s32 $0xF;
	v13 =	vor.u32 s22, v3;
	v17 =	vmul.f32 v18, v17;
	s21 =	simm.s32 $0x17;
	v16 =	vadd.f32 v20, v10;
	v10 =	vld.idx.msk [tilespmem:v19+s16+$0x0], $0xffff  }
.LBB2_31:
0x247: {  	p0 =	sne.s32 s21, $0x3F;
	v18 =	vor.u32 s22, v4;
	s22 =	sadd.s32 $0xFFFFFFFA, s20;
	v15 =	vld.idx.msk [tilespmem:v15+s15+$0x0], $0xffff  }
0x248: {  	v6 =	vmul.f32 v8, v6;
	v19 =	vor.u32 s22, v3;
	v16 =	vadd.f32 v17, v16;
	v8 =	vld.idx.msk [tilespmem:v14+s16+$0x0], $0xffff  }
0x249: {  	v14 =	vor.u32 s22, v4;
	s22 =	sadd.s32 $0xFFFFFFFB, s20;
	v12 =	vld.idx.msk [tilespmem:v12+s15+$0x0], $0xffff  }
0x24a: {  	v17 =	vor.u32 s22, v3;
	v5 =	vmul.f32 v9, v5;
	v6 =	vadd.f32 v6, v16;
	v9 =	vld.idx.msk [tilespmem:v11+s16+$0x0], $0xffff  }
0x24b: {  	v11 =	vld.idx.msk [tilespmem:v13+s15+$0x0], $0xffff;
	v13 =	vor.u32 s22, v4;
	s22 =	sadd.s32 $0xFFFFFFFC, s20  }
0x24c: {  	v16 =	vld.idx.msk [tilespmem:v18+s16+$0x0], $0xffff;
	v18 =	vor.u32 s22, v3;
	v5 =	vadd.f32 v5, v6;
	v6 =	vmul.f32 v10, v7  }
0x24d: {  	v10 =	vor.u32 s22, v4;
	s22 =	sadd.s32 $0xFFFFFFFD, s20;
	v7 =	vld.idx.msk [tilespmem:v19+s15+$0x0], $0xffff  }
0x24e: {  	v19 =	vld.idx.msk [tilespmem:v14+s16+$0x0], $0xffff;
	v14 =	vor.u32 s22, v3;
	v5 =	vadd.f32 v6, v5;
	v6 =	vmul.f32 v8, v15  }
0x24f: {  	v20 =	vor.u32 s22, v4;
	s22 =	sadd.s32 $0xFFFFFFFE, s20;
	v17 =	vld.idx.msk [tilespmem:v17+s15+$0x0], $0xffff  }
0x250: {  	v9 =	vmul.f32 v9, v12;
	v21 =	vld.idx.msk [tilespmem:v13+s16+$0x0], $0xffff;
	v13 =	vor.u32 s22, v3;
	v5 =	vadd.f32 v6, v5  }
0x251: {  	v6 =	vld.idx.msk [tilespmem:v18+s15+$0x0], $0xffff;
	v18 =	vor.u32 s22, v4;
	s22 =	sadd.s32 $0xFFFFFFFF, s20  }
.Ltmp14:
0x252: {  	v11 =	vmul.f32 v16, v11;
	v8 =	vld.idx.msk [tilespmem:v10+s16+$0x0], $0xffff;
	v15 =	vor.u32 s22, v3;
	v9 =	vadd.f32 v9, v5;
	(pc) =	sbr.rel @p0 .LBB2_31-.Ltmp14, $4  }
0x253: {  	v5 =	vld.idx.msk [tilespmem:v14+s15+$0x0], $0xffff;
	v14 =	vor.u32 s22, v4  }
0x254: {  	v12 =	vor.u32 s20, v3;
	v16 =	vmul.f32 v19, v7;
	v10 =	vadd.f32 v11, v9;
	v9 =	vld.idx.msk [tilespmem:v20+s16+$0x0], $0xffff  }
0x255: {  	s22 =	sadd.s32 $0xFFFFFFF9, s21;
	v11 =	vor.u32 s20, v4;
	s20 =	smov.u32 s21;
	v7 =	vld.idx.msk [tilespmem:v13+s15+$0x0], $0xffff  }
0x256: {  	s21 =	sadd.s32 $0x8, s21;
	v13 =	vor.u32 s22, v3;
	v17 =	vmul.f32 v21, v17;
	v16 =	vadd.f32 v16, v10;
	v10 =	vld.idx.msk [tilespmem:v18+s16+$0x0], $0xffff  }
0x257: {  	_ =	sdelay $0x3  }
0x258: {  	v18 =	vor.u32 s22, v4;
	s21 =	sadd.s32 $0xFFFFFFFA, s20;
	v15 =	vld.idx.msk [tilespmem:v15+s15+$0x0], $0xffff;
	v6 =	vmul.f32 v8, v6;
	v16 =	vadd.f32 v17, v16  }
0x259: {  	v14 =	vld.idx.msk [tilespmem:v14+s16+$0x0], $0xffff;
	v35 =	vor.u32 s21, v3  }
0x25a: {  	s22 =	sadd.s32 $0xFFFFFFFB, s20;
	v12 =	vld.idx.msk [tilespmem:v12+s15+$0x0], $0xffff;
	v36 =	vor.u32 s21, v4;
	v5 =	vmul.f32 v9, v5;
	v6 =	vadd.f32 v6, v16  }
0x25b: {  	v11 =	vld.idx.msk [tilespmem:v11+s16+$0x0], $0xffff;
	v37 =	vor.u32 s22, v3  }
0x25c: {  	v13 =	vld.idx.msk [tilespmem:v13+s15+$0x0], $0xffff;
	v38 =	vor.u32 s22, v4;
	s22 =	sadd.s32 $0xFFFFFFFC, s20;
	v39 =	vmul.f32 v10, v7;
	v5 =	vadd.f32 v5, v6  }
0x25d: {  	v41 =	vor.u32 s22, v3;
	v40 =	vld.idx.msk [tilespmem:v18+s16+$0x0], $0xffff  }
0x25e: {  	v42 =	vor.u32 s22, v4;
	s22 =	sadd.s32 $0xFFFFFFFD, s20;
	v43 =	vmul.f32 v14, v15;
	v8 =	vld.idx.msk [tilespmem:v35+s15+$0x0], $0xffff;
	v5 =	vadd.f32 v39, v5  }
0x25f: {  	v45 =	vor.u32 s22, v3;
	v44 =	vld.idx.msk [tilespmem:v36+s16+$0x0], $0xffff  }
0x260: {  	v46 =	vor.u32 s22, v4;
	s22 =	sadd.s32 $0xFFFFFFFE, s20;
	v47 =	vmul.f32 v11, v12;
	v9 =	vld.idx.msk [tilespmem:v37+s15+$0x0], $0xffff;
	v5 =	vadd.f32 v43, v5  }
0x261: {  	v49 =	vor.u32 s22, v3;
	v48 =	vld.idx.msk [tilespmem:v38+s16+$0x0], $0xffff  }
0x262: {  	v50 =	vor.u32 s22, v4;
	s22 =	sadd.s32 $0xFFFFFFFF, s20;
	v10 =	vld.idx.msk [tilespmem:v41+s15+$0x0], $0xffff;
	v7 =	vmul.f32 v40, v13;
	v5 =	vadd.f32 v47, v5  }
0x263: {  	v52 =	vor.u32 s22, v3;
	v51 =	vld.idx.msk [tilespmem:v42+s16+$0x0], $0xffff  }
0x264: {  	v53 =	vor.u32 s22, v4;
	v15 =	vld.idx.msk [tilespmem:v45+s15+$0x0], $0xffff;
	v54 =	vmul.f32 v44, v8;
	v5 =	vadd.f32 v7, v5  }
0x265: {  	v56 =	vor.u32 s20, v4;
	v55 =	vld.idx.msk [tilespmem:v46+s16+$0x0], $0xffff  }
0x266: {  	v3 =	vor.u32 s20, v3;
	v12 =	vld.idx.msk [tilespmem:v49+s15+$0x0], $0xffff;
	v57 =	vmul.f32 v48, v9;
	v5 =	vadd.f32 v54, v5  }
0x267: {  	v58 =	vld.idx.msk [tilespmem:v50+s16+$0x0], $0xffff  }
0x268: {  	v59 =	vld.idx.msk [tilespmem:v52+s15+$0x0], $0xffff;
	v6 =	vmul.f32 v51, v10;
	v5 =	vadd.f32 v57, v5  }
0x269: {  	v60 =	vld.idx.msk [tilespmem:v53+s16+$0x0], $0xffff  }
0x26a: {  	v4 =	vld.idx.msk [tilespmem:v56+s16+$0x0], $0xffff;
	v61 =	vmul.f32 v55, v15;
	v5 =	vadd.f32 v6, v5  }
0x26b: {  	v3 =	vld.idx.msk [tilespmem:v3+s15+$0x0], $0xffff  }
0x26c: {  	v62 =	vmul.f32 v58, v12;
	v5 =	vadd.f32 v61, v5;
	_ =	sdelay $0x1  }
0x26d: {  	s19 =	sadd.s32 $0x1, s19;
	v63 =	vmul.f32 v60, v59;
	v5 =	vadd.f32 v62, v5  }
0x26e: {  	p0 =	sne.s32 s19, $0x4  }
.Ltmp15:
0x26f: {  	v3 =	vmul.f32 v4, v3;
	v5 =	vadd.f32 v63, v5;
	(pc) =	sbr.rel @p0 .LBB2_30-.Ltmp15, $3  }
0x270: {  	_ = 	snop  }
0x271: {  	v3 =	vadd.f32 v3, v5;
	_ =	sdelay $0x1  }
0x272: {  	[tilespmem:v2+s18+$0x0] =	vst.idx.msk $0xffff, v3  }
0x273: {  	s1 =	sadd.s32 $0x1, s1  }
0x274: {  	p0 =	sne.s32 s1, s9  }
.Ltmp16:
0x275: {  	_ = 	snop;
	(pc) =	sbr.rel @p0 .LBB2_1-.Ltmp16, $4  }
0x276: {  	[hbm4b:s8+s2] =	stream.linear.scatter [tilespmem:s18], [sflag:$0x2], $0x200, $0x38;
	[tilespmem:$0x4A00] =	vst v63  }
0x277: {  	_ =	swait.ge [sflag:s10], $0x200  }
0x278: {  	[sflag:s10] =	ssyncset.done $0x0  }
0x279: {  	[sflag:s10] =	ssyncadd.s32 $0xFFFFFE00  }
0x27a: {  	_ =	sfence.sel $0x180000  }
0x27b: {  	[bflag:$0x0] =	sbarrier.arrive $0xFFFF  }
0x27c: {  	_ =	strace $0x9000004A  }
0x27d: {  	s0 =	stileid.u32;
	[bflag:$0x2] =	sbarrier.arrive $0xFFFF  }
0x27e: {  	p0 =	sne.s32 s0, $0x0;
	s0 =	rddreg [dreg:$0x4]  }
0x27f: {  	s0 =	sadd.s32 @!p0 $0x100000, s0  }
0x280: {  	[sflag:s0] =	ssyncadd.tile.s32 @!p0 $0x1;
	_ =	shalt  }
.Lfunc_end2:
_tile_overlayer_lowered:
.L_overlay_start_2:
0x281: {  	(tag) =	ssettag $0x2  }
0x282: {  	s0 =	rddreg [dreg:$0x0];
	s2 =	stileid.u32  }
0x283: {  	s1 =	rddreg [dreg:$0x1];
	p0 =	sne.s32 s2, $0x0  }
0x284: {  	s3 =	rddreg [dreg:$0x2];
	[bflag:$0x3] =	sbarrier.arrive $0xFFFF;
	s2 =	simm.s32 @!p0 $0x1C02  }
0x285: {  	[timem:s3], [sflag:s2] =	dma.local @!p0 [hbm:s0], s1  }
0x286: {  	s0 =	simm.s32 @!p0 $0x2  }
0x287: {  	_ =	swait.ge @!p0 [sflag:s0], s1  }
0x288: {  	s1 =	ssub.s32 @!p0 $0x0, s1;
	[sflag:s0] =	ssyncset.done @!p0 $0x0  }
0x289: {  	[sflag:s0] =	ssyncadd.s32 @!p0 s1  }
0x28a: {  	[bflag:$0x3] =	sbarrier.arrive $0xFFFF  }
0x28b: {  	_ =	shalt  }

</sc_bundles>
